<compile_context>
chip_gen: v7x
topology: tpu7x:2x2x1
jax: 0.10.2.dev20260603
libtpu: 0.0.44.dev20260713+nightly
codegen_flags: <defaults>
</compile_context>

<pallas_src>
import functools

import jax
import jax.numpy as jnp
from jax import lax
from jax.experimental import pallas as pl
from jax.experimental.pallas import tpu as pltpu
from jax.experimental.pallas import tpu_sc as plsc

B = 16384
D = 64
N_SPARSE = 8192
NC = 2
NS = 16
NW = NC * NS
ROWS_PER_W = B // NW
NVEC = N_SPARSE // 16


def _mesh():
    return plsc.VectorSubcoreMesh(core_axis_name="c", subcore_axis_name="s",
                                  num_cores=NC, num_subcores=NS)


def _sc_scan(sf_index, sf_value):

    @functools.partial(
        pl.kernel,
        out_type=jax.ShapeDtypeStruct((B,), jnp.int32),
        mesh=_mesh(),
        scratch_types=[
            pltpu.VMEM((N_SPARSE,), jnp.int32),
            pltpu.VMEM((N_SPARSE,), jnp.int32),
            pltpu.VMEM((4, 128), jnp.int32),
            pltpu.VMEM((32,), jnp.int32),
        ],
        compiler_params=pltpu.CompilerParams(needs_layout_passes=False,
                                             use_tc_tiling_on_sc=False),
    )
    def k(sfi_hbm, sfv_hbm, sv_out, sfi, sfv, sval, scr):
        wid = lax.axis_index("c") * NS + lax.axis_index("s")
        iota = lax.iota(jnp.int32, 16)
        iota1 = iota + 1

        pltpu.sync_copy(sfi_hbm, sfi)
        pltpu.sync_copy(sfv_hbm, sfv)

        neg1 = jnp.full((16,), -1, jnp.int32)
        for j in range(4):
            for g in range(8):
                sval[j, pl.ds(16 * g, 16)] = neg1
        scr[pl.ds(16, 16)] = neg1

        UNROLL = 8

        def scan_body(u, carry):
            for s in range(UNROLL):
                v = u * UNROLL + s
                b16 = sfi[pl.ds(16 * v, 16)]
                key = (b16 << 13) | (iota + 16 * v)
                key_s = jnp.sort(key)
                scr[pl.ds(0, 16)] = key_s
                nxt = plsc.load_gather(scr, [iota1])
                b_s = key_s >> 13
                i_s = key_s & (N_SPARSE - 1)
                winner = (b_s != (nxt >> 13)) & ((b_s >> 9) == wid)
                sval_s = plsc.load_gather(sfv, [i_s])
                bl = b_s & (ROWS_PER_W - 1)
                plsc.store_scatter(sval, [bl >> 7, bl & 127],
                                   sval_s, mask=winner)
            return carry

        lax.fori_loop(0, NVEC // UNROLL, scan_body, 0)

        for j in range(4):
            pltpu.sync_copy(sval.at[j],
                            sv_out.at[pl.ds(wid * ROWS_PER_W + 128 * j, 128)])

    return k(sf_index, sf_value)


def _sc_row_fetch(idx, table, skip_negative):

    @functools.partial(
        pl.kernel,
        out_type=jax.ShapeDtypeStruct((B, D), jnp.float32),
        mesh=_mesh(),
        scratch_types=[
            pltpu.VMEM((ROWS_PER_W,), jnp.int32),
            pltpu.VMEM((ROWS_PER_W, D), jnp.float32),
            pltpu.SemaphoreType.DMA,
        ],
        compiler_params=pltpu.CompilerParams(needs_layout_passes=False,
                                             use_tc_tiling_on_sc=True),
    )
    def k(idx_hbm, tab_hbm, out_hbm, idx_v, rows, sem):
        wid = lax.axis_index("c") * NS + lax.axis_index("s")
        base = wid * ROWS_PER_W

        pltpu.sync_copy(idx_hbm.at[pl.ds(base, ROWS_PER_W)], idx_v)

        if skip_negative:
            zero16 = jnp.zeros((16,), jnp.float32)

            def zero_body(r, carry):
                for c in range(D // 16):
                    rows[r, pl.ds(16 * c, 16)] = zero16
                return carry

            lax.fori_loop(0, ROWS_PER_W, zero_body, 0)

        def fire_body(g, carry):
            v16 = idx_v[pl.ds(16 * g, 16)]
            for l in range(16):
                v = v16[l]
                r = 16 * g + l
                if skip_negative:
                    @pl.when(v >= 0)
                    def _(v=v, r=r):
                        pltpu.async_copy(tab_hbm.at[pl.ds(v, 1)],
                                         rows.at[pl.ds(r, 1)], sem)
                else:
                    pltpu.async_copy(tab_hbm.at[pl.ds(v, 1)],
                                     rows.at[pl.ds(r, 1)], sem)
            return carry

        lax.fori_loop(0, ROWS_PER_W // 16, fire_body, 0)

        if skip_negative:
            def drain_body(g, carry):
                v16 = idx_v[pl.ds(16 * g, 16)]
                for l in range(16):
                    v = v16[l]
                    r = 16 * g + l

                    @pl.when(v >= 0)
                    def _(r=r):
                        pltpu.make_async_copy(tab_hbm.at[pl.ds(0, 1)],
                                              rows.at[pl.ds(r, 1)],
                                              sem).wait()
                return carry

            lax.fori_loop(0, ROWS_PER_W // 16, drain_body, 0)
        else:
            pltpu.make_async_copy(tab_hbm.at[pl.ds(0, ROWS_PER_W)],
                                  rows, sem).wait()

        pltpu.sync_copy(rows, out_hbm.at[pl.ds(base, ROWS_PER_W)])

    return k(idx, table)


BLK = 2048


def _mm_body(fe_ref, se_ref, w1_ref, w2_ref, b_ref, o_ref):
    acc = lax.dot_general(w1_ref[...], fe_ref[...], (((0,), (1,)), ((), ())),
                          preferred_element_type=jnp.float32)
    acc = acc + lax.dot_general(w2_ref[...], se_ref[...],
                                (((0,), (1,)), ((), ())),
                                preferred_element_type=jnp.float32)
    o_ref[...] = acc + b_ref[...]


def _tc_matmul(fe, se, W, b):
    grid = (B // BLK,)
    outT = pl.pallas_call(
        _mm_body,
        grid=grid,
        in_specs=[
            pl.BlockSpec((BLK, D), lambda i: (i, 0)),
            pl.BlockSpec((BLK, D), lambda i: (i, 0)),
            pl.BlockSpec((D, D), lambda i: (0, 0)),
            pl.BlockSpec((D, D), lambda i: (0, 0)),
            pl.BlockSpec((D, 1), lambda i: (0, 0)),
        ],
        out_specs=pl.BlockSpec((D, BLK), lambda i: (0, i)),
        out_shape=jax.ShapeDtypeStruct((D, B), jnp.float32),
    )(fe, se, W[:D], W[D:], b.reshape(D, 1))
    return outT.T


def kernel(fixed_features, sf_index, sf_value, fixed_table, sparse_table, W, b):
    sv = _sc_scan(sf_index.astype(jnp.int32), sf_value.astype(jnp.int32))
    fe = _sc_row_fetch(fixed_features.astype(jnp.int32), fixed_table,
                       skip_negative=False)
    se = _sc_row_fetch(sv, sparse_table, skip_negative=True)
    return _tc_matmul(fe, se, W, b)

# --- scband reference (transcript-rebuilt; emitter-appended) ---
"""Pipeline reference for scband-dense-sparse-pre-embedding-87608742904287 (READ-ONLY COPY).

The authoritative reference and input builder live on the scoring server;
editing this copy changes nothing except your own understanding.
"""

import jax, jax.numpy as jnp
import numpy as np

B = 16384
FIXED_VOCAB = 1000000
SPARSE_VOCAB = 100000
D_FIXED = 64
D_SPARSE = 64
D_OUT = 64
N_SPARSE = 8192


def setup_inputs(seed: int = 0) -> dict:
    key = jax.random.key(seed)
    ks = jax.random.split(key, 8)
    return {
        "fixed_features": jax.random.randint(ks[0], (B,), 0, FIXED_VOCAB, dtype=jnp.int64 if jax.config.jax_enable_x64 else jnp.int32),
        "sf_index": jax.random.randint(ks[1], (N_SPARSE,), 0, B, dtype=jnp.int64 if jax.config.jax_enable_x64 else jnp.int32),
        "sf_value": jax.random.randint(ks[2], (N_SPARSE,), 0, SPARSE_VOCAB, dtype=jnp.int64 if jax.config.jax_enable_x64 else jnp.int32),
        "fixed_table": jax.random.normal(ks[3], (FIXED_VOCAB, D_FIXED), dtype=jnp.float32) * 0.02,
        "sparse_table": jax.random.normal(ks[4], (SPARSE_VOCAB, D_SPARSE), dtype=jnp.float32) * 0.02,
        "W": jax.random.normal(ks[5], (D_FIXED + D_SPARSE, D_OUT), dtype=jnp.float32) * 0.02,
        "b": jnp.zeros((D_OUT,), dtype=jnp.float32),
    }


def reference(fixed_features, sf_index, sf_value, fixed_table, sparse_table, W, b):
    # fixed (dense) pre-embedding lookup: nn.Embedding
    fixed_embeddings = jnp.take(fixed_table, fixed_features, axis=0)  # [B, D_FIXED]
    # sparse pre-embeddings start at zero (fixed_embeddings.new_zeros)
    sparse_embeddings = jnp.zeros((fixed_embeddings.shape[0], D_SPARSE), dtype=fixed_embeddings.dtype)
    # single sparse feature type: embedding_network(sf.value) scattered (overwrite) at sf.index
    vals = jnp.take(sparse_table, sf_value, axis=0)  # [N_SPARSE, D_SPARSE]
    sparse_embeddings = sparse_embeddings.at[sf_index].set(vals)
    # ConcatenateLinear(fixed_dim, sparse_dim, out_dim): concat then linear
    cat = jnp.concatenate([fixed_embeddings, sparse_embeddings], axis=-1)  # [B, D_FIXED + D_SPARSE]
    return cat @ W + b

if __name__ == "__main__":
    import jax
    _d = setup_inputs()
    print(jax.jit(kernel)(*tuple(_d.values())))

</pallas_src>

<mosaic_0001>
#map = affine_map<(d0, d1) -> (0)>
#map1 = affine_map<(d0, d1) -> (0, 0)>
module attributes {stable_mosaic.version = 14 : i64} {
  func.func @k(%arg0: i32, %arg1: i32, %arg2: memref<16384xi32, #tpu.memory_space<hbm>>, %arg3: memref<1000000x64xf32, #tpu.memory_space<hbm>>, %arg4: memref<16384x64xf32, #tpu.memory_space<hbm>>, %arg5: memref<512xi32, #tpu.memory_space<vmem>>, %arg6: memref<512x64xf32, #tpu.memory_space<vmem>>, %arg7: memref<!tpu.dma_semaphore, #tpu.memory_space<semaphore_mem>>) attributes {dimension_semantics = [#tpu.dimension_semantics<core_parallel>, #tpu.dimension_semantics<subcore_parallel>], iteration_bounds = array<i64: 2, 16>, scalar_prefetch = 0 : i64, scratch_operands = 3 : i64, tpu.core_type = #tpu.core_type<sc_vector_subcore>, window_params = [{transform_indices = #map}, {transform_indices = #map1}, {transform_indices = #map1}]} {
    %mul3A = arith.constant 16 : i32
    %mul3A_0 = arith.muli %arg0, %mul3A : i32
    %add3A = arith.addi %mul3A_0, %arg1 : i32
    %mul3A_1 = arith.constant 512 : i32
    %mul3A_2 = arith.muli %add3A, %mul3A_1 : i32
    "tpu.region"() ({
      %run_scoped3A = tpu.sem_alloc : memref<!tpu.dma_semaphore, #tpu.memory_space<semaphore_mem>>
      %dma_start3A = tpu.memref_slice %arg2[%mul3A_2] : memref<16384xi32, #tpu.memory_space<hbm>> -> memref<512xi32, #tpu.memory_space<hbm>>
      %dma_start3A_13 = tpu.memref_slice %arg2[%mul3A_2] : memref<16384xi32, #tpu.memory_space<hbm>> -> memref<512xi32, #tpu.memory_space<hbm>>
      tpu.enqueue_dma source(%dma_start3A_13 : memref<512xi32, #tpu.memory_space<hbm>>) target(%arg5 : memref<512xi32, #tpu.memory_space<vmem>>) target_semaphore(%run_scoped3A : memref<!tpu.dma_semaphore, #tpu.memory_space<semaphore_mem>>)
      %dma_wait3A_14 = tpu.memref_slice %arg2[%mul3A_2] : memref<16384xi32, #tpu.memory_space<hbm>> -> memref<512xi32, #tpu.memory_space<hbm>>
      %dma_wait3A_15 = tpu.memref_slice %arg2[%mul3A_2] : memref<16384xi32, #tpu.memory_space<hbm>> -> memref<512xi32, #tpu.memory_space<hbm>>
      tpu.wait_dma2 semaphore(%run_scoped3A : memref<!tpu.dma_semaphore, #tpu.memory_space<semaphore_mem>>) src(%dma_wait3A_15 : memref<512xi32, #tpu.memory_space<hbm>>) dst(%arg5 : memref<512xi32, #tpu.memory_space<vmem>>)
      tpu.yield
    }) : () -> ()
    %scan3A = arith.constant 0 : i32
    %scan3A_3 = arith.constant 0 : i32
    %scan3A_4 = arith.constant 32 : i32
    %scan3A_5 = arith.addi %scan3A_3, %scan3A_4 : i32
    %scan3A_6 = arith.constant 1 : i32
    scf.for %scan3A_13 = %scan3A_3 to %scan3A_5 step %scan3A_6  : i32 {
      %mul3A_14 = arith.constant 16 : i32
      %mul3A_15 = arith.muli %mul3A_14, %scan3A_13 : i32
      %get3A = arith.index_cast %mul3A_15 : i32 to index
      %get3A_16 = tpu.vector_load %arg5[%get3A] {strides = array<i32>} : memref<512xi32, #tpu.memory_space<vmem>>, vector<16xi32>,
      %slice3A = vector.extract_strided_slice %get3A_16 {offsets = [0], sizes = [1], strides = [1]} : vector<16xi32> to vector<1xi32>
      %squeeze3A = vector.extract %slice3A[0] : i32 from vector<1xi32>
      %mul3A_17 = arith.constant 16 : i32
      %mul3A_18 = arith.muli %mul3A_17, %scan3A_13 : i32
      %add3A_19 = arith.constant 0 : i32
      %add3A_20 = arith.addi %mul3A_18, %add3A_19 : i32
      %dma_start3A = arith.constant 0 : i32
      %dma_start3A_21 = tpu.memref_slice %arg6[%add3A_20, %dma_start3A] : memref<512x64xf32, #tpu.memory_space<vmem>> -> memref<1x64xf32, #tpu.memory_space<vmem>>
      %dma_start3A_22 = arith.constant 0 : i32
      %dma_start3A_23 = tpu.memref_slice %arg3[%squeeze3A, %dma_start3A_22] : memref<1000000x64xf32, #tpu.memory_space<hbm>> -> memref<1x64xf32, #tpu.memory_space<hbm>>
      %dma_start3A_24 = arith.constant 0 : i32
      %dma_start3A_25 = tpu.memref_slice %arg6[%add3A_20, %dma_start3A_24] : memref<512x64xf32, #tpu.memory_space<vmem>> -> memref<1x64xf32, #tpu.memory_space<vmem>>
      %dma_start3A_26 = arith.constant 0 : i32
      %dma_start3A_27 = tpu.memref_slice %arg3[%squeeze3A, %dma_start3A_26] : memref<1000000x64xf32, #tpu.memory_space<hbm>> -> memref<1x64xf32, #tpu.memory_space<hbm>>
      tpu.enqueue_dma source(%dma_start3A_27 : memref<1x64xf32, #tpu.memory_space<hbm>>) target(%dma_start3A_25 : memref<1x64xf32, #tpu.memory_space<vmem>>) target_semaphore(%arg7 : memref<!tpu.dma_semaphore, #tpu.memory_space<semaphore_mem>>)
      %slice3A_28 = vector.extract_strided_slice %get3A_16 {offsets = [1], sizes = [1], strides = [1]} : vector<16xi32> to vector<1xi32>
      %squeeze3A_29 = vector.extract %slice3A_28[0] : i32 from vector<1xi32>
      %mul3A_30 = arith.constant 16 : i32
      %mul3A_31 = arith.muli %mul3A_30, %scan3A_13 : i32
      %add3A_32 = arith.constant 1 : i32
      %add3A_33 = arith.addi %mul3A_31, %add3A_32 : i32
      %dma_start3A_34 = arith.constant 0 : i32
      %dma_start3A_35 = tpu.memref_slice %arg6[%add3A_33, %dma_start3A_34] : memref<512x64xf32, #tpu.memory_space<vmem>> -> memref<1x64xf32, #tpu.memory_space<vmem>>
      %dma_start3A_36 = arith.constant 0 : i32
      %dma_start3A_37 = tpu.memref_slice %arg3[%squeeze3A_29, %dma_start3A_36] : memref<1000000x64xf32, #tpu.memory_space<hbm>> -> memref<1x64xf32, #tpu.memory_space<hbm>>
      %dma_start3A_38 = arith.constant 0 : i32
      %dma_start3A_39 = tpu.memref_slice %arg6[%add3A_33, %dma_start3A_38] : memref<512x64xf32, #tpu.memory_space<vmem>> -> memref<1x64xf32, #tpu.memory_space<vmem>>
      %dma_start3A_40 = arith.constant 0 : i32
      %dma_start3A_41 = tpu.memref_slice %arg3[%squeeze3A_29, %dma_start3A_40] : memref<1000000x64xf32, #tpu.memory_space<hbm>> -> memref<1x64xf32, #tpu.memory_space<hbm>>
      tpu.enqueue_dma source(%dma_start3A_41 : memref<1x64xf32, #tpu.memory_space<hbm>>) target(%dma_start3A_39 : memref<1x64xf32, #tpu.memory_space<vmem>>) target_semaphore(%arg7 : memref<!tpu.dma_semaphore, #tpu.memory_space<semaphore_mem>>)
      %slice3A_42 = vector.extract_strided_slice %get3A_16 {offsets = [2], sizes = [1], strides = [1]} : vector<16xi32> to vector<1xi32>
      %squeeze3A_43 = vector.extract %slice3A_42[0] : i32 from vector<1xi32>
      %mul3A_44 = arith.constant 16 : i32
      %mul3A_45 = arith.muli %mul3A_44, %scan3A_13 : i32
      %add3A_46 = arith.constant 2 : i32
      %add3A_47 = arith.addi %mul3A_45, %add3A_46 : i32
      %dma_start3A_48 = arith.constant 0 : i32
      %dma_start3A_49 = tpu.memref_slice %arg6[%add3A_47, %dma_start3A_48] : memref<512x64xf32, #tpu.memory_space<vmem>> -> memref<1x64xf32, #tpu.memory_space<vmem>>
      %dma_start3A_50 = arith.constant 0 : i32
      %dma_start3A_51 = tpu.memref_slice %arg3[%squeeze3A_43, %dma_start3A_50] : memref<1000000x64xf32, #tpu.memory_space<hbm>> -> memref<1x64xf32, #tpu.memory_space<hbm>>
      %dma_start3A_52 = arith.constant 0 : i32
      %dma_start3A_53 = tpu.memref_slice %arg6[%add3A_47, %dma_start3A_52] : memref<512x64xf32, #tpu.memory_space<vmem>> -> memref<1x64xf32, #tpu.memory_space<vmem>>
      %dma_start3A_54 = arith.constant 0 : i32
      %dma_start3A_55 = tpu.memref_slice %arg3[%squeeze3A_43, %dma_start3A_54] : memref<1000000x64xf32, #tpu.memory_space<hbm>> -> memref<1x64xf32, #tpu.memory_space<hbm>>
      tpu.enqueue_dma source(%dma_start3A_55 : memref<1x64xf32, #tpu.memory_space<hbm>>) target(%dma_start3A_53 : memref<1x64xf32, #tpu.memory_space<vmem>>) target_semaphore(%arg7 : memref<!tpu.dma_semaphore, #tpu.memory_space<semaphore_mem>>)
      %slice3A_56 = vector.extract_strided_slice %get3A_16 {offsets = [3], sizes = [1], strides = [1]} : vector<16xi32> to vector<1xi32>
      %squeeze3A_57 = vector.extract %slice3A_56[0] : i32 from vector<1xi32>
      %mul3A_58 = arith.constant 16 : i32
      %mul3A_59 = arith.muli %mul3A_58, %scan3A_13 : i32
      %add3A_60 = arith.constant 3 : i32
      %add3A_61 = arith.addi %mul3A_59, %add3A_60 : i32
      %dma_start3A_62 = arith.constant 0 : i32
      %dma_start3A_63 = tpu.memref_slice %arg6[%add3A_61, %dma_start3A_62] : memref<512x64xf32, #tpu.memory_space<vmem>> -> memref<1x64xf32, #tpu.memory_space<vmem>>
      %dma_start3A_64 = arith.constant 0 : i32
      %dma_start3A_65 = tpu.memref_slice %arg3[%squeeze3A_57, %dma_start3A_64] : memref<1000000x64xf32, #tpu.memory_space<hbm>> -> memref<1x64xf32, #tpu.memory_space<hbm>>
      %dma_start3A_66 = arith.constant 0 : i32
      %dma_start3A_67 = tpu.memref_slice %arg6[%add3A_61, %dma_start3A_66] : memref<512x64xf32, #tpu.memory_space<vmem>> -> memref<1x64xf32, #tpu.memory_space<vmem>>
      %dma_start3A_68 = arith.constant 0 : i32
      %dma_start3A_69 = tpu.memref_slice %arg3[%squeeze3A_57, %dma_start3A_68] : memref<1000000x64xf32, #tpu.memory_space<hbm>> -> memref<1x64xf32, #tpu.memory_space<hbm>>
      tpu.enqueue_dma source(%dma_start3A_69 : memref<1x64xf32, #tpu.memory_space<hbm>>) target(%dma_start3A_67 : memref<1x64xf32, #tpu.memory_space<vmem>>) target_semaphore(%arg7 : memref<!tpu.dma_semaphore, #tpu.memory_space<semaphore_mem>>)
      %slice3A_70 = vector.extract_strided_slice %get3A_16 {offsets = [4], sizes = [1], strides = [1]} : vector<16xi32> to vector<1xi32>
      %squeeze3A_71 = vector.extract %slice3A_70[0] : i32 from vector<1xi32>
      %mul3A_72 = arith.constant 16 : i32
      %mul3A_73 = arith.muli %mul3A_72, %scan3A_13 : i32
      %add3A_74 = arith.constant 4 : i32
      %add3A_75 = arith.addi %mul3A_73, %add3A_74 : i32
      %dma_start3A_76 = arith.constant 0 : i32
      %dma_start3A_77 = tpu.memref_slice %arg6[%add3A_75, %dma_start3A_76] : memref<512x64xf32, #tpu.memory_space<vmem>> -> memref<1x64xf32, #tpu.memory_space<vmem>>
      %dma_start3A_78 = arith.constant 0 : i32
      %dma_start3A_79 = tpu.memref_slice %arg3[%squeeze3A_71, %dma_start3A_78] : memref<1000000x64xf32, #tpu.memory_space<hbm>> -> memref<1x64xf32, #tpu.memory_space<hbm>>
      %dma_start3A_80 = arith.constant 0 : i32
      %dma_start3A_81 = tpu.memref_slice %arg6[%add3A_75, %dma_start3A_80] : memref<512x64xf32, #tpu.memory_space<vmem>> -> memref<1x64xf32, #tpu.memory_space<vmem>>
      %dma_start3A_82 = arith.constant 0 : i32
      %dma_start3A_83 = tpu.memref_slice %arg3[%squeeze3A_71, %dma_start3A_82] : memref<1000000x64xf32, #tpu.memory_space<hbm>> -> memref<1x64xf32, #tpu.memory_space<hbm>>
      tpu.enqueue_dma source(%dma_start3A_83 : memref<1x64xf32, #tpu.memory_space<hbm>>) target(%dma_start3A_81 : memref<1x64xf32, #tpu.memory_space<vmem>>) target_semaphore(%arg7 : memref<!tpu.dma_semaphore, #tpu.memory_space<semaphore_mem>>)
      %slice3A_84 = vector.extract_strided_slice %get3A_16 {offsets = [5], sizes = [1], strides = [1]} : vector<16xi32> to vector<1xi32>
      %squeeze3A_85 = vector.extract %slice3A_84[0] : i32 from vector<1xi32>
      %mul3A_86 = arith.constant 16 : i32
      %mul3A_87 = arith.muli %mul3A_86, %scan3A_13 : i32
      %add3A_88 = arith.constant 5 : i32
      %add3A_89 = arith.addi %mul3A_87, %add3A_88 : i32
      %dma_start3A_90 = arith.constant 0 : i32
      %dma_start3A_91 = tpu.memref_slice %arg6[%add3A_89, %dma_start3A_90] : memref<512x64xf32, #tpu.memory_space<vmem>> -> memref<1x64xf32, #tpu.memory_space<vmem>>
      %dma_start3A_92 = arith.constant 0 : i32
      %dma_start3A_93 = tpu.memref_slice %arg3[%squeeze3A_85, %dma_start3A_92] : memref<1000000x64xf32, #tpu.memory_space<hbm>> -> memref<1x64xf32, #tpu.memory_space<hbm>>
      %dma_start3A_94 = arith.constant 0 : i32
      %dma_start3A_95 = tpu.memref_slice %arg6[%add3A_89, %dma_start3A_94] : memref<512x64xf32, #tpu.memory_space<vmem>> -> memref<1x64xf32, #tpu.memory_space<vmem>>
      %dma_start3A_96 = arith.constant 0 : i32
      %dma_start3A_97 = tpu.memref_slice %arg3[%squeeze3A_85, %dma_start3A_96] : memref<1000000x64xf32, #tpu.memory_space<hbm>> -> memref<1x64xf32, #tpu.memory_space<hbm>>
      tpu.enqueue_dma source(%dma_start3A_97 : memref<1x64xf32, #tpu.memory_space<hbm>>) target(%dma_start3A_95 : memref<1x64xf32, #tpu.memory_space<vmem>>) target_semaphore(%arg7 : memref<!tpu.dma_semaphore, #tpu.memory_space<semaphore_mem>>)
      %slice3A_98 = vector.extract_strided_slice %get3A_16 {offsets = [6], sizes = [1], strides = [1]} : vector<16xi32> to vector<1xi32>
      %squeeze3A_99 = vector.extract %slice3A_98[0] : i32 from vector<1xi32>
      %mul3A_100 = arith.constant 16 : i32
      %mul3A_101 = arith.muli %mul3A_100, %scan3A_13 : i32
      %add3A_102 = arith.constant 6 : i32
      %add3A_103 = arith.addi %mul3A_101, %add3A_102 : i32
      %dma_start3A_104 = arith.constant 0 : i32
      %dma_start3A_105 = tpu.memref_slice %arg6[%add3A_103, %dma_start3A_104] : memref<512x64xf32, #tpu.memory_space<vmem>> -> memref<1x64xf32, #tpu.memory_space<vmem>>
      %dma_start3A_106 = arith.constant 0 : i32
      %dma_start3A_107 = tpu.memref_slice %arg3[%squeeze3A_99, %dma_start3A_106] : memref<1000000x64xf32, #tpu.memory_space<hbm>> -> memref<1x64xf32, #tpu.memory_space<hbm>>
      %dma_start3A_108 = arith.constant 0 : i32
      %dma_start3A_109 = tpu.memref_slice %arg6[%add3A_103, %dma_start3A_108] : memref<512x64xf32, #tpu.memory_space<vmem>> -> memref<1x64xf32, #tpu.memory_space<vmem>>
      %dma_start3A_110 = arith.constant 0 : i32
      %dma_start3A_111 = tpu.memref_slice %arg3[%squeeze3A_99, %dma_start3A_110] : memref<1000000x64xf32, #tpu.memory_space<hbm>> -> memref<1x64xf32, #tpu.memory_space<hbm>>
      tpu.enqueue_dma source(%dma_start3A_111 : memref<1x64xf32, #tpu.memory_space<hbm>>) target(%dma_start3A_109 : memref<1x64xf32, #tpu.memory_space<vmem>>) target_semaphore(%arg7 : memref<!tpu.dma_semaphore, #tpu.memory_space<semaphore_mem>>)
      %slice3A_112 = vector.extract_strided_slice %get3A_16 {offsets = [7], sizes = [1], strides = [1]} : vector<16xi32> to vector<1xi32>
      %squeeze3A_113 = vector.extract %slice3A_112[0] : i32 from vector<1xi32>
      %mul3A_114 = arith.constant 16 : i32
      %mul3A_115 = arith.muli %mul3A_114, %scan3A_13 : i32
      %add3A_116 = arith.constant 7 : i32
      %add3A_117 = arith.addi %mul3A_115, %add3A_116 : i32
      %dma_start3A_118 = arith.constant 0 : i32
      %dma_start3A_119 = tpu.memref_slice %arg6[%add3A_117, %dma_start3A_118] : memref<512x64xf32, #tpu.memory_space<vmem>> -> memref<1x64xf32, #tpu.memory_space<vmem>>
      %dma_start3A_120 = arith.constant 0 : i32
      %dma_start3A_121 = tpu.memref_slice %arg3[%squeeze3A_113, %dma_start3A_120] : memref<1000000x64xf32, #tpu.memory_space<hbm>> -> memref<1x64xf32, #tpu.memory_space<hbm>>
      %dma_start3A_122 = arith.constant 0 : i32
      %dma_start3A_123 = tpu.memref_slice %arg6[%add3A_117, %dma_start3A_122] : memref<512x64xf32, #tpu.memory_space<vmem>> -> memref<1x64xf32, #tpu.memory_space<vmem>>
      %dma_start3A_124 = arith.constant 0 : i32
      %dma_start3A_125 = tpu.memref_slice %arg3[%squeeze3A_113, %dma_start3A_124] : memref<1000000x64xf32, #tpu.memory_space<hbm>> -> memref<1x64xf32, #tpu.memory_space<hbm>>
      tpu.enqueue_dma source(%dma_start3A_125 : memref<1x64xf32, #tpu.memory_space<hbm>>) target(%dma_start3A_123 : memref<1x64xf32, #tpu.memory_space<vmem>>) target_semaphore(%arg7 : memref<!tpu.dma_semaphore, #tpu.memory_space<semaphore_mem>>)
      %slice3A_126 = vector.extract_strided_slice %get3A_16 {offsets = [8], sizes = [1], strides = [1]} : vector<16xi32> to vector<1xi32>
      %squeeze3A_127 = vector.extract %slice3A_126[0] : i32 from vector<1xi32>
      %mul3A_128 = arith.constant 16 : i32
      %mul3A_129 = arith.muli %mul3A_128, %scan3A_13 : i32
      %add3A_130 = arith.constant 8 : i32
      %add3A_131 = arith.addi %mul3A_129, %add3A_130 : i32
      %dma_start3A_132 = arith.constant 0 : i32
      %dma_start3A_133 = tpu.memref_slice %arg6[%add3A_131, %dma_start3A_132] : memref<512x64xf32, #tpu.memory_space<vmem>> -> memref<1x64xf32, #tpu.memory_space<vmem>>
      %dma_start3A_134 = arith.constant 0 : i32
      %dma_start3A_135 = tpu.memref_slice %arg3[%squeeze3A_127, %dma_start3A_134] : memref<1000000x64xf32, #tpu.memory_space<hbm>> -> memref<1x64xf32, #tpu.memory_space<hbm>>
      %dma_start3A_136 = arith.constant 0 : i32
      %dma_start3A_137 = tpu.memref_slice %arg6[%add3A_131, %dma_start3A_136] : memref<512x64xf32, #tpu.memory_space<vmem>> -> memref<1x64xf32, #tpu.memory_space<vmem>>
      %dma_start3A_138 = arith.constant 0 : i32
      %dma_start3A_139 = tpu.memref_slice %arg3[%squeeze3A_127, %dma_start3A_138] : memref<1000000x64xf32, #tpu.memory_space<hbm>> -> memref<1x64xf32, #tpu.memory_space<hbm>>
      tpu.enqueue_dma source(%dma_start3A_139 : memref<1x64xf32, #tpu.memory_space<hbm>>) target(%dma_start3A_137 : memref<1x64xf32, #tpu.memory_space<vmem>>) target_semaphore(%arg7 : memref<!tpu.dma_semaphore, #tpu.memory_space<semaphore_mem>>)
      %slice3A_140 = vector.extract_strided_slice %get3A_16 {offsets = [9], sizes = [1], strides = [1]} : vector<16xi32> to vector<1xi32>
      %squeeze3A_141 = vector.extract %slice3A_140[0] : i32 from vector<1xi32>
      %mul3A_142 = arith.constant 16 : i32
      %mul3A_143 = arith.muli %mul3A_142, %scan3A_13 : i32
      %add3A_144 = arith.constant 9 : i32
      %add3A_145 = arith.addi %mul3A_143, %add3A_144 : i32
      %dma_start3A_146 = arith.constant 0 : i32
      %dma_start3A_147 = tpu.memref_slice %arg6[%add3A_145, %dma_start3A_146] : memref<512x64xf32, #tpu.memory_space<vmem>> -> memref<1x64xf32, #tpu.memory_space<vmem>>
      %dma_start3A_148 = arith.constant 0 : i32
      %dma_start3A_149 = tpu.memref_slice %arg3[%squeeze3A_141, %dma_start3A_148] : memref<1000000x64xf32, #tpu.memory_space<hbm>> -> memref<1x64xf32, #tpu.memory_space<hbm>>
      %dma_start3A_150 = arith.constant 0 : i32
      %dma_start3A_151 = tpu.memref_slice %arg6[%add3A_145, %dma_start3A_150] : memref<512x64xf32, #tpu.memory_space<vmem>> -> memref<1x64xf32, #tpu.memory_space<vmem>>
      %dma_start3A_152 = arith.constant 0 : i32
      %dma_start3A_153 = tpu.memref_slice %arg3[%squeeze3A_141, %dma_start3A_152] : memref<1000000x64xf32, #tpu.memory_space<hbm>> -> memref<1x64xf32, #tpu.memory_space<hbm>>
      tpu.enqueue_dma source(%dma_start3A_153 : memref<1x64xf32, #tpu.memory_space<hbm>>) target(%dma_start3A_151 : memref<1x64xf32, #tpu.memory_space<vmem>>) target_semaphore(%arg7 : memref<!tpu.dma_semaphore, #tpu.memory_space<semaphore_mem>>)
      %slice3A_154 = vector.extract_strided_slice %get3A_16 {offsets = [10], sizes = [1], strides = [1]} : vector<16xi32> to vector<1xi32>
      %squeeze3A_155 = vector.extract %slice3A_154[0] : i32 from vector<1xi32>
      %mul3A_156 = arith.constant 16 : i32
      %mul3A_157 = arith.muli %mul3A_156, %scan3A_13 : i32
      %add3A_158 = arith.constant 10 : i32
      %add3A_159 = arith.addi %mul3A_157, %add3A_158 : i32
      %dma_start3A_160 = arith.constant 0 : i32
      %dma_start3A_161 = tpu.memref_slice %arg6[%add3A_159, %dma_start3A_160] : memref<512x64xf32, #tpu.memory_space<vmem>> -> memref<1x64xf32, #tpu.memory_space<vmem>>
      %dma_start3A_162 = arith.constant 0 : i32
      %dma_start3A_163 = tpu.memref_slice %arg3[%squeeze3A_155, %dma_start3A_162] : memref<1000000x64xf32, #tpu.memory_space<hbm>> -> memref<1x64xf32, #tpu.memory_space<hbm>>
      %dma_start3A_164 = arith.constant 0 : i32
      %dma_start3A_165 = tpu.memref_slice %arg6[%add3A_159, %dma_start3A_164] : memref<512x64xf32, #tpu.memory_space<vmem>> -> memref<1x64xf32, #tpu.memory_space<vmem>>
      %dma_start3A_166 = arith.constant 0 : i32
      %dma_start3A_167 = tpu.memref_slice %arg3[%squeeze3A_155, %dma_start3A_166] : memref<1000000x64xf32, #tpu.memory_space<hbm>> -> memref<1x64xf32, #tpu.memory_space<hbm>>
      tpu.enqueue_dma source(%dma_start3A_167 : memref<1x64xf32, #tpu.memory_space<hbm>>) target(%dma_start3A_165 : memref<1x64xf32, #tpu.memory_space<vmem>>) target_semaphore(%arg7 : memref<!tpu.dma_semaphore, #tpu.memory_space<semaphore_mem>>)
      %slice3A_168 = vector.extract_strided_slice %get3A_16 {offsets = [11], sizes = [1], strides = [1]} : vector<16xi32> to vector<1xi32>
      %squeeze3A_169 = vector.extract %slice3A_168[0] : i32 from vector<1xi32>
      %mul3A_170 = arith.constant 16 : i32
      %mul3A_171 = arith.muli %mul3A_170, %scan3A_13 : i32
      %add3A_172 = arith.constant 11 : i32
      %add3A_173 = arith.addi %mul3A_171, %add3A_172 : i32
      %dma_start3A_174 = arith.constant 0 : i32
      %dma_start3A_175 = tpu.memref_slice %arg6[%add3A_173, %dma_start3A_174] : memref<512x64xf32, #tpu.memory_space<vmem>> -> memref<1x64xf32, #tpu.memory_space<vmem>>
      %dma_start3A_176 = arith.constant 0 : i32
      %dma_start3A_177 = tpu.memref_slice %arg3[%squeeze3A_169, %dma_start3A_176] : memref<1000000x64xf32, #tpu.memory_space<hbm>> -> memref<1x64xf32, #tpu.memory_space<hbm>>
      %dma_start3A_178 = arith.constant 0 : i32
      %dma_start3A_179 = tpu.memref_slice %arg6[%add3A_173, %dma_start3A_178] : memref<512x64xf32, #tpu.memory_space<vmem>> -> memref<1x64xf32, #tpu.memory_space<vmem>>
      %dma_start3A_180 = arith.constant 0 : i32
      %dma_start3A_181 = tpu.memref_slice %arg3[%squeeze3A_169, %dma_start3A_180] : memref<1000000x64xf32, #tpu.memory_space<hbm>> -> memref<1x64xf32, #tpu.memory_space<hbm>>
      tpu.enqueue_dma source(%dma_start3A_181 : memref<1x64xf32, #tpu.memory_space<hbm>>) target(%dma_start3A_179 : memref<1x64xf32, #tpu.memory_space<vmem>>) target_semaphore(%arg7 : memref<!tpu.dma_semaphore, #tpu.memory_space<semaphore_mem>>)
      %slice3A_182 = vector.extract_strided_slice %get3A_16 {offsets = [12], sizes = [1], strides = [1]} : vector<16xi32> to vector<1xi32>
      %squeeze3A_183 = vector.extract %slice3A_182[0] : i32 from vector<1xi32>
      %mul3A_184 = arith.constant 16 : i32
      %mul3A_185 = arith.muli %mul3A_184, %scan3A_13 : i32
      %add3A_186 = arith.constant 12 : i32
      %add3A_187 = arith.addi %mul3A_185, %add3A_186 : i32
      %dma_start3A_188 = arith.constant 0 : i32
      %dma_start3A_189 = tpu.memref_slice %arg6[%add3A_187, %dma_start3A_188] : memref<512x64xf32, #tpu.memory_space<vmem>> -> memref<1x64xf32, #tpu.memory_space<vmem>>
      %dma_start3A_190 = arith.constant 0 : i32
      %dma_start3A_191 = tpu.memref_slice %arg3[%squeeze3A_183, %dma_start3A_190] : memref<1000000x64xf32, #tpu.memory_space<hbm>> -> memref<1x64xf32, #tpu.memory_space<hbm>>
      %dma_start3A_192 = arith.constant 0 : i32
      %dma_start3A_193 = tpu.memref_slice %arg6[%add3A_187, %dma_start3A_192] : memref<512x64xf32, #tpu.memory_space<vmem>> -> memref<1x64xf32, #tpu.memory_space<vmem>>
      %dma_start3A_194 = arith.constant 0 : i32
      %dma_start3A_195 = tpu.memref_slice %arg3[%squeeze3A_183, %dma_start3A_194] : memref<1000000x64xf32, #tpu.memory_space<hbm>> -> memref<1x64xf32, #tpu.memory_space<hbm>>
      tpu.enqueue_dma source(%dma_start3A_195 : memref<1x64xf32, #tpu.memory_space<hbm>>) target(%dma_start3A_193 : memref<1x64xf32, #tpu.memory_space<vmem>>) target_semaphore(%arg7 : memref<!tpu.dma_semaphore, #tpu.memory_space<semaphore_mem>>)
      %slice3A_196 = vector.extract_strided_slice %get3A_16 {offsets = [13], sizes = [1], strides = [1]} : vector<16xi32> to vector<1xi32>
      %squeeze3A_197 = vector.extract %slice3A_196[0] : i32 from vector<1xi32>
      %mul3A_198 = arith.constant 16 : i32
      %mul3A_199 = arith.muli %mul3A_198, %scan3A_13 : i32
      %add3A_200 = arith.constant 13 : i32
      %add3A_201 = arith.addi %mul3A_199, %add3A_200 : i32
      %dma_start3A_202 = arith.constant 0 : i32
      %dma_start3A_203 = tpu.memref_slice %arg6[%add3A_201, %dma_start3A_202] : memref<512x64xf32, #tpu.memory_space<vmem>> -> memref<1x64xf32, #tpu.memory_space<vmem>>
      %dma_start3A_204 = arith.constant 0 : i32
      %dma_start3A_205 = tpu.memref_slice %arg3[%squeeze3A_197, %dma_start3A_204] : memref<1000000x64xf32, #tpu.memory_space<hbm>> -> memref<1x64xf32, #tpu.memory_space<hbm>>
      %dma_start3A_206 = arith.constant 0 : i32
      %dma_start3A_207 = tpu.memref_slice %arg6[%add3A_201, %dma_start3A_206] : memref<512x64xf32, #tpu.memory_space<vmem>> -> memref<1x64xf32, #tpu.memory_space<vmem>>
      %dma_start3A_208 = arith.constant 0 : i32
      %dma_start3A_209 = tpu.memref_slice %arg3[%squeeze3A_197, %dma_start3A_208] : memref<1000000x64xf32, #tpu.memory_space<hbm>> -> memref<1x64xf32, #tpu.memory_space<hbm>>
      tpu.enqueue_dma source(%dma_start3A_209 : memref<1x64xf32, #tpu.memory_space<hbm>>) target(%dma_start3A_207 : memref<1x64xf32, #tpu.memory_space<vmem>>) target_semaphore(%arg7 : memref<!tpu.dma_semaphore, #tpu.memory_space<semaphore_mem>>)
      %slice3A_210 = vector.extract_strided_slice %get3A_16 {offsets = [14], sizes = [1], strides = [1]} : vector<16xi32> to vector<1xi32>
      %squeeze3A_211 = vector.extract %slice3A_210[0] : i32 from vector<1xi32>
      %mul3A_212 = arith.constant 16 : i32
      %mul3A_213 = arith.muli %mul3A_212, %scan3A_13 : i32
      %add3A_214 = arith.constant 14 : i32
      %add3A_215 = arith.addi %mul3A_213, %add3A_214 : i32
      %dma_start3A_216 = arith.constant 0 : i32
      %dma_start3A_217 = tpu.memref_slice %arg6[%add3A_215, %dma_start3A_216] : memref<512x64xf32, #tpu.memory_space<vmem>> -> memref<1x64xf32, #tpu.memory_space<vmem>>
      %dma_start3A_218 = arith.constant 0 : i32
      %dma_start3A_219 = tpu.memref_slice %arg3[%squeeze3A_211, %dma_start3A_218] : memref<1000000x64xf32, #tpu.memory_space<hbm>> -> memref<1x64xf32, #tpu.memory_space<hbm>>
      %dma_start3A_220 = arith.constant 0 : i32
      %dma_start3A_221 = tpu.memref_slice %arg6[%add3A_215, %dma_start3A_220] : memref<512x64xf32, #tpu.memory_space<vmem>> -> memref<1x64xf32, #tpu.memory_space<vmem>>
      %dma_start3A_222 = arith.constant 0 : i32
      %dma_start3A_223 = tpu.memref_slice %arg3[%squeeze3A_211, %dma_start3A_222] : memref<1000000x64xf32, #tpu.memory_space<hbm>> -> memref<1x64xf32, #tpu.memory_space<hbm>>
      tpu.enqueue_dma source(%dma_start3A_223 : memref<1x64xf32, #tpu.memory_space<hbm>>) target(%dma_start3A_221 : memref<1x64xf32, #tpu.memory_space<vmem>>) target_semaphore(%arg7 : memref<!tpu.dma_semaphore, #tpu.memory_space<semaphore_mem>>)
      %slice3A_224 = vector.extract_strided_slice %get3A_16 {offsets = [15], sizes = [1], strides = [1]} : vector<16xi32> to vector<1xi32>
      %squeeze3A_225 = vector.extract %slice3A_224[0] : i32 from vector<1xi32>
      %mul3A_226 = arith.constant 16 : i32
      %mul3A_227 = arith.muli %mul3A_226, %scan3A_13 : i32
      %add3A_228 = arith.constant 15 : i32
      %add3A_229 = arith.addi %mul3A_227, %add3A_228 : i32
      %dma_start3A_230 = arith.constant 0 : i32
      %dma_start3A_231 = tpu.memref_slice %arg6[%add3A_229, %dma_start3A_230] : memref<512x64xf32, #tpu.memory_space<vmem>> -> memref<1x64xf32, #tpu.memory_space<vmem>>
      %dma_start3A_232 = arith.constant 0 : i32
      %dma_start3A_233 = tpu.memref_slice %arg3[%squeeze3A_225, %dma_start3A_232] : memref<1000000x64xf32, #tpu.memory_space<hbm>> -> memref<1x64xf32, #tpu.memory_space<hbm>>
      %dma_start3A_234 = arith.constant 0 : i32
      %dma_start3A_235 = tpu.memref_slice %arg6[%add3A_229, %dma_start3A_234] : memref<512x64xf32, #tpu.memory_space<vmem>> -> memref<1x64xf32, #tpu.memory_space<vmem>>
      %dma_start3A_236 = arith.constant 0 : i32
      %dma_start3A_237 = tpu.memref_slice %arg3[%squeeze3A_225, %dma_start3A_236] : memref<1000000x64xf32, #tpu.memory_space<hbm>> -> memref<1x64xf32, #tpu.memory_space<hbm>>
      tpu.enqueue_dma source(%dma_start3A_237 : memref<1x64xf32, #tpu.memory_space<hbm>>) target(%dma_start3A_235 : memref<1x64xf32, #tpu.memory_space<vmem>>) target_semaphore(%arg7 : memref<!tpu.dma_semaphore, #tpu.memory_space<semaphore_mem>>)
    }
    %scan3A_7 = arith.constant 32 : i32
    %dma_wait3A = arith.constant 0 : i32
    %dma_wait3A_8 = arith.constant 0 : i32
    %dma_wait3A_9 = tpu.memref_slice %arg3[%dma_wait3A, %dma_wait3A_8] : memref<1000000x64xf32, #tpu.memory_space<hbm>> -> memref<512x64xf32, #tpu.memory_space<hbm>>
    %dma_wait3A_10 = arith.constant 0 : i32
    %dma_wait3A_11 = arith.constant 0 : i32
    %dma_wait3A_12 = tpu.memref_slice %arg3[%dma_wait3A_10, %dma_wait3A_11] : memref<1000000x64xf32, #tpu.memory_space<hbm>> -> memref<512x64xf32, #tpu.memory_space<hbm>>
    tpu.wait_dma2 semaphore(%arg7 : memref<!tpu.dma_semaphore, #tpu.memory_space<semaphore_mem>>) src(%dma_wait3A_12 : memref<512x64xf32, #tpu.memory_space<hbm>>) dst(%arg6 : memref<512x64xf32, #tpu.memory_space<vmem>>)
    "tpu.region"() ({
      %run_scoped3A = tpu.sem_alloc : memref<!tpu.dma_semaphore, #tpu.memory_space<semaphore_mem>>
      %dma_start3A = arith.constant 0 : i32
      %dma_start3A_13 = tpu.memref_slice %arg4[%mul3A_2, %dma_start3A] : memref<16384x64xf32, #tpu.memory_space<hbm>> -> memref<512x64xf32, #tpu.memory_space<hbm>>
      %dma_start3A_14 = arith.constant 0 : i32
      %dma_start3A_15 = tpu.memref_slice %arg4[%mul3A_2, %dma_start3A_14] : memref<16384x64xf32, #tpu.memory_space<hbm>> -> memref<512x64xf32, #tpu.memory_space<hbm>>
      tpu.enqueue_dma source(%arg6 : memref<512x64xf32, #tpu.memory_space<vmem>>) target(%dma_start3A_15 : memref<512x64xf32, #tpu.memory_space<hbm>>) target_semaphore(%run_scoped3A : memref<!tpu.dma_semaphore, #tpu.memory_space<semaphore_mem>>)
      %dma_wait3A_16 = arith.constant 0 : i32
      %dma_wait3A_17 = tpu.memref_slice %arg4[%mul3A_2, %dma_wait3A_16] : memref<16384x64xf32, #tpu.memory_space<hbm>> -> memref<512x64xf32, #tpu.memory_space<hbm>>
      %dma_wait3A_18 = arith.constant 0 : i32
      %dma_wait3A_19 = tpu.memref_slice %arg4[%mul3A_2, %dma_wait3A_18] : memref<16384x64xf32, #tpu.memory_space<hbm>> -> memref<512x64xf32, #tpu.memory_space<hbm>>
      tpu.wait_dma2 semaphore(%run_scoped3A : memref<!tpu.dma_semaphore, #tpu.memory_space<semaphore_mem>>) src(%arg6 : memref<512x64xf32, #tpu.memory_space<vmem>>) dst(%dma_wait3A_19 : memref<512x64xf32, #tpu.memory_space<hbm>>)
      tpu.yield
    }) : () -> ()
    return
  }
}

#map = affine_map<(d0, d1) -> (0)>
module attributes {stable_mosaic.version = 14 : i64} {
  func.func @k(%arg0: i32, %arg1: i32, %arg2: memref<8192xi32, #tpu.memory_space<hbm>>, %arg3: memref<8192xi32, #tpu.memory_space<hbm>>, %arg4: memref<16384xi32, #tpu.memory_space<hbm>>, %arg5: memref<8192xi32, #tpu.memory_space<vmem>>, %arg6: memref<8192xi32, #tpu.memory_space<vmem>>, %arg7: memref<4x128xi32, #tpu.memory_space<vmem>>, %arg8: memref<32xi32, #tpu.memory_space<vmem>>) attributes {dimension_semantics = [#tpu.dimension_semantics<core_parallel>, #tpu.dimension_semantics<subcore_parallel>], iteration_bounds = array<i64: 2, 16>, scalar_prefetch = 0 : i64, scratch_operands = 4 : i64, tpu.core_type = #tpu.core_type<sc_vector_subcore>, window_params = [{transform_indices = #map}, {transform_indices = #map}, {transform_indices = #map}]} {
    %mul3A = arith.constant 16 : i32
    %mul3A_0 = arith.muli %arg0, %mul3A : i32
    %add3A = arith.addi %mul3A_0, %arg1 : i32
    %iota3A = tpu.iota {dimensions = array<i32: 0>} : vector<16xi32>
    %add3A_1 = arith.constant 1 : i32
    %add3A_2 = vector.broadcast %add3A_1 : i32 to vector<16xi32>
    %add3A_3 = arith.addi %iota3A, %add3A_2 : vector<16xi32>
    "tpu.region"() ({
      %run_scoped3A_158 = tpu.sem_alloc : memref<!tpu.dma_semaphore, #tpu.memory_space<semaphore_mem>>
      tpu.enqueue_dma source(%arg2 : memref<8192xi32, #tpu.memory_space<hbm>>) target(%arg5 : memref<8192xi32, #tpu.memory_space<vmem>>) target_semaphore(%run_scoped3A_158 : memref<!tpu.dma_semaphore, #tpu.memory_space<semaphore_mem>>)
      tpu.wait_dma2 semaphore(%run_scoped3A_158 : memref<!tpu.dma_semaphore, #tpu.memory_space<semaphore_mem>>) src(%arg2 : memref<8192xi32, #tpu.memory_space<hbm>>) dst(%arg5 : memref<8192xi32, #tpu.memory_space<vmem>>)
      tpu.yield
    }) : () -> ()
    "tpu.region"() ({
      %run_scoped3A_158 = tpu.sem_alloc : memref<!tpu.dma_semaphore, #tpu.memory_space<semaphore_mem>>
      tpu.enqueue_dma source(%arg3 : memref<8192xi32, #tpu.memory_space<hbm>>) target(%arg6 : memref<8192xi32, #tpu.memory_space<vmem>>) target_semaphore(%run_scoped3A_158 : memref<!tpu.dma_semaphore, #tpu.memory_space<semaphore_mem>>)
      tpu.wait_dma2 semaphore(%run_scoped3A_158 : memref<!tpu.dma_semaphore, #tpu.memory_space<semaphore_mem>>) src(%arg3 : memref<8192xi32, #tpu.memory_space<hbm>>) dst(%arg6 : memref<8192xi32, #tpu.memory_space<vmem>>)
      tpu.yield
    }) : () -> ()
    %broadcast_in_dim3A = arith.constant -1 : i32
    %broadcast_in_dim3A_4 = vector.broadcast %broadcast_in_dim3A : i32 to vector<16xi32>
    %swap3A = arith.constant 0 : i32
    %swap3A_5 = arith.index_cast %swap3A : i32 to index
    %swap3A_6 = arith.constant 0 : index
    %swap3A_7 = tpu.vector_load %arg7[%swap3A_5, %swap3A_6] {strides = array<i32>} : memref<4x128xi32, #tpu.memory_space<vmem>>, vector<16xi32>,
    tpu.vector_store %arg7[%swap3A_5, %swap3A_6], %broadcast_in_dim3A_4 {strides = array<i32>} : memref<4x128xi32, #tpu.memory_space<vmem>>, vector<16xi32>,
    %swap3A_8 = arith.constant 0 : i32
    %swap3A_9 = arith.index_cast %swap3A_8 : i32 to index
    %swap3A_10 = arith.constant 16 : index
    %swap3A_11 = tpu.vector_load %arg7[%swap3A_9, %swap3A_10] {strides = array<i32>} : memref<4x128xi32, #tpu.memory_space<vmem>>, vector<16xi32>,
    tpu.vector_store %arg7[%swap3A_9, %swap3A_10], %broadcast_in_dim3A_4 {strides = array<i32>} : memref<4x128xi32, #tpu.memory_space<vmem>>, vector<16xi32>,
    %swap3A_12 = arith.constant 0 : i32
    %swap3A_13 = arith.index_cast %swap3A_12 : i32 to index
    %swap3A_14 = arith.constant 32 : index
    %swap3A_15 = tpu.vector_load %arg7[%swap3A_13, %swap3A_14] {strides = array<i32>} : memref<4x128xi32, #tpu.memory_space<vmem>>, vector<16xi32>,
    tpu.vector_store %arg7[%swap3A_13, %swap3A_14], %broadcast_in_dim3A_4 {strides = array<i32>} : memref<4x128xi32, #tpu.memory_space<vmem>>, vector<16xi32>,
    %swap3A_16 = arith.constant 0 : i32
    %swap3A_17 = arith.index_cast %swap3A_16 : i32 to index
    %swap3A_18 = arith.constant 48 : index
    %swap3A_19 = tpu.vector_load %arg7[%swap3A_17, %swap3A_18] {strides = array<i32>} : memref<4x128xi32, #tpu.memory_space<vmem>>, vector<16xi32>,
    tpu.vector_store %arg7[%swap3A_17, %swap3A_18], %broadcast_in_dim3A_4 {strides = array<i32>} : memref<4x128xi32, #tpu.memory_space<vmem>>, vector<16xi32>,
    %swap3A_20 = arith.constant 0 : i32
    %swap3A_21 = arith.index_cast %swap3A_20 : i32 to index
    %swap3A_22 = arith.constant 64 : index
    %swap3A_23 = tpu.vector_load %arg7[%swap3A_21, %swap3A_22] {strides = array<i32>} : memref<4x128xi32, #tpu.memory_space<vmem>>, vector<16xi32>,
    tpu.vector_store %arg7[%swap3A_21, %swap3A_22], %broadcast_in_dim3A_4 {strides = array<i32>} : memref<4x128xi32, #tpu.memory_space<vmem>>, vector<16xi32>,
    %swap3A_24 = arith.constant 0 : i32
    %swap3A_25 = arith.index_cast %swap3A_24 : i32 to index
    %swap3A_26 = arith.constant 80 : index
    %swap3A_27 = tpu.vector_load %arg7[%swap3A_25, %swap3A_26] {strides = array<i32>} : memref<4x128xi32, #tpu.memory_space<vmem>>, vector<16xi32>,
    tpu.vector_store %arg7[%swap3A_25, %swap3A_26], %broadcast_in_dim3A_4 {strides = array<i32>} : memref<4x128xi32, #tpu.memory_space<vmem>>, vector<16xi32>,
    %swap3A_28 = arith.constant 0 : i32
    %swap3A_29 = arith.index_cast %swap3A_28 : i32 to index
    %swap3A_30 = arith.constant 96 : index
    %swap3A_31 = tpu.vector_load %arg7[%swap3A_29, %swap3A_30] {strides = array<i32>} : memref<4x128xi32, #tpu.memory_space<vmem>>, vector<16xi32>,
    tpu.vector_store %arg7[%swap3A_29, %swap3A_30], %broadcast_in_dim3A_4 {strides = array<i32>} : memref<4x128xi32, #tpu.memory_space<vmem>>, vector<16xi32>,
    %swap3A_32 = arith.constant 0 : i32
    %swap3A_33 = arith.index_cast %swap3A_32 : i32 to index
    %swap3A_34 = arith.constant 112 : index
    %swap3A_35 = tpu.vector_load %arg7[%swap3A_33, %swap3A_34] {strides = array<i32>} : memref<4x128xi32, #tpu.memory_space<vmem>>, vector<16xi32>,
    tpu.vector_store %arg7[%swap3A_33, %swap3A_34], %broadcast_in_dim3A_4 {strides = array<i32>} : memref<4x128xi32, #tpu.memory_space<vmem>>, vector<16xi32>,
    %swap3A_36 = arith.constant 1 : i32
    %swap3A_37 = arith.index_cast %swap3A_36 : i32 to index
    %swap3A_38 = arith.constant 0 : index
    %swap3A_39 = tpu.vector_load %arg7[%swap3A_37, %swap3A_38] {strides = array<i32>} : memref<4x128xi32, #tpu.memory_space<vmem>>, vector<16xi32>,
    tpu.vector_store %arg7[%swap3A_37, %swap3A_38], %broadcast_in_dim3A_4 {strides = array<i32>} : memref<4x128xi32, #tpu.memory_space<vmem>>, vector<16xi32>,
    %swap3A_40 = arith.constant 1 : i32
    %swap3A_41 = arith.index_cast %swap3A_40 : i32 to index
    %swap3A_42 = arith.constant 16 : index
    %swap3A_43 = tpu.vector_load %arg7[%swap3A_41, %swap3A_42] {strides = array<i32>} : memref<4x128xi32, #tpu.memory_space<vmem>>, vector<16xi32>,
    tpu.vector_store %arg7[%swap3A_41, %swap3A_42], %broadcast_in_dim3A_4 {strides = array<i32>} : memref<4x128xi32, #tpu.memory_space<vmem>>, vector<16xi32>,
    %swap3A_44 = arith.constant 1 : i32
    %swap3A_45 = arith.index_cast %swap3A_44 : i32 to index
    %swap3A_46 = arith.constant 32 : index
    %swap3A_47 = tpu.vector_load %arg7[%swap3A_45, %swap3A_46] {strides = array<i32>} : memref<4x128xi32, #tpu.memory_space<vmem>>, vector<16xi32>,
    tpu.vector_store %arg7[%swap3A_45, %swap3A_46], %broadcast_in_dim3A_4 {strides = array<i32>} : memref<4x128xi32, #tpu.memory_space<vmem>>, vector<16xi32>,
    %swap3A_48 = arith.constant 1 : i32
    %swap3A_49 = arith.index_cast %swap3A_48 : i32 to index
    %swap3A_50 = arith.constant 48 : index
    %swap3A_51 = tpu.vector_load %arg7[%swap3A_49, %swap3A_50] {strides = array<i32>} : memref<4x128xi32, #tpu.memory_space<vmem>>, vector<16xi32>,
    tpu.vector_store %arg7[%swap3A_49, %swap3A_50], %broadcast_in_dim3A_4 {strides = array<i32>} : memref<4x128xi32, #tpu.memory_space<vmem>>, vector<16xi32>,
    %swap3A_52 = arith.constant 1 : i32
    %swap3A_53 = arith.index_cast %swap3A_52 : i32 to index
    %swap3A_54 = arith.constant 64 : index
    %swap3A_55 = tpu.vector_load %arg7[%swap3A_53, %swap3A_54] {strides = array<i32>} : memref<4x128xi32, #tpu.memory_space<vmem>>, vector<16xi32>,
    tpu.vector_store %arg7[%swap3A_53, %swap3A_54], %broadcast_in_dim3A_4 {strides = array<i32>} : memref<4x128xi32, #tpu.memory_space<vmem>>, vector<16xi32>,
    %swap3A_56 = arith.constant 1 : i32
    %swap3A_57 = arith.index_cast %swap3A_56 : i32 to index
    %swap3A_58 = arith.constant 80 : index
    %swap3A_59 = tpu.vector_load %arg7[%swap3A_57, %swap3A_58] {strides = array<i32>} : memref<4x128xi32, #tpu.memory_space<vmem>>, vector<16xi32>,
    tpu.vector_store %arg7[%swap3A_57, %swap3A_58], %broadcast_in_dim3A_4 {strides = array<i32>} : memref<4x128xi32, #tpu.memory_space<vmem>>, vector<16xi32>,
    %swap3A_60 = arith.constant 1 : i32
    %swap3A_61 = arith.index_cast %swap3A_60 : i32 to index
    %swap3A_62 = arith.constant 96 : index
    %swap3A_63 = tpu.vector_load %arg7[%swap3A_61, %swap3A_62] {strides = array<i32>} : memref<4x128xi32, #tpu.memory_space<vmem>>, vector<16xi32>,
    tpu.vector_store %arg7[%swap3A_61, %swap3A_62], %broadcast_in_dim3A_4 {strides = array<i32>} : memref<4x128xi32, #tpu.memory_space<vmem>>, vector<16xi32>,
    %swap3A_64 = arith.constant 1 : i32
    %swap3A_65 = arith.index_cast %swap3A_64 : i32 to index
    %swap3A_66 = arith.constant 112 : index
    %swap3A_67 = tpu.vector_load %arg7[%swap3A_65, %swap3A_66] {strides = array<i32>} : memref<4x128xi32, #tpu.memory_space<vmem>>, vector<16xi32>,
    tpu.vector_store %arg7[%swap3A_65, %swap3A_66], %broadcast_in_dim3A_4 {strides = array<i32>} : memref<4x128xi32, #tpu.memory_space<vmem>>, vector<16xi32>,
    %swap3A_68 = arith.constant 2 : i32
    %swap3A_69 = arith.index_cast %swap3A_68 : i32 to index
    %swap3A_70 = arith.constant 0 : index
    %swap3A_71 = tpu.vector_load %arg7[%swap3A_69, %swap3A_70] {strides = array<i32>} : memref<4x128xi32, #tpu.memory_space<vmem>>, vector<16xi32>,
    tpu.vector_store %arg7[%swap3A_69, %swap3A_70], %broadcast_in_dim3A_4 {strides = array<i32>} : memref<4x128xi32, #tpu.memory_space<vmem>>, vector<16xi32>,
    %swap3A_72 = arith.constant 2 : i32
    %swap3A_73 = arith.index_cast %swap3A_72 : i32 to index
    %swap3A_74 = arith.constant 16 : index
    %swap3A_75 = tpu.vector_load %arg7[%swap3A_73, %swap3A_74] {strides = array<i32>} : memref<4x128xi32, #tpu.memory_space<vmem>>, vector<16xi32>,
    tpu.vector_store %arg7[%swap3A_73, %swap3A_74], %broadcast_in_dim3A_4 {strides = array<i32>} : memref<4x128xi32, #tpu.memory_space<vmem>>, vector<16xi32>,
    %swap3A_76 = arith.constant 2 : i32
    %swap3A_77 = arith.index_cast %swap3A_76 : i32 to index
    %swap3A_78 = arith.constant 32 : index
    %swap3A_79 = tpu.vector_load %arg7[%swap3A_77, %swap3A_78] {strides = array<i32>} : memref<4x128xi32, #tpu.memory_space<vmem>>, vector<16xi32>,
    tpu.vector_store %arg7[%swap3A_77, %swap3A_78], %broadcast_in_dim3A_4 {strides = array<i32>} : memref<4x128xi32, #tpu.memory_space<vmem>>, vector<16xi32>,
    %swap3A_80 = arith.constant 2 : i32
    %swap3A_81 = arith.index_cast %swap3A_80 : i32 to index
    %swap3A_82 = arith.constant 48 : index
    %swap3A_83 = tpu.vector_load %arg7[%swap3A_81, %swap3A_82] {strides = array<i32>} : memref<4x128xi32, #tpu.memory_space<vmem>>, vector<16xi32>,
    tpu.vector_store %arg7[%swap3A_81, %swap3A_82], %broadcast_in_dim3A_4 {strides = array<i32>} : memref<4x128xi32, #tpu.memory_space<vmem>>, vector<16xi32>,
    %swap3A_84 = arith.constant 2 : i32
    %swap3A_85 = arith.index_cast %swap3A_84 : i32 to index
    %swap3A_86 = arith.constant 64 : index
    %swap3A_87 = tpu.vector_load %arg7[%swap3A_85, %swap3A_86] {strides = array<i32>} : memref<4x128xi32, #tpu.memory_space<vmem>>, vector<16xi32>,
    tpu.vector_store %arg7[%swap3A_85, %swap3A_86], %broadcast_in_dim3A_4 {strides = array<i32>} : memref<4x128xi32, #tpu.memory_space<vmem>>, vector<16xi32>,
    %swap3A_88 = arith.constant 2 : i32
    %swap3A_89 = arith.index_cast %swap3A_88 : i32 to index
    %swap3A_90 = arith.constant 80 : index
    %swap3A_91 = tpu.vector_load %arg7[%swap3A_89, %swap3A_90] {strides = array<i32>} : memref<4x128xi32, #tpu.memory_space<vmem>>, vector<16xi32>,
    tpu.vector_store %arg7[%swap3A_89, %swap3A_90], %broadcast_in_dim3A_4 {strides = array<i32>} : memref<4x128xi32, #tpu.memory_space<vmem>>, vector<16xi32>,
    %swap3A_92 = arith.constant 2 : i32
    %swap3A_93 = arith.index_cast %swap3A_92 : i32 to index
    %swap3A_94 = arith.constant 96 : index
    %swap3A_95 = tpu.vector_load %arg7[%swap3A_93, %swap3A_94] {strides = array<i32>} : memref<4x128xi32, #tpu.memory_space<vmem>>, vector<16xi32>,
    tpu.vector_store %arg7[%swap3A_93, %swap3A_94], %broadcast_in_dim3A_4 {strides = array<i32>} : memref<4x128xi32, #tpu.memory_space<vmem>>, vector<16xi32>,
    %swap3A_96 = arith.constant 2 : i32
    %swap3A_97 = arith.index_cast %swap3A_96 : i32 to index
    %swap3A_98 = arith.constant 112 : index
    %swap3A_99 = tpu.vector_load %arg7[%swap3A_97, %swap3A_98] {strides = array<i32>} : memref<4x128xi32, #tpu.memory_space<vmem>>, vector<16xi32>,
    tpu.vector_store %arg7[%swap3A_97, %swap3A_98], %broadcast_in_dim3A_4 {strides = array<i32>} : memref<4x128xi32, #tpu.memory_space<vmem>>, vector<16xi32>,
    %swap3A_100 = arith.constant 3 : i32
    %swap3A_101 = arith.index_cast %swap3A_100 : i32 to index
    %swap3A_102 = arith.constant 0 : index
    %swap3A_103 = tpu.vector_load %arg7[%swap3A_101, %swap3A_102] {strides = array<i32>} : memref<4x128xi32, #tpu.memory_space<vmem>>, vector<16xi32>,
    tpu.vector_store %arg7[%swap3A_101, %swap3A_102], %broadcast_in_dim3A_4 {strides = array<i32>} : memref<4x128xi32, #tpu.memory_space<vmem>>, vector<16xi32>,
    %swap3A_104 = arith.constant 3 : i32
    %swap3A_105 = arith.index_cast %swap3A_104 : i32 to index
    %swap3A_106 = arith.constant 16 : index
    %swap3A_107 = tpu.vector_load %arg7[%swap3A_105, %swap3A_106] {strides = array<i32>} : memref<4x128xi32, #tpu.memory_space<vmem>>, vector<16xi32>,
    tpu.vector_store %arg7[%swap3A_105, %swap3A_106], %broadcast_in_dim3A_4 {strides = array<i32>} : memref<4x128xi32, #tpu.memory_space<vmem>>, vector<16xi32>,
    %swap3A_108 = arith.constant 3 : i32
    %swap3A_109 = arith.index_cast %swap3A_108 : i32 to index
    %swap3A_110 = arith.constant 32 : index
    %swap3A_111 = tpu.vector_load %arg7[%swap3A_109, %swap3A_110] {strides = array<i32>} : memref<4x128xi32, #tpu.memory_space<vmem>>, vector<16xi32>,
    tpu.vector_store %arg7[%swap3A_109, %swap3A_110], %broadcast_in_dim3A_4 {strides = array<i32>} : memref<4x128xi32, #tpu.memory_space<vmem>>, vector<16xi32>,
    %swap3A_112 = arith.constant 3 : i32
    %swap3A_113 = arith.index_cast %swap3A_112 : i32 to index
    %swap3A_114 = arith.constant 48 : index
    %swap3A_115 = tpu.vector_load %arg7[%swap3A_113, %swap3A_114] {strides = array<i32>} : memref<4x128xi32, #tpu.memory_space<vmem>>, vector<16xi32>,
    tpu.vector_store %arg7[%swap3A_113, %swap3A_114], %broadcast_in_dim3A_4 {strides = array<i32>} : memref<4x128xi32, #tpu.memory_space<vmem>>, vector<16xi32>,
    %swap3A_116 = arith.constant 3 : i32
    %swap3A_117 = arith.index_cast %swap3A_116 : i32 to index
    %swap3A_118 = arith.constant 64 : index
    %swap3A_119 = tpu.vector_load %arg7[%swap3A_117, %swap3A_118] {strides = array<i32>} : memref<4x128xi32, #tpu.memory_space<vmem>>, vector<16xi32>,
    tpu.vector_store %arg7[%swap3A_117, %swap3A_118], %broadcast_in_dim3A_4 {strides = array<i32>} : memref<4x128xi32, #tpu.memory_space<vmem>>, vector<16xi32>,
    %swap3A_120 = arith.constant 3 : i32
    %swap3A_121 = arith.index_cast %swap3A_120 : i32 to index
    %swap3A_122 = arith.constant 80 : index
    %swap3A_123 = tpu.vector_load %arg7[%swap3A_121, %swap3A_122] {strides = array<i32>} : memref<4x128xi32, #tpu.memory_space<vmem>>, vector<16xi32>,
    tpu.vector_store %arg7[%swap3A_121, %swap3A_122], %broadcast_in_dim3A_4 {strides = array<i32>} : memref<4x128xi32, #tpu.memory_space<vmem>>, vector<16xi32>,
    %swap3A_124 = arith.constant 3 : i32
    %swap3A_125 = arith.index_cast %swap3A_124 : i32 to index
    %swap3A_126 = arith.constant 96 : index
    %swap3A_127 = tpu.vector_load %arg7[%swap3A_125, %swap3A_126] {strides = array<i32>} : memref<4x128xi32, #tpu.memory_space<vmem>>, vector<16xi32>,
    tpu.vector_store %arg7[%swap3A_125, %swap3A_126], %broadcast_in_dim3A_4 {strides = array<i32>} : memref<4x128xi32, #tpu.memory_space<vmem>>, vector<16xi32>,
    %swap3A_128 = arith.constant 3 : i32
    %swap3A_129 = arith.index_cast %swap3A_128 : i32 to index
    %swap3A_130 = arith.constant 112 : index
    %swap3A_131 = tpu.vector_load %arg7[%swap3A_129, %swap3A_130] {strides = array<i32>} : memref<4x128xi32, #tpu.memory_space<vmem>>, vector<16xi32>,
    tpu.vector_store %arg7[%swap3A_129, %swap3A_130], %broadcast_in_dim3A_4 {strides = array<i32>} : memref<4x128xi32, #tpu.memory_space<vmem>>, vector<16xi32>,
    %swap3A_132 = arith.constant 16 : index
    %swap3A_133 = tpu.vector_load %arg8[%swap3A_132] {strides = array<i32>} : memref<32xi32, #tpu.memory_space<vmem>>, vector<16xi32>,
    tpu.vector_store %arg8[%swap3A_132], %broadcast_in_dim3A_4 {strides = array<i32>} : memref<32xi32, #tpu.memory_space<vmem>>, vector<16xi32>,
    %scan3A = arith.constant 0 : i32
    %scan3A_134 = arith.constant 0 : i32
    %scan3A_135 = arith.constant 64 : i32
    %scan3A_136 = arith.addi %scan3A_134, %scan3A_135 : i32
    %scan3A_137 = arith.constant 1 : i32
    scf.for %scan3A_158 = %scan3A_134 to %scan3A_136 step %scan3A_137  : i32 {
      %mul3A_159 = arith.constant 8 : i32
      %mul3A_160 = arith.muli %scan3A_158, %mul3A_159 : i32
      %add3A_161 = arith.constant 0 : i32
      %add3A_162 = arith.addi %mul3A_160, %add3A_161 : i32
      %mul3A_163 = arith.constant 16 : i32
      %mul3A_164 = arith.muli %mul3A_163, %add3A_162 : i32
      %get3A = arith.index_cast %mul3A_164 : i32 to index
      %get3A_165 = tpu.vector_load %arg5[%get3A] {strides = array<i32>} : memref<8192xi32, #tpu.memory_space<vmem>>, vector<16xi32>,
      %shift_left3A = arith.constant 13 : i32
      %shift_left3A_166 = vector.broadcast %shift_left3A : i32 to vector<16xi32>
      %shift_left3A_167 = arith.shli %get3A_165, %shift_left3A_166 : vector<16xi32>
      %mul3A_168 = arith.constant 16 : i32
      %mul3A_169 = arith.muli %mul3A_168, %add3A_162 : i32
      %add3A_170 = vector.broadcast %mul3A_169 : i32 to vector<16xi32>
      %add3A_171 = arith.addi %iota3A, %add3A_170 : vector<16xi32>
      %or3A = arith.ori %shift_left3A_167, %add3A_171 : vector<16xi32>
      %sort3A = arith.constant dense<true> : vector<16xi1>
      %sort3A_172, %sort3A_173, %sort3A_174 = tpu.sort %or3A, %or3A masked %sort3A : (vector<16xi32>, vector<16xi32>, vector<16xi1>) -> (vector<16xi1>, vector<16xi32>, vector<16xi32>)
      %swap3A_175 = arith.constant 0 : index
      %swap3A_176 = tpu.vector_load %arg8[%swap3A_175] {strides = array<i32>} : memref<32xi32, #tpu.memory_space<vmem>>, vector<16xi32>,
      tpu.vector_store %arg8[%swap3A_175], %sort3A_173 {strides = array<i32>} : memref<32xi32, #tpu.memory_space<vmem>>, vector<16xi32>,
      %gather3A = tpu.vector_load_idx %arg8[%add3A_3] : memref<32xi32, #tpu.memory_space<vmem>>[vector<16xi32>], vector<16xi32>,
      %shift_right_arithmetic3A = arith.constant 13 : i32
      %shift_right_arithmetic3A_177 = vector.broadcast %shift_right_arithmetic3A : i32 to vector<16xi32>
      %shift_right_arithmetic3A_178 = arith.shrsi %sort3A_173, %shift_right_arithmetic3A_177 : vector<16xi32>
      %and3A = arith.constant 8191 : i32
      %and3A_179 = vector.broadcast %and3A : i32 to vector<16xi32>
      %and3A_180 = arith.andi %sort3A_173, %and3A_179 : vector<16xi32>
      %shift_right_arithmetic3A_181 = arith.constant 13 : i32
      %shift_right_arithmetic3A_182 = vector.broadcast %shift_right_arithmetic3A_181 : i32 to vector<16xi32>
      %shift_right_arithmetic3A_183 = arith.shrsi %gather3A, %shift_right_arithmetic3A_182 : vector<16xi32>
      %ne3A = arith.cmpi ne, %shift_right_arithmetic3A_178, %shift_right_arithmetic3A_183 : vector<16xi32>
      %shift_right_arithmetic3A_184 = arith.constant 9 : i32
      %shift_right_arithmetic3A_185 = vector.broadcast %shift_right_arithmetic3A_184 : i32 to vector<16xi32>
      %shift_right_arithmetic3A_186 = arith.shrsi %shift_right_arithmetic3A_178, %shift_right_arithmetic3A_185 : vector<16xi32>
      %eq3A = vector.broadcast %add3A : i32 to vector<16xi32>
      %eq3A_187 = arith.cmpi eq, %shift_right_arithmetic3A_186, %eq3A : vector<16xi32>
      %and3A_188 = arith.andi %ne3A, %eq3A_187 : vector<16xi1>
      %gather3A_189 = tpu.vector_load_idx %arg6[%and3A_180] : memref<8192xi32, #tpu.memory_space<vmem>>[vector<16xi32>], vector<16xi32>,
      %and3A_190 = arith.constant 511 : i32
      %and3A_191 = vector.broadcast %and3A_190 : i32 to vector<16xi32>
      %and3A_192 = arith.andi %shift_right_arithmetic3A_178, %and3A_191 : vector<16xi32>
      %shift_right_arithmetic3A_193 = arith.constant 7 : i32
      %shift_right_arithmetic3A_194 = vector.broadcast %shift_right_arithmetic3A_193 : i32 to vector<16xi32>
      %shift_right_arithmetic3A_195 = arith.shrsi %and3A_192, %shift_right_arithmetic3A_194 : vector<16xi32>
      %and3A_196 = arith.constant 127 : i32
      %and3A_197 = vector.broadcast %and3A_196 : i32 to vector<16xi32>
      %and3A_198 = arith.andi %and3A_192, %and3A_197 : vector<16xi32>
      tpu.vector_store_idx %arg7[%shift_right_arithmetic3A_195, %and3A_198], %gather3A_189 masked %and3A_188 : memref<4x128xi32, #tpu.memory_space<vmem>>[vector<16xi32>, vector<16xi32>], vector<16xi32>, vector<16xi1>
      %mul3A_199 = arith.constant 8 : i32
      %mul3A_200 = arith.muli %scan3A_158, %mul3A_199 : i32
      %add3A_201 = arith.constant 1 : i32
      %add3A_202 = arith.addi %mul3A_200, %add3A_201 : i32
      %mul3A_203 = arith.constant 16 : i32
      %mul3A_204 = arith.muli %mul3A_203, %add3A_202 : i32
      %get3A_205 = arith.index_cast %mul3A_204 : i32 to index
      %get3A_206 = tpu.vector_load %arg5[%get3A_205] {strides = array<i32>} : memref<8192xi32, #tpu.memory_space<vmem>>, vector<16xi32>,
      %shift_left3A_207 = arith.constant 13 : i32
      %shift_left3A_208 = vector.broadcast %shift_left3A_207 : i32 to vector<16xi32>
      %shift_left3A_209 = arith.shli %get3A_206, %shift_left3A_208 : vector<16xi32>
      %mul3A_210 = arith.constant 16 : i32
      %mul3A_211 = arith.muli %mul3A_210, %add3A_202 : i32
      %add3A_212 = vector.broadcast %mul3A_211 : i32 to vector<16xi32>
      %add3A_213 = arith.addi %iota3A, %add3A_212 : vector<16xi32>
      %or3A_214 = arith.ori %shift_left3A_209, %add3A_213 : vector<16xi32>
      %sort3A_215 = arith.constant dense<true> : vector<16xi1>
      %sort3A_216, %sort3A_217, %sort3A_218 = tpu.sort %or3A_214, %or3A_214 masked %sort3A_215 : (vector<16xi32>, vector<16xi32>, vector<16xi1>) -> (vector<16xi1>, vector<16xi32>, vector<16xi32>)
      %swap3A_219 = arith.constant 0 : index
      %swap3A_220 = tpu.vector_load %arg8[%swap3A_219] {strides = array<i32>} : memref<32xi32, #tpu.memory_space<vmem>>, vector<16xi32>,
      tpu.vector_store %arg8[%swap3A_219], %sort3A_217 {strides = array<i32>} : memref<32xi32, #tpu.memory_space<vmem>>, vector<16xi32>,
      %gather3A_221 = tpu.vector_load_idx %arg8[%add3A_3] : memref<32xi32, #tpu.memory_space<vmem>>[vector<16xi32>], vector<16xi32>,
      %shift_right_arithmetic3A_222 = arith.constant 13 : i32
      %shift_right_arithmetic3A_223 = vector.broadcast %shift_right_arithmetic3A_222 : i32 to vector<16xi32>
      %shift_right_arithmetic3A_224 = arith.shrsi %sort3A_217, %shift_right_arithmetic3A_223 : vector<16xi32>
      %and3A_225 = arith.constant 8191 : i32
      %and3A_226 = vector.broadcast %and3A_225 : i32 to vector<16xi32>
      %and3A_227 = arith.andi %sort3A_217, %and3A_226 : vector<16xi32>
      %shift_right_arithmetic3A_228 = arith.constant 13 : i32
      %shift_right_arithmetic3A_229 = vector.broadcast %shift_right_arithmetic3A_228 : i32 to vector<16xi32>
      %shift_right_arithmetic3A_230 = arith.shrsi %gather3A_221, %shift_right_arithmetic3A_229 : vector<16xi32>
      %ne3A_231 = arith.cmpi ne, %shift_right_arithmetic3A_224, %shift_right_arithmetic3A_230 : vector<16xi32>
      %shift_right_arithmetic3A_232 = arith.constant 9 : i32
      %shift_right_arithmetic3A_233 = vector.broadcast %shift_right_arithmetic3A_232 : i32 to vector<16xi32>
      %shift_right_arithmetic3A_234 = arith.shrsi %shift_right_arithmetic3A_224, %shift_right_arithmetic3A_233 : vector<16xi32>
      %eq3A_235 = vector.broadcast %add3A : i32 to vector<16xi32>
      %eq3A_236 = arith.cmpi eq, %shift_right_arithmetic3A_234, %eq3A_235 : vector<16xi32>
      %and3A_237 = arith.andi %ne3A_231, %eq3A_236 : vector<16xi1>
      %gather3A_238 = tpu.vector_load_idx %arg6[%and3A_227] : memref<8192xi32, #tpu.memory_space<vmem>>[vector<16xi32>], vector<16xi32>,
      %and3A_239 = arith.constant 511 : i32
      %and3A_240 = vector.broadcast %and3A_239 : i32 to vector<16xi32>
      %and3A_241 = arith.andi %shift_right_arithmetic3A_224, %and3A_240 : vector<16xi32>
      %shift_right_arithmetic3A_242 = arith.constant 7 : i32
      %shift_right_arithmetic3A_243 = vector.broadcast %shift_right_arithmetic3A_242 : i32 to vector<16xi32>
      %shift_right_arithmetic3A_244 = arith.shrsi %and3A_241, %shift_right_arithmetic3A_243 : vector<16xi32>
      %and3A_245 = arith.constant 127 : i32
      %and3A_246 = vector.broadcast %and3A_245 : i32 to vector<16xi32>
      %and3A_247 = arith.andi %and3A_241, %and3A_246 : vector<16xi32>
      tpu.vector_store_idx %arg7[%shift_right_arithmetic3A_244, %and3A_247], %gather3A_238 masked %and3A_237 : memref<4x128xi32, #tpu.memory_space<vmem>>[vector<16xi32>, vector<16xi32>], vector<16xi32>, vector<16xi1>
      %mul3A_248 = arith.constant 8 : i32
      %mul3A_249 = arith.muli %scan3A_158, %mul3A_248 : i32
      %add3A_250 = arith.constant 2 : i32
      %add3A_251 = arith.addi %mul3A_249, %add3A_250 : i32
      %mul3A_252 = arith.constant 16 : i32
      %mul3A_253 = arith.muli %mul3A_252, %add3A_251 : i32
      %get3A_254 = arith.index_cast %mul3A_253 : i32 to index
      %get3A_255 = tpu.vector_load %arg5[%get3A_254] {strides = array<i32>} : memref<8192xi32, #tpu.memory_space<vmem>>, vector<16xi32>,
      %shift_left3A_256 = arith.constant 13 : i32
      %shift_left3A_257 = vector.broadcast %shift_left3A_256 : i32 to vector<16xi32>
      %shift_left3A_258 = arith.shli %get3A_255, %shift_left3A_257 : vector<16xi32>
      %mul3A_259 = arith.constant 16 : i32
      %mul3A_260 = arith.muli %mul3A_259, %add3A_251 : i32
      %add3A_261 = vector.broadcast %mul3A_260 : i32 to vector<16xi32>
      %add3A_262 = arith.addi %iota3A, %add3A_261 : vector<16xi32>
      %or3A_263 = arith.ori %shift_left3A_258, %add3A_262 : vector<16xi32>
      %sort3A_264 = arith.constant dense<true> : vector<16xi1>
      %sort3A_265, %sort3A_266, %sort3A_267 = tpu.sort %or3A_263, %or3A_263 masked %sort3A_264 : (vector<16xi32>, vector<16xi32>, vector<16xi1>) -> (vector<16xi1>, vector<16xi32>, vector<16xi32>)
      %swap3A_268 = arith.constant 0 : index
      %swap3A_269 = tpu.vector_load %arg8[%swap3A_268] {strides = array<i32>} : memref<32xi32, #tpu.memory_space<vmem>>, vector<16xi32>,
      tpu.vector_store %arg8[%swap3A_268], %sort3A_266 {strides = array<i32>} : memref<32xi32, #tpu.memory_space<vmem>>, vector<16xi32>,
      %gather3A_270 = tpu.vector_load_idx %arg8[%add3A_3] : memref<32xi32, #tpu.memory_space<vmem>>[vector<16xi32>], vector<16xi32>,
      %shift_right_arithmetic3A_271 = arith.constant 13 : i32
      %shift_right_arithmetic3A_272 = vector.broadcast %shift_right_arithmetic3A_271 : i32 to vector<16xi32>
      %shift_right_arithmetic3A_273 = arith.shrsi %sort3A_266, %shift_right_arithmetic3A_272 : vector<16xi32>
      %and3A_274 = arith.constant 8191 : i32
      %and3A_275 = vector.broadcast %and3A_274 : i32 to vector<16xi32>
      %and3A_276 = arith.andi %sort3A_266, %and3A_275 : vector<16xi32>
      %shift_right_arithmetic3A_277 = arith.constant 13 : i32
      %shift_right_arithmetic3A_278 = vector.broadcast %shift_right_arithmetic3A_277 : i32 to vector<16xi32>
      %shift_right_arithmetic3A_279 = arith.shrsi %gather3A_270, %shift_right_arithmetic3A_278 : vector<16xi32>
      %ne3A_280 = arith.cmpi ne, %shift_right_arithmetic3A_273, %shift_right_arithmetic3A_279 : vector<16xi32>
      %shift_right_arithmetic3A_281 = arith.constant 9 : i32
      %shift_right_arithmetic3A_282 = vector.broadcast %shift_right_arithmetic3A_281 : i32 to vector<16xi32>
      %shift_right_arithmetic3A_283 = arith.shrsi %shift_right_arithmetic3A_273, %shift_right_arithmetic3A_282 : vector<16xi32>
      %eq3A_284 = vector.broadcast %add3A : i32 to vector<16xi32>
      %eq3A_285 = arith.cmpi eq, %shift_right_arithmetic3A_283, %eq3A_284 : vector<16xi32>
      %and3A_286 = arith.andi %ne3A_280, %eq3A_285 : vector<16xi1>
      %gather3A_287 = tpu.vector_load_idx %arg6[%and3A_276] : memref<8192xi32, #tpu.memory_space<vmem>>[vector<16xi32>], vector<16xi32>,
      %and3A_288 = arith.constant 511 : i32
      %and3A_289 = vector.broadcast %and3A_288 : i32 to vector<16xi32>
      %and3A_290 = arith.andi %shift_right_arithmetic3A_273, %and3A_289 : vector<16xi32>
      %shift_right_arithmetic3A_291 = arith.constant 7 : i32
      %shift_right_arithmetic3A_292 = vector.broadcast %shift_right_arithmetic3A_291 : i32 to vector<16xi32>
      %shift_right_arithmetic3A_293 = arith.shrsi %and3A_290, %shift_right_arithmetic3A_292 : vector<16xi32>
      %and3A_294 = arith.constant 127 : i32
      %and3A_295 = vector.broadcast %and3A_294 : i32 to vector<16xi32>
      %and3A_296 = arith.andi %and3A_290, %and3A_295 : vector<16xi32>
      tpu.vector_store_idx %arg7[%shift_right_arithmetic3A_293, %and3A_296], %gather3A_287 masked %and3A_286 : memref<4x128xi32, #tpu.memory_space<vmem>>[vector<16xi32>, vector<16xi32>], vector<16xi32>, vector<16xi1>
      %mul3A_297 = arith.constant 8 : i32
      %mul3A_298 = arith.muli %scan3A_158, %mul3A_297 : i32
      %add3A_299 = arith.constant 3 : i32
      %add3A_300 = arith.addi %mul3A_298, %add3A_299 : i32
      %mul3A_301 = arith.constant 16 : i32
      %mul3A_302 = arith.muli %mul3A_301, %add3A_300 : i32
      %get3A_303 = arith.index_cast %mul3A_302 : i32 to index
      %get3A_304 = tpu.vector_load %arg5[%get3A_303] {strides = array<i32>} : memref<8192xi32, #tpu.memory_space<vmem>>, vector<16xi32>,
      %shift_left3A_305 = arith.constant 13 : i32
      %shift_left3A_306 = vector.broadcast %shift_left3A_305 : i32 to vector<16xi32>
      %shift_left3A_307 = arith.shli %get3A_304, %shift_left3A_306 : vector<16xi32>
      %mul3A_308 = arith.constant 16 : i32
      %mul3A_309 = arith.muli %mul3A_308, %add3A_300 : i32
      %add3A_310 = vector.broadcast %mul3A_309 : i32 to vector<16xi32>
      %add3A_311 = arith.addi %iota3A, %add3A_310 : vector<16xi32>
      %or3A_312 = arith.ori %shift_left3A_307, %add3A_311 : vector<16xi32>
      %sort3A_313 = arith.constant dense<true> : vector<16xi1>
      %sort3A_314, %sort3A_315, %sort3A_316 = tpu.sort %or3A_312, %or3A_312 masked %sort3A_313 : (vector<16xi32>, vector<16xi32>, vector<16xi1>) -> (vector<16xi1>, vector<16xi32>, vector<16xi32>)
      %swap3A_317 = arith.constant 0 : index
      %swap3A_318 = tpu.vector_load %arg8[%swap3A_317] {strides = array<i32>} : memref<32xi32, #tpu.memory_space<vmem>>, vector<16xi32>,
      tpu.vector_store %arg8[%swap3A_317], %sort3A_315 {strides = array<i32>} : memref<32xi32, #tpu.memory_space<vmem>>, vector<16xi32>,
      %gather3A_319 = tpu.vector_load_idx %arg8[%add3A_3] : memref<32xi32, #tpu.memory_space<vmem>>[vector<16xi32>], vector<16xi32>,
      %shift_right_arithmetic3A_320 = arith.constant 13 : i32
      %shift_right_arithmetic3A_321 = vector.broadcast %shift_right_arithmetic3A_320 : i32 to vector<16xi32>
      %shift_right_arithmetic3A_322 = arith.shrsi %sort3A_315, %shift_right_arithmetic3A_321 : vector<16xi32>
      %and3A_323 = arith.constant 8191 : i32
      %and3A_324 = vector.broadcast %and3A_323 : i32 to vector<16xi32>
      %and3A_325 = arith.andi %sort3A_315, %and3A_324 : vector<16xi32>
      %shift_right_arithmetic3A_326 = arith.constant 13 : i32
      %shift_right_arithmetic3A_327 = vector.broadcast %shift_right_arithmetic3A_326 : i32 to vector<16xi32>
      %shift_right_arithmetic3A_328 = arith.shrsi %gather3A_319, %shift_right_arithmetic3A_327 : vector<16xi32>
      %ne3A_329 = arith.cmpi ne, %shift_right_arithmetic3A_322, %shift_right_arithmetic3A_328 : vector<16xi32>
      %shift_right_arithmetic3A_330 = arith.constant 9 : i32
      %shift_right_arithmetic3A_331 = vector.broadcast %shift_right_arithmetic3A_330 : i32 to vector<16xi32>
      %shift_right_arithmetic3A_332 = arith.shrsi %shift_right_arithmetic3A_322, %shift_right_arithmetic3A_331 : vector<16xi32>
      %eq3A_333 = vector.broadcast %add3A : i32 to vector<16xi32>
      %eq3A_334 = arith.cmpi eq, %shift_right_arithmetic3A_332, %eq3A_333 : vector<16xi32>
      %and3A_335 = arith.andi %ne3A_329, %eq3A_334 : vector<16xi1>
      %gather3A_336 = tpu.vector_load_idx %arg6[%and3A_325] : memref<8192xi32, #tpu.memory_space<vmem>>[vector<16xi32>], vector<16xi32>,
      %and3A_337 = arith.constant 511 : i32
      %and3A_338 = vector.broadcast %and3A_337 : i32 to vector<16xi32>
      %and3A_339 = arith.andi %shift_right_arithmetic3A_322, %and3A_338 : vector<16xi32>
      %shift_right_arithmetic3A_340 = arith.constant 7 : i32
      %shift_right_arithmetic3A_341 = vector.broadcast %shift_right_arithmetic3A_340 : i32 to vector<16xi32>
      %shift_right_arithmetic3A_342 = arith.shrsi %and3A_339, %shift_right_arithmetic3A_341 : vector<16xi32>
      %and3A_343 = arith.constant 127 : i32
      %and3A_344 = vector.broadcast %and3A_343 : i32 to vector<16xi32>
      %and3A_345 = arith.andi %and3A_339, %and3A_344 : vector<16xi32>
      tpu.vector_store_idx %arg7[%shift_right_arithmetic3A_342, %and3A_345], %gather3A_336 masked %and3A_335 : memref<4x128xi32, #tpu.memory_space<vmem>>[vector<16xi32>, vector<16xi32>], vector<16xi32>, vector<16xi1>
      %mul3A_346 = arith.constant 8 : i32
      %mul3A_347 = arith.muli %scan3A_158, %mul3A_346 : i32
      %add3A_348 = arith.constant 4 : i32
      %add3A_349 = arith.addi %mul3A_347, %add3A_348 : i32
      %mul3A_350 = arith.constant 16 : i32
      %mul3A_351 = arith.muli %mul3A_350, %add3A_349 : i32
      %get3A_352 = arith.index_cast %mul3A_351 : i32 to index
      %get3A_353 = tpu.vector_load %arg5[%get3A_352] {strides = array<i32>} : memref<8192xi32, #tpu.memory_space<vmem>>, vector<16xi32>,
      %shift_left3A_354 = arith.constant 13 : i32
      %shift_left3A_355 = vector.broadcast %shift_left3A_354 : i32 to vector<16xi32>
      %shift_left3A_356 = arith.shli %get3A_353, %shift_left3A_355 : vector<16xi32>
      %mul3A_357 = arith.constant 16 : i32
      %mul3A_358 = arith.muli %mul3A_357, %add3A_349 : i32
      %add3A_359 = vector.broadcast %mul3A_358 : i32 to vector<16xi32>
      %add3A_360 = arith.addi %iota3A, %add3A_359 : vector<16xi32>
      %or3A_361 = arith.ori %shift_left3A_356, %add3A_360 : vector<16xi32>
      %sort3A_362 = arith.constant dense<true> : vector<16xi1>
      %sort3A_363, %sort3A_364, %sort3A_365 = tpu.sort %or3A_361, %or3A_361 masked %sort3A_362 : (vector<16xi32>, vector<16xi32>, vector<16xi1>) -> (vector<16xi1>, vector<16xi32>, vector<16xi32>)
      %swap3A_366 = arith.constant 0 : index
      %swap3A_367 = tpu.vector_load %arg8[%swap3A_366] {strides = array<i32>} : memref<32xi32, #tpu.memory_space<vmem>>, vector<16xi32>,
      tpu.vector_store %arg8[%swap3A_366], %sort3A_364 {strides = array<i32>} : memref<32xi32, #tpu.memory_space<vmem>>, vector<16xi32>,
      %gather3A_368 = tpu.vector_load_idx %arg8[%add3A_3] : memref<32xi32, #tpu.memory_space<vmem>>[vector<16xi32>], vector<16xi32>,
      %shift_right_arithmetic3A_369 = arith.constant 13 : i32
      %shift_right_arithmetic3A_370 = vector.broadcast %shift_right_arithmetic3A_369 : i32 to vector<16xi32>
      %shift_right_arithmetic3A_371 = arith.shrsi %sort3A_364, %shift_right_arithmetic3A_370 : vector<16xi32>
      %and3A_372 = arith.constant 8191 : i32
      %and3A_373 = vector.broadcast %and3A_372 : i32 to vector<16xi32>
      %and3A_374 = arith.andi %sort3A_364, %and3A_373 : vector<16xi32>
      %shift_right_arithmetic3A_375 = arith.constant 13 : i32
      %shift_right_arithmetic3A_376 = vector.broadcast %shift_right_arithmetic3A_375 : i32 to vector<16xi32>
      %shift_right_arithmetic3A_377 = arith.shrsi %gather3A_368, %shift_right_arithmetic3A_376 : vector<16xi32>
      %ne3A_378 = arith.cmpi ne, %shift_right_arithmetic3A_371, %shift_right_arithmetic3A_377 : vector<16xi32>
      %shift_right_arithmetic3A_379 = arith.constant 9 : i32
      %shift_right_arithmetic3A_380 = vector.broadcast %shift_right_arithmetic3A_379 : i32 to vector<16xi32>
      %shift_right_arithmetic3A_381 = arith.shrsi %shift_right_arithmetic3A_371, %shift_right_arithmetic3A_380 : vector<16xi32>
      %eq3A_382 = vector.broadcast %add3A : i32 to vector<16xi32>
      %eq3A_383 = arith.cmpi eq, %shift_right_arithmetic3A_381, %eq3A_382 : vector<16xi32>
      %and3A_384 = arith.andi %ne3A_378, %eq3A_383 : vector<16xi1>
      %gather3A_385 = tpu.vector_load_idx %arg6[%and3A_374] : memref<8192xi32, #tpu.memory_space<vmem>>[vector<16xi32>], vector<16xi32>,
      %and3A_386 = arith.constant 511 : i32
      %and3A_387 = vector.broadcast %and3A_386 : i32 to vector<16xi32>
      %and3A_388 = arith.andi %shift_right_arithmetic3A_371, %and3A_387 : vector<16xi32>
      %shift_right_arithmetic3A_389 = arith.constant 7 : i32
      %shift_right_arithmetic3A_390 = vector.broadcast %shift_right_arithmetic3A_389 : i32 to vector<16xi32>
      %shift_right_arithmetic3A_391 = arith.shrsi %and3A_388, %shift_right_arithmetic3A_390 : vector<16xi32>
      %and3A_392 = arith.constant 127 : i32
      %and3A_393 = vector.broadcast %and3A_392 : i32 to vector<16xi32>
      %and3A_394 = arith.andi %and3A_388, %and3A_393 : vector<16xi32>
      tpu.vector_store_idx %arg7[%shift_right_arithmetic3A_391, %and3A_394], %gather3A_385 masked %and3A_384 : memref<4x128xi32, #tpu.memory_space<vmem>>[vector<16xi32>, vector<16xi32>], vector<16xi32>, vector<16xi1>
      %mul3A_395 = arith.constant 8 : i32
      %mul3A_396 = arith.muli %scan3A_158, %mul3A_395 : i32
      %add3A_397 = arith.constant 5 : i32
      %add3A_398 = arith.addi %mul3A_396, %add3A_397 : i32
      %mul3A_399 = arith.constant 16 : i32
      %mul3A_400 = arith.muli %mul3A_399, %add3A_398 : i32
      %get3A_401 = arith.index_cast %mul3A_400 : i32 to index
      %get3A_402 = tpu.vector_load %arg5[%get3A_401] {strides = array<i32>} : memref<8192xi32, #tpu.memory_space<vmem>>, vector<16xi32>,
      %shift_left3A_403 = arith.constant 13 : i32
      %shift_left3A_404 = vector.broadcast %shift_left3A_403 : i32 to vector<16xi32>
      %shift_left3A_405 = arith.shli %get3A_402, %shift_left3A_404 : vector<16xi32>
      %mul3A_406 = arith.constant 16 : i32
      %mul3A_407 = arith.muli %mul3A_406, %add3A_398 : i32
      %add3A_408 = vector.broadcast %mul3A_407 : i32 to vector<16xi32>
      %add3A_409 = arith.addi %iota3A, %add3A_408 : vector<16xi32>
      %or3A_410 = arith.ori %shift_left3A_405, %add3A_409 : vector<16xi32>
      %sort3A_411 = arith.constant dense<true> : vector<16xi1>
      %sort3A_412, %sort3A_413, %sort3A_414 = tpu.sort %or3A_410, %or3A_410 masked %sort3A_411 : (vector<16xi32>, vector<16xi32>, vector<16xi1>) -> (vector<16xi1>, vector<16xi32>, vector<16xi32>)
      %swap3A_415 = arith.constant 0 : index
      %swap3A_416 = tpu.vector_load %arg8[%swap3A_415] {strides = array<i32>} : memref<32xi32, #tpu.memory_space<vmem>>, vector<16xi32>,
      tpu.vector_store %arg8[%swap3A_415], %sort3A_413 {strides = array<i32>} : memref<32xi32, #tpu.memory_space<vmem>>, vector<16xi32>,
      %gather3A_417 = tpu.vector_load_idx %arg8[%add3A_3] : memref<32xi32, #tpu.memory_space<vmem>>[vector<16xi32>], vector<16xi32>,
      %shift_right_arithmetic3A_418 = arith.constant 13 : i32
      %shift_right_arithmetic3A_419 = vector.broadcast %shift_right_arithmetic3A_418 : i32 to vector<16xi32>
      %shift_right_arithmetic3A_420 = arith.shrsi %sort3A_413, %shift_right_arithmetic3A_419 : vector<16xi32>
      %and3A_421 = arith.constant 8191 : i32
      %and3A_422 = vector.broadcast %and3A_421 : i32 to vector<16xi32>
      %and3A_423 = arith.andi %sort3A_413, %and3A_422 : vector<16xi32>
      %shift_right_arithmetic3A_424 = arith.constant 13 : i32
      %shift_right_arithmetic3A_425 = vector.broadcast %shift_right_arithmetic3A_424 : i32 to vector<16xi32>
      %shift_right_arithmetic3A_426 = arith.shrsi %gather3A_417, %shift_right_arithmetic3A_425 : vector<16xi32>
      %ne3A_427 = arith.cmpi ne, %shift_right_arithmetic3A_420, %shift_right_arithmetic3A_426 : vector<16xi32>
      %shift_right_arithmetic3A_428 = arith.constant 9 : i32
      %shift_right_arithmetic3A_429 = vector.broadcast %shift_right_arithmetic3A_428 : i32 to vector<16xi32>
      %shift_right_arithmetic3A_430 = arith.shrsi %shift_right_arithmetic3A_420, %shift_right_arithmetic3A_429 : vector<16xi32>
      %eq3A_431 = vector.broadcast %add3A : i32 to vector<16xi32>
      %eq3A_432 = arith.cmpi eq, %shift_right_arithmetic3A_430, %eq3A_431 : vector<16xi32>
      %and3A_433 = arith.andi %ne3A_427, %eq3A_432 : vector<16xi1>
      %gather3A_434 = tpu.vector_load_idx %arg6[%and3A_423] : memref<8192xi32, #tpu.memory_space<vmem>>[vector<16xi32>], vector<16xi32>,
      %and3A_435 = arith.constant 511 : i32
      %and3A_436 = vector.broadcast %and3A_435 : i32 to vector<16xi32>
      %and3A_437 = arith.andi %shift_right_arithmetic3A_420, %and3A_436 : vector<16xi32>
      %shift_right_arithmetic3A_438 = arith.constant 7 : i32
      %shift_right_arithmetic3A_439 = vector.broadcast %shift_right_arithmetic3A_438 : i32 to vector<16xi32>
      %shift_right_arithmetic3A_440 = arith.shrsi %and3A_437, %shift_right_arithmetic3A_439 : vector<16xi32>
      %and3A_441 = arith.constant 127 : i32
      %and3A_442 = vector.broadcast %and3A_441 : i32 to vector<16xi32>
      %and3A_443 = arith.andi %and3A_437, %and3A_442 : vector<16xi32>
      tpu.vector_store_idx %arg7[%shift_right_arithmetic3A_440, %and3A_443], %gather3A_434 masked %and3A_433 : memref<4x128xi32, #tpu.memory_space<vmem>>[vector<16xi32>, vector<16xi32>], vector<16xi32>, vector<16xi1>
      %mul3A_444 = arith.constant 8 : i32
      %mul3A_445 = arith.muli %scan3A_158, %mul3A_444 : i32
      %add3A_446 = arith.constant 6 : i32
      %add3A_447 = arith.addi %mul3A_445, %add3A_446 : i32
      %mul3A_448 = arith.constant 16 : i32
      %mul3A_449 = arith.muli %mul3A_448, %add3A_447 : i32
      %get3A_450 = arith.index_cast %mul3A_449 : i32 to index
      %get3A_451 = tpu.vector_load %arg5[%get3A_450] {strides = array<i32>} : memref<8192xi32, #tpu.memory_space<vmem>>, vector<16xi32>,
      %shift_left3A_452 = arith.constant 13 : i32
      %shift_left3A_453 = vector.broadcast %shift_left3A_452 : i32 to vector<16xi32>
      %shift_left3A_454 = arith.shli %get3A_451, %shift_left3A_453 : vector<16xi32>
      %mul3A_455 = arith.constant 16 : i32
      %mul3A_456 = arith.muli %mul3A_455, %add3A_447 : i32
      %add3A_457 = vector.broadcast %mul3A_456 : i32 to vector<16xi32>
      %add3A_458 = arith.addi %iota3A, %add3A_457 : vector<16xi32>
      %or3A_459 = arith.ori %shift_left3A_454, %add3A_458 : vector<16xi32>
      %sort3A_460 = arith.constant dense<true> : vector<16xi1>
      %sort3A_461, %sort3A_462, %sort3A_463 = tpu.sort %or3A_459, %or3A_459 masked %sort3A_460 : (vector<16xi32>, vector<16xi32>, vector<16xi1>) -> (vector<16xi1>, vector<16xi32>, vector<16xi32>)
      %swap3A_464 = arith.constant 0 : index
      %swap3A_465 = tpu.vector_load %arg8[%swap3A_464] {strides = array<i32>} : memref<32xi32, #tpu.memory_space<vmem>>, vector<16xi32>,
      tpu.vector_store %arg8[%swap3A_464], %sort3A_462 {strides = array<i32>} : memref<32xi32, #tpu.memory_space<vmem>>, vector<16xi32>,
      %gather3A_466 = tpu.vector_load_idx %arg8[%add3A_3] : memref<32xi32, #tpu.memory_space<vmem>>[vector<16xi32>], vector<16xi32>,
      %shift_right_arithmetic3A_467 = arith.constant 13 : i32
      %shift_right_arithmetic3A_468 = vector.broadcast %shift_right_arithmetic3A_467 : i32 to vector<16xi32>
      %shift_right_arithmetic3A_469 = arith.shrsi %sort3A_462, %shift_right_arithmetic3A_468 : vector<16xi32>
      %and3A_470 = arith.constant 8191 : i32
      %and3A_471 = vector.broadcast %and3A_470 : i32 to vector<16xi32>
      %and3A_472 = arith.andi %sort3A_462, %and3A_471 : vector<16xi32>
      %shift_right_arithmetic3A_473 = arith.constant 13 : i32
      %shift_right_arithmetic3A_474 = vector.broadcast %shift_right_arithmetic3A_473 : i32 to vector<16xi32>
      %shift_right_arithmetic3A_475 = arith.shrsi %gather3A_466, %shift_right_arithmetic3A_474 : vector<16xi32>
      %ne3A_476 = arith.cmpi ne, %shift_right_arithmetic3A_469, %shift_right_arithmetic3A_475 : vector<16xi32>
      %shift_right_arithmetic3A_477 = arith.constant 9 : i32
      %shift_right_arithmetic3A_478 = vector.broadcast %shift_right_arithmetic3A_477 : i32 to vector<16xi32>
      %shift_right_arithmetic3A_479 = arith.shrsi %shift_right_arithmetic3A_469, %shift_right_arithmetic3A_478 : vector<16xi32>
      %eq3A_480 = vector.broadcast %add3A : i32 to vector<16xi32>
      %eq3A_481 = arith.cmpi eq, %shift_right_arithmetic3A_479, %eq3A_480 : vector<16xi32>
      %and3A_482 = arith.andi %ne3A_476, %eq3A_481 : vector<16xi1>
      %gather3A_483 = tpu.vector_load_idx %arg6[%and3A_472] : memref<8192xi32, #tpu.memory_space<vmem>>[vector<16xi32>], vector<16xi32>,
      %and3A_484 = arith.constant 511 : i32
      %and3A_485 = vector.broadcast %and3A_484 : i32 to vector<16xi32>
      %and3A_486 = arith.andi %shift_right_arithmetic3A_469, %and3A_485 : vector<16xi32>
      %shift_right_arithmetic3A_487 = arith.constant 7 : i32
      %shift_right_arithmetic3A_488 = vector.broadcast %shift_right_arithmetic3A_487 : i32 to vector<16xi32>
      %shift_right_arithmetic3A_489 = arith.shrsi %and3A_486, %shift_right_arithmetic3A_488 : vector<16xi32>
      %and3A_490 = arith.constant 127 : i32
      %and3A_491 = vector.broadcast %and3A_490 : i32 to vector<16xi32>
      %and3A_492 = arith.andi %and3A_486, %and3A_491 : vector<16xi32>
      tpu.vector_store_idx %arg7[%shift_right_arithmetic3A_489, %and3A_492], %gather3A_483 masked %and3A_482 : memref<4x128xi32, #tpu.memory_space<vmem>>[vector<16xi32>, vector<16xi32>], vector<16xi32>, vector<16xi1>
      %mul3A_493 = arith.constant 8 : i32
      %mul3A_494 = arith.muli %scan3A_158, %mul3A_493 : i32
      %add3A_495 = arith.constant 7 : i32
      %add3A_496 = arith.addi %mul3A_494, %add3A_495 : i32
      %mul3A_497 = arith.constant 16 : i32
      %mul3A_498 = arith.muli %mul3A_497, %add3A_496 : i32
      %get3A_499 = arith.index_cast %mul3A_498 : i32 to index
      %get3A_500 = tpu.vector_load %arg5[%get3A_499] {strides = array<i32>} : memref<8192xi32, #tpu.memory_space<vmem>>, vector<16xi32>,
      %shift_left3A_501 = arith.constant 13 : i32
      %shift_left3A_502 = vector.broadcast %shift_left3A_501 : i32 to vector<16xi32>
      %shift_left3A_503 = arith.shli %get3A_500, %shift_left3A_502 : vector<16xi32>
      %mul3A_504 = arith.constant 16 : i32
      %mul3A_505 = arith.muli %mul3A_504, %add3A_496 : i32
      %add3A_506 = vector.broadcast %mul3A_505 : i32 to vector<16xi32>
      %add3A_507 = arith.addi %iota3A, %add3A_506 : vector<16xi32>
      %or3A_508 = arith.ori %shift_left3A_503, %add3A_507 : vector<16xi32>
      %sort3A_509 = arith.constant dense<true> : vector<16xi1>
      %sort3A_510, %sort3A_511, %sort3A_512 = tpu.sort %or3A_508, %or3A_508 masked %sort3A_509 : (vector<16xi32>, vector<16xi32>, vector<16xi1>) -> (vector<16xi1>, vector<16xi32>, vector<16xi32>)
      %swap3A_513 = arith.constant 0 : index
      %swap3A_514 = tpu.vector_load %arg8[%swap3A_513] {strides = array<i32>} : memref<32xi32, #tpu.memory_space<vmem>>, vector<16xi32>,
      tpu.vector_store %arg8[%swap3A_513], %sort3A_511 {strides = array<i32>} : memref<32xi32, #tpu.memory_space<vmem>>, vector<16xi32>,
      %gather3A_515 = tpu.vector_load_idx %arg8[%add3A_3] : memref<32xi32, #tpu.memory_space<vmem>>[vector<16xi32>], vector<16xi32>,
      %shift_right_arithmetic3A_516 = arith.constant 13 : i32
      %shift_right_arithmetic3A_517 = vector.broadcast %shift_right_arithmetic3A_516 : i32 to vector<16xi32>
      %shift_right_arithmetic3A_518 = arith.shrsi %sort3A_511, %shift_right_arithmetic3A_517 : vector<16xi32>
      %and3A_519 = arith.constant 8191 : i32
      %and3A_520 = vector.broadcast %and3A_519 : i32 to vector<16xi32>
      %and3A_521 = arith.andi %sort3A_511, %and3A_520 : vector<16xi32>
      %shift_right_arithmetic3A_522 = arith.constant 13 : i32
      %shift_right_arithmetic3A_523 = vector.broadcast %shift_right_arithmetic3A_522 : i32 to vector<16xi32>
      %shift_right_arithmetic3A_524 = arith.shrsi %gather3A_515, %shift_right_arithmetic3A_523 : vector<16xi32>
      %ne3A_525 = arith.cmpi ne, %shift_right_arithmetic3A_518, %shift_right_arithmetic3A_524 : vector<16xi32>
      %shift_right_arithmetic3A_526 = arith.constant 9 : i32
      %shift_right_arithmetic3A_527 = vector.broadcast %shift_right_arithmetic3A_526 : i32 to vector<16xi32>
      %shift_right_arithmetic3A_528 = arith.shrsi %shift_right_arithmetic3A_518, %shift_right_arithmetic3A_527 : vector<16xi32>
      %eq3A_529 = vector.broadcast %add3A : i32 to vector<16xi32>
      %eq3A_530 = arith.cmpi eq, %shift_right_arithmetic3A_528, %eq3A_529 : vector<16xi32>
      %and3A_531 = arith.andi %ne3A_525, %eq3A_530 : vector<16xi1>
      %gather3A_532 = tpu.vector_load_idx %arg6[%and3A_521] : memref<8192xi32, #tpu.memory_space<vmem>>[vector<16xi32>], vector<16xi32>,
      %and3A_533 = arith.constant 511 : i32
      %and3A_534 = vector.broadcast %and3A_533 : i32 to vector<16xi32>
      %and3A_535 = arith.andi %shift_right_arithmetic3A_518, %and3A_534 : vector<16xi32>
      %shift_right_arithmetic3A_536 = arith.constant 7 : i32
      %shift_right_arithmetic3A_537 = vector.broadcast %shift_right_arithmetic3A_536 : i32 to vector<16xi32>
      %shift_right_arithmetic3A_538 = arith.shrsi %and3A_535, %shift_right_arithmetic3A_537 : vector<16xi32>
      %and3A_539 = arith.constant 127 : i32
      %and3A_540 = vector.broadcast %and3A_539 : i32 to vector<16xi32>
      %and3A_541 = arith.andi %and3A_535, %and3A_540 : vector<16xi32>
      tpu.vector_store_idx %arg7[%shift_right_arithmetic3A_538, %and3A_541], %gather3A_532 masked %and3A_531 : memref<4x128xi32, #tpu.memory_space<vmem>>[vector<16xi32>, vector<16xi32>], vector<16xi32>, vector<16xi1>
    }
    %scan3A_138 = arith.constant 64 : i32
    %mul3A_139 = arith.constant 512 : i32
    %mul3A_140 = arith.muli %add3A, %mul3A_139 : i32
    %add3A_141 = arith.constant 0 : i32
    %add3A_142 = arith.addi %mul3A_140, %add3A_141 : i32
    %run_scoped3A = arith.constant 0 : i32
    "tpu.region"() ({
      %run_scoped3A_158 = tpu.sem_alloc : memref<!tpu.dma_semaphore, #tpu.memory_space<semaphore_mem>>
      %dma_start3A = arith.constant 0 : i32
      %dma_start3A_159 = tpu.memref_slice %arg7[%run_scoped3A, %dma_start3A] : memref<4x128xi32, #tpu.memory_space<vmem>> -> memref<1x128xi32, #tpu.memory_space<vmem>>
      %dma_start3A_160 = tpu.memref_squeeze %dma_start3A_159 : memref<1x128xi32, #tpu.memory_space<vmem>> -> memref<128xi32, #tpu.memory_space<vmem>>
      %dma_start3A_161 = tpu.memref_slice %arg4[%add3A_142] : memref<16384xi32, #tpu.memory_space<hbm>> -> memref<128xi32, #tpu.memory_space<hbm>>
      %dma_start3A_162 = tpu.memref_slice %arg4[%add3A_142] : memref<16384xi32, #tpu.memory_space<hbm>> -> memref<128xi32, #tpu.memory_space<hbm>>
      %dma_start3A_163 = arith.constant 0 : i32
      %dma_start3A_164 = tpu.memref_slice %arg7[%run_scoped3A, %dma_start3A_163] : memref<4x128xi32, #tpu.memory_space<vmem>> -> memref<1x128xi32, #tpu.memory_space<vmem>>
      %dma_start3A_165 = tpu.memref_squeeze %dma_start3A_164 : memref<1x128xi32, #tpu.memory_space<vmem>> -> memref<128xi32, #tpu.memory_space<vmem>>
      tpu.enqueue_dma source(%dma_start3A_165 : memref<128xi32, #tpu.memory_space<vmem>>) target(%dma_start3A_162 : memref<128xi32, #tpu.memory_space<hbm>>) target_semaphore(%run_scoped3A_158 : memref<!tpu.dma_semaphore, #tpu.memory_space<semaphore_mem>>)
      %dma_wait3A = arith.constant 0 : i32
      %dma_wait3A_166 = tpu.memref_slice %arg7[%run_scoped3A, %dma_wait3A] : memref<4x128xi32, #tpu.memory_space<vmem>> -> memref<1x128xi32, #tpu.memory_space<vmem>>
      %dma_wait3A_167 = tpu.memref_squeeze %dma_wait3A_166 : memref<1x128xi32, #tpu.memory_space<vmem>> -> memref<128xi32, #tpu.memory_space<vmem>>
      %dma_wait3A_168 = tpu.memref_slice %arg4[%add3A_142] : memref<16384xi32, #tpu.memory_space<hbm>> -> memref<128xi32, #tpu.memory_space<hbm>>
      %dma_wait3A_169 = tpu.memref_slice %arg4[%add3A_142] : memref<16384xi32, #tpu.memory_space<hbm>> -> memref<128xi32, #tpu.memory_space<hbm>>
      %dma_wait3A_170 = arith.constant 0 : i32
      %dma_wait3A_171 = tpu.memref_slice %arg7[%run_scoped3A, %dma_wait3A_170] : memref<4x128xi32, #tpu.memory_space<vmem>> -> memref<1x128xi32, #tpu.memory_space<vmem>>
      %dma_wait3A_172 = tpu.memref_squeeze %dma_wait3A_171 : memref<1x128xi32, #tpu.memory_space<vmem>> -> memref<128xi32, #tpu.memory_space<vmem>>
      tpu.wait_dma2 semaphore(%run_scoped3A_158 : memref<!tpu.dma_semaphore, #tpu.memory_space<semaphore_mem>>) src(%dma_wait3A_172 : memref<128xi32, #tpu.memory_space<vmem>>) dst(%dma_wait3A_169 : memref<128xi32, #tpu.memory_space<hbm>>)
      tpu.yield
    }) : () -> ()
    %mul3A_143 = arith.constant 512 : i32
    %mul3A_144 = arith.muli %add3A, %mul3A_143 : i32
    %add3A_145 = arith.constant 128 : i32
    %add3A_146 = arith.addi %mul3A_144, %add3A_145 : i32
    %run_scoped3A_147 = arith.constant 1 : i32
    "tpu.region"() ({
      %run_scoped3A_158 = tpu.sem_alloc : memref<!tpu.dma_semaphore, #tpu.memory_space<semaphore_mem>>
      %dma_start3A = arith.constant 0 : i32
      %dma_start3A_159 = tpu.memref_slice %arg7[%run_scoped3A_147, %dma_start3A] : memref<4x128xi32, #tpu.memory_space<vmem>> -> memref<1x128xi32, #tpu.memory_space<vmem>>
      %dma_start3A_160 = tpu.memref_squeeze %dma_start3A_159 : memref<1x128xi32, #tpu.memory_space<vmem>> -> memref<128xi32, #tpu.memory_space<vmem>>
      %dma_start3A_161 = tpu.memref_slice %arg4[%add3A_146] : memref<16384xi32, #tpu.memory_space<hbm>> -> memref<128xi32, #tpu.memory_space<hbm>>
      %dma_start3A_162 = tpu.memref_slice %arg4[%add3A_146] : memref<16384xi32, #tpu.memory_space<hbm>> -> memref<128xi32, #tpu.memory_space<hbm>>
      %dma_start3A_163 = arith.constant 0 : i32
      %dma_start3A_164 = tpu.memref_slice %arg7[%run_scoped3A_147, %dma_start3A_163] : memref<4x128xi32, #tpu.memory_space<vmem>> -> memref<1x128xi32, #tpu.memory_space<vmem>>
      %dma_start3A_165 = tpu.memref_squeeze %dma_start3A_164 : memref<1x128xi32, #tpu.memory_space<vmem>> -> memref<128xi32, #tpu.memory_space<vmem>>
      tpu.enqueue_dma source(%dma_start3A_165 : memref<128xi32, #tpu.memory_space<vmem>>) target(%dma_start3A_162 : memref<128xi32, #tpu.memory_space<hbm>>) target_semaphore(%run_scoped3A_158 : memref<!tpu.dma_semaphore, #tpu.memory_space<semaphore_mem>>)
      %dma_wait3A = arith.constant 0 : i32
      %dma_wait3A_166 = tpu.memref_slice %arg7[%run_scoped3A_147, %dma_wait3A] : memref<4x128xi32, #tpu.memory_space<vmem>> -> memref<1x128xi32, #tpu.memory_space<vmem>>
      %dma_wait3A_167 = tpu.memref_squeeze %dma_wait3A_166 : memref<1x128xi32, #tpu.memory_space<vmem>> -> memref<128xi32, #tpu.memory_space<vmem>>
      %dma_wait3A_168 = tpu.memref_slice %arg4[%add3A_146] : memref<16384xi32, #tpu.memory_space<hbm>> -> memref<128xi32, #tpu.memory_space<hbm>>
      %dma_wait3A_169 = tpu.memref_slice %arg4[%add3A_146] : memref<16384xi32, #tpu.memory_space<hbm>> -> memref<128xi32, #tpu.memory_space<hbm>>
      %dma_wait3A_170 = arith.constant 0 : i32
      %dma_wait3A_171 = tpu.memref_slice %arg7[%run_scoped3A_147, %dma_wait3A_170] : memref<4x128xi32, #tpu.memory_space<vmem>> -> memref<1x128xi32, #tpu.memory_space<vmem>>
      %dma_wait3A_172 = tpu.memref_squeeze %dma_wait3A_171 : memref<1x128xi32, #tpu.memory_space<vmem>> -> memref<128xi32, #tpu.memory_space<vmem>>
      tpu.wait_dma2 semaphore(%run_scoped3A_158 : memref<!tpu.dma_semaphore, #tpu.memory_space<semaphore_mem>>) src(%dma_wait3A_172 : memref<128xi32, #tpu.memory_space<vmem>>) dst(%dma_wait3A_169 : memref<128xi32, #tpu.memory_space<hbm>>)
      tpu.yield
    }) : () -> ()
    %mul3A_148 = arith.constant 512 : i32
    %mul3A_149 = arith.muli %add3A, %mul3A_148 : i32
    %add3A_150 = arith.constant 256 : i32
    %add3A_151 = arith.addi %mul3A_149, %add3A_150 : i32
    %run_scoped3A_152 = arith.constant 2 : i32
    "tpu.region"() ({
      %run_scoped3A_158 = tpu.sem_alloc : memref<!tpu.dma_semaphore, #tpu.memory_space<semaphore_mem>>
      %dma_start3A = arith.constant 0 : i32
      %dma_start3A_159 = tpu.memref_slice %arg7[%run_scoped3A_152, %dma_start3A] : memref<4x128xi32, #tpu.memory_space<vmem>> -> memref<1x128xi32, #tpu.memory_space<vmem>>
      %dma_start3A_160 = tpu.memref_squeeze %dma_start3A_159 : memref<1x128xi32, #tpu.memory_space<vmem>> -> memref<128xi32, #tpu.memory_space<vmem>>
      %dma_start3A_161 = tpu.memref_slice %arg4[%add3A_151] : memref<16384xi32, #tpu.memory_space<hbm>> -> memref<128xi32, #tpu.memory_space<hbm>>
      %dma_start3A_162 = tpu.memref_slice %arg4[%add3A_151] : memref<16384xi32, #tpu.memory_space<hbm>> -> memref<128xi32, #tpu.memory_space<hbm>>
      %dma_start3A_163 = arith.constant 0 : i32
      %dma_start3A_164 = tpu.memref_slice %arg7[%run_scoped3A_152, %dma_start3A_163] : memref<4x128xi32, #tpu.memory_space<vmem>> -> memref<1x128xi32, #tpu.memory_space<vmem>>
      %dma_start3A_165 = tpu.memref_squeeze %dma_start3A_164 : memref<1x128xi32, #tpu.memory_space<vmem>> -> memref<128xi32, #tpu.memory_space<vmem>>
      tpu.enqueue_dma source(%dma_start3A_165 : memref<128xi32, #tpu.memory_space<vmem>>) target(%dma_start3A_162 : memref<128xi32, #tpu.memory_space<hbm>>) target_semaphore(%run_scoped3A_158 : memref<!tpu.dma_semaphore, #tpu.memory_space<semaphore_mem>>)
      %dma_wait3A = arith.constant 0 : i32
      %dma_wait3A_166 = tpu.memref_slice %arg7[%run_scoped3A_152, %dma_wait3A] : memref<4x128xi32, #tpu.memory_space<vmem>> -> memref<1x128xi32, #tpu.memory_space<vmem>>
      %dma_wait3A_167 = tpu.memref_squeeze %dma_wait3A_166 : memref<1x128xi32, #tpu.memory_space<vmem>> -> memref<128xi32, #tpu.memory_space<vmem>>
      %dma_wait3A_168 = tpu.memref_slice %arg4[%add3A_151] : memref<16384xi32, #tpu.memory_space<hbm>> -> memref<128xi32, #tpu.memory_space<hbm>>
      %dma_wait3A_169 = tpu.memref_slice %arg4[%add3A_151] : memref<16384xi32, #tpu.memory_space<hbm>> -> memref<128xi32, #tpu.memory_space<hbm>>
      %dma_wait3A_170 = arith.constant 0 : i32
      %dma_wait3A_171 = tpu.memref_slice %arg7[%run_scoped3A_152, %dma_wait3A_170] : memref<4x128xi32, #tpu.memory_space<vmem>> -> memref<1x128xi32, #tpu.memory_space<vmem>>
      %dma_wait3A_172 = tpu.memref_squeeze %dma_wait3A_171 : memref<1x128xi32, #tpu.memory_space<vmem>> -> memref<128xi32, #tpu.memory_space<vmem>>
      tpu.wait_dma2 semaphore(%run_scoped3A_158 : memref<!tpu.dma_semaphore, #tpu.memory_space<semaphore_mem>>) src(%dma_wait3A_172 : memref<128xi32, #tpu.memory_space<vmem>>) dst(%dma_wait3A_169 : memref<128xi32, #tpu.memory_space<hbm>>)
      tpu.yield
    }) : () -> ()
    %mul3A_153 = arith.constant 512 : i32
    %mul3A_154 = arith.muli %add3A, %mul3A_153 : i32
    %add3A_155 = arith.constant 384 : i32
    %add3A_156 = arith.addi %mul3A_154, %add3A_155 : i32
    %run_scoped3A_157 = arith.constant 3 : i32
    "tpu.region"() ({
      %run_scoped3A_158 = tpu.sem_alloc : memref<!tpu.dma_semaphore, #tpu.memory_space<semaphore_mem>>
      %dma_start3A = arith.constant 0 : i32
      %dma_start3A_159 = tpu.memref_slice %arg7[%run_scoped3A_157, %dma_start3A] : memref<4x128xi32, #tpu.memory_space<vmem>> -> memref<1x128xi32, #tpu.memory_space<vmem>>
      %dma_start3A_160 = tpu.memref_squeeze %dma_start3A_159 : memref<1x128xi32, #tpu.memory_space<vmem>> -> memref<128xi32, #tpu.memory_space<vmem>>
      %dma_start3A_161 = tpu.memref_slice %arg4[%add3A_156] : memref<16384xi32, #tpu.memory_space<hbm>> -> memref<128xi32, #tpu.memory_space<hbm>>
      %dma_start3A_162 = tpu.memref_slice %arg4[%add3A_156] : memref<16384xi32, #tpu.memory_space<hbm>> -> memref<128xi32, #tpu.memory_space<hbm>>
      %dma_start3A_163 = arith.constant 0 : i32
      %dma_start3A_164 = tpu.memref_slice %arg7[%run_scoped3A_157, %dma_start3A_163] : memref<4x128xi32, #tpu.memory_space<vmem>> -> memref<1x128xi32, #tpu.memory_space<vmem>>
      %dma_start3A_165 = tpu.memref_squeeze %dma_start3A_164 : memref<1x128xi32, #tpu.memory_space<vmem>> -> memref<128xi32, #tpu.memory_space<vmem>>
      tpu.enqueue_dma source(%dma_start3A_165 : memref<128xi32, #tpu.memory_space<vmem>>) target(%dma_start3A_162 : memref<128xi32, #tpu.memory_space<hbm>>) target_semaphore(%run_scoped3A_158 : memref<!tpu.dma_semaphore, #tpu.memory_space<semaphore_mem>>)
      %dma_wait3A = arith.constant 0 : i32
      %dma_wait3A_166 = tpu.memref_slice %arg7[%run_scoped3A_157, %dma_wait3A] : memref<4x128xi32, #tpu.memory_space<vmem>> -> memref<1x128xi32, #tpu.memory_space<vmem>>
      %dma_wait3A_167 = tpu.memref_squeeze %dma_wait3A_166 : memref<1x128xi32, #tpu.memory_space<vmem>> -> memref<128xi32, #tpu.memory_space<vmem>>
      %dma_wait3A_168 = tpu.memref_slice %arg4[%add3A_156] : memref<16384xi32, #tpu.memory_space<hbm>> -> memref<128xi32, #tpu.memory_space<hbm>>
      %dma_wait3A_169 = tpu.memref_slice %arg4[%add3A_156] : memref<16384xi32, #tpu.memory_space<hbm>> -> memref<128xi32, #tpu.memory_space<hbm>>
      %dma_wait3A_170 = arith.constant 0 : i32
      %dma_wait3A_171 = tpu.memref_slice %arg7[%run_scoped3A_157, %dma_wait3A_170] : memref<4x128xi32, #tpu.memory_space<vmem>> -> memref<1x128xi32, #tpu.memory_space<vmem>>
      %dma_wait3A_172 = tpu.memref_squeeze %dma_wait3A_171 : memref<1x128xi32, #tpu.memory_space<vmem>> -> memref<128xi32, #tpu.memory_space<vmem>>
      tpu.wait_dma2 semaphore(%run_scoped3A_158 : memref<!tpu.dma_semaphore, #tpu.memory_space<semaphore_mem>>) src(%dma_wait3A_172 : memref<128xi32, #tpu.memory_space<vmem>>) dst(%dma_wait3A_169 : memref<128xi32, #tpu.memory_space<hbm>>)
      tpu.yield
    }) : () -> ()
    return
  }
}

#map = affine_map<(d0, d1) -> (0)>
#map1 = affine_map<(d0, d1) -> (0, 0)>
module attributes {stable_mosaic.version = 14 : i64} {
  func.func @k(%arg0: i32, %arg1: i32, %arg2: memref<16384xi32, #tpu.memory_space<hbm>>, %arg3: memref<100000x64xf32, #tpu.memory_space<hbm>>, %arg4: memref<16384x64xf32, #tpu.memory_space<hbm>>, %arg5: memref<512xi32, #tpu.memory_space<vmem>>, %arg6: memref<512x64xf32, #tpu.memory_space<vmem>>, %arg7: memref<!tpu.dma_semaphore, #tpu.memory_space<semaphore_mem>>) attributes {dimension_semantics = [#tpu.dimension_semantics<core_parallel>, #tpu.dimension_semantics<subcore_parallel>], iteration_bounds = array<i64: 2, 16>, scalar_prefetch = 0 : i64, scratch_operands = 3 : i64, tpu.core_type = #tpu.core_type<sc_vector_subcore>, window_params = [{transform_indices = #map}, {transform_indices = #map1}, {transform_indices = #map1}]} {
    %mul3A = arith.constant 16 : i32
    %mul3A_0 = arith.muli %arg0, %mul3A : i32
    %add3A = arith.addi %mul3A_0, %arg1 : i32
    %mul3A_1 = arith.constant 512 : i32
    %mul3A_2 = arith.muli %add3A, %mul3A_1 : i32
    "tpu.region"() ({
      %run_scoped3A = tpu.sem_alloc : memref<!tpu.dma_semaphore, #tpu.memory_space<semaphore_mem>>
      %dma_start3A = tpu.memref_slice %arg2[%mul3A_2] : memref<16384xi32, #tpu.memory_space<hbm>> -> memref<512xi32, #tpu.memory_space<hbm>>
      %dma_start3A_21 = tpu.memref_slice %arg2[%mul3A_2] : memref<16384xi32, #tpu.memory_space<hbm>> -> memref<512xi32, #tpu.memory_space<hbm>>
      tpu.enqueue_dma source(%dma_start3A_21 : memref<512xi32, #tpu.memory_space<hbm>>) target(%arg5 : memref<512xi32, #tpu.memory_space<vmem>>) target_semaphore(%run_scoped3A : memref<!tpu.dma_semaphore, #tpu.memory_space<semaphore_mem>>)
      %dma_wait3A = tpu.memref_slice %arg2[%mul3A_2] : memref<16384xi32, #tpu.memory_space<hbm>> -> memref<512xi32, #tpu.memory_space<hbm>>
      %dma_wait3A_22 = tpu.memref_slice %arg2[%mul3A_2] : memref<16384xi32, #tpu.memory_space<hbm>> -> memref<512xi32, #tpu.memory_space<hbm>>
      tpu.wait_dma2 semaphore(%run_scoped3A : memref<!tpu.dma_semaphore, #tpu.memory_space<semaphore_mem>>) src(%dma_wait3A_22 : memref<512xi32, #tpu.memory_space<hbm>>) dst(%arg5 : memref<512xi32, #tpu.memory_space<vmem>>)
      tpu.yield
    }) : () -> ()
    %broadcast_in_dim3A = arith.constant 0.000000e+00 : f32
    %broadcast_in_dim3A_3 = vector.broadcast %broadcast_in_dim3A : f32 to vector<16xf32>
    %scan3A = arith.constant 0 : i32
    %scan3A_4 = arith.constant 0 : i32
    %scan3A_5 = arith.constant 512 : i32
    %scan3A_6 = arith.addi %scan3A_4, %scan3A_5 : i32
    %scan3A_7 = arith.constant 1 : i32
    scf.for %scan3A_21 = %scan3A_4 to %scan3A_6 step %scan3A_7  : i32 {
      %swap3A = arith.index_cast %scan3A_21 : i32 to index
      %swap3A_22 = arith.constant 0 : index
      %swap3A_23 = tpu.vector_load %arg6[%swap3A, %swap3A_22] {strides = array<i32>} : memref<512x64xf32, #tpu.memory_space<vmem>>, vector<16xf32>,
      tpu.vector_store %arg6[%swap3A, %swap3A_22], %broadcast_in_dim3A_3 {strides = array<i32>} : memref<512x64xf32, #tpu.memory_space<vmem>>, vector<16xf32>,
      %swap3A_24 = arith.index_cast %scan3A_21 : i32 to index
      %swap3A_25 = arith.constant 16 : index
      %swap3A_26 = tpu.vector_load %arg6[%swap3A_24, %swap3A_25] {strides = array<i32>} : memref<512x64xf32, #tpu.memory_space<vmem>>, vector<16xf32>,
      tpu.vector_store %arg6[%swap3A_24, %swap3A_25], %broadcast_in_dim3A_3 {strides = array<i32>} : memref<512x64xf32, #tpu.memory_space<vmem>>, vector<16xf32>,
      %swap3A_27 = arith.index_cast %scan3A_21 : i32 to index
      %swap3A_28 = arith.constant 32 : index
      %swap3A_29 = tpu.vector_load %arg6[%swap3A_27, %swap3A_28] {strides = array<i32>} : memref<512x64xf32, #tpu.memory_space<vmem>>, vector<16xf32>,
      tpu.vector_store %arg6[%swap3A_27, %swap3A_28], %broadcast_in_dim3A_3 {strides = array<i32>} : memref<512x64xf32, #tpu.memory_space<vmem>>, vector<16xf32>,
      %swap3A_30 = arith.index_cast %scan3A_21 : i32 to index
      %swap3A_31 = arith.constant 48 : index
      %swap3A_32 = tpu.vector_load %arg6[%swap3A_30, %swap3A_31] {strides = array<i32>} : memref<512x64xf32, #tpu.memory_space<vmem>>, vector<16xf32>,
      tpu.vector_store %arg6[%swap3A_30, %swap3A_31], %broadcast_in_dim3A_3 {strides = array<i32>} : memref<512x64xf32, #tpu.memory_space<vmem>>, vector<16xf32>,
    }
    %scan3A_8 = arith.constant 512 : i32
    %scan3A_9 = arith.constant 0 : i32
    %scan3A_10 = arith.constant 0 : i32
    %scan3A_11 = arith.constant 32 : i32
    %scan3A_12 = arith.addi %scan3A_10, %scan3A_11 : i32
    %scan3A_13 = arith.constant 1 : i32
    scf.for %scan3A_21 = %scan3A_10 to %scan3A_12 step %scan3A_13  : i32 {
      %mul3A_22 = arith.constant 16 : i32
      %mul3A_23 = arith.muli %mul3A_22, %scan3A_21 : i32
      %get3A = arith.index_cast %mul3A_23 : i32 to index
      %get3A_24 = tpu.vector_load %arg5[%get3A] {strides = array<i32>} : memref<512xi32, #tpu.memory_space<vmem>>, vector<16xi32>,
      %slice3A = vector.extract_strided_slice %get3A_24 {offsets = [0], sizes = [1], strides = [1]} : vector<16xi32> to vector<1xi32>
      %squeeze3A = vector.extract %slice3A[0] : i32 from vector<1xi32>
      %mul3A_25 = arith.constant 16 : i32
      %mul3A_26 = arith.muli %mul3A_25, %scan3A_21 : i32
      %add3A_27 = arith.constant 0 : i32
      %add3A_28 = arith.addi %mul3A_26, %add3A_27 : i32
      %ge3A = arith.constant 0 : i32
      %ge3A_29 = arith.cmpi sge, %squeeze3A, %ge3A : i32
      %convert_element_type3A = arith.extui %ge3A_29 : i1 to i32
      %cond3A = arith.constant 0 : i32
      %cond3A_30 = arith.cmpi ne, %convert_element_type3A, %cond3A : i32
      scf.if %cond3A_30 {
        %dma_start3A = arith.constant 0 : i32
        %dma_start3A_196 = tpu.memref_slice %arg6[%add3A_28, %dma_start3A] : memref<512x64xf32, #tpu.memory_space<vmem>> -> memref<1x64xf32, #tpu.memory_space<vmem>>
        %dma_start3A_197 = arith.constant 0 : i32
        %dma_start3A_198 = tpu.memref_slice %arg3[%squeeze3A, %dma_start3A_197] : memref<100000x64xf32, #tpu.memory_space<hbm>> -> memref<1x64xf32, #tpu.memory_space<hbm>>
        %dma_start3A_199 = arith.constant 0 : i32
        %dma_start3A_200 = tpu.memref_slice %arg6[%add3A_28, %dma_start3A_199] : memref<512x64xf32, #tpu.memory_space<vmem>> -> memref<1x64xf32, #tpu.memory_space<vmem>>
        %dma_start3A_201 = arith.constant 0 : i32
        %dma_start3A_202 = tpu.memref_slice %arg3[%squeeze3A, %dma_start3A_201] : memref<100000x64xf32, #tpu.memory_space<hbm>> -> memref<1x64xf32, #tpu.memory_space<hbm>>
        tpu.enqueue_dma source(%dma_start3A_202 : memref<1x64xf32, #tpu.memory_space<hbm>>) target(%dma_start3A_200 : memref<1x64xf32, #tpu.memory_space<vmem>>) target_semaphore(%arg7 : memref<!tpu.dma_semaphore, #tpu.memory_space<semaphore_mem>>)
      } else {
      }
      %slice3A_31 = vector.extract_strided_slice %get3A_24 {offsets = [1], sizes = [1], strides = [1]} : vector<16xi32> to vector<1xi32>
      %squeeze3A_32 = vector.extract %slice3A_31[0] : i32 from vector<1xi32>
      %mul3A_33 = arith.constant 16 : i32
      %mul3A_34 = arith.muli %mul3A_33, %scan3A_21 : i32
      %add3A_35 = arith.constant 1 : i32
      %add3A_36 = arith.addi %mul3A_34, %add3A_35 : i32
      %ge3A_37 = arith.constant 0 : i32
      %ge3A_38 = arith.cmpi sge, %squeeze3A_32, %ge3A_37 : i32
      %convert_element_type3A_39 = arith.extui %ge3A_38 : i1 to i32
      %cond3A_40 = arith.constant 0 : i32
      %cond3A_41 = arith.cmpi ne, %convert_element_type3A_39, %cond3A_40 : i32
      scf.if %cond3A_41 {
        %dma_start3A = arith.constant 0 : i32
        %dma_start3A_196 = tpu.memref_slice %arg6[%add3A_36, %dma_start3A] : memref<512x64xf32, #tpu.memory_space<vmem>> -> memref<1x64xf32, #tpu.memory_space<vmem>>
        %dma_start3A_197 = arith.constant 0 : i32
        %dma_start3A_198 = tpu.memref_slice %arg3[%squeeze3A_32, %dma_start3A_197] : memref<100000x64xf32, #tpu.memory_space<hbm>> -> memref<1x64xf32, #tpu.memory_space<hbm>>
        %dma_start3A_199 = arith.constant 0 : i32
        %dma_start3A_200 = tpu.memref_slice %arg6[%add3A_36, %dma_start3A_199] : memref<512x64xf32, #tpu.memory_space<vmem>> -> memref<1x64xf32, #tpu.memory_space<vmem>>
        %dma_start3A_201 = arith.constant 0 : i32
        %dma_start3A_202 = tpu.memref_slice %arg3[%squeeze3A_32, %dma_start3A_201] : memref<100000x64xf32, #tpu.memory_space<hbm>> -> memref<1x64xf32, #tpu.memory_space<hbm>>
        tpu.enqueue_dma source(%dma_start3A_202 : memref<1x64xf32, #tpu.memory_space<hbm>>) target(%dma_start3A_200 : memref<1x64xf32, #tpu.memory_space<vmem>>) target_semaphore(%arg7 : memref<!tpu.dma_semaphore, #tpu.memory_space<semaphore_mem>>)
      } else {
      }
      %slice3A_42 = vector.extract_strided_slice %get3A_24 {offsets = [2], sizes = [1], strides = [1]} : vector<16xi32> to vector<1xi32>
      %squeeze3A_43 = vector.extract %slice3A_42[0] : i32 from vector<1xi32>
      %mul3A_44 = arith.constant 16 : i32
      %mul3A_45 = arith.muli %mul3A_44, %scan3A_21 : i32
      %add3A_46 = arith.constant 2 : i32
      %add3A_47 = arith.addi %mul3A_45, %add3A_46 : i32
      %ge3A_48 = arith.constant 0 : i32
      %ge3A_49 = arith.cmpi sge, %squeeze3A_43, %ge3A_48 : i32
      %convert_element_type3A_50 = arith.extui %ge3A_49 : i1 to i32
      %cond3A_51 = arith.constant 0 : i32
      %cond3A_52 = arith.cmpi ne, %convert_element_type3A_50, %cond3A_51 : i32
      scf.if %cond3A_52 {
        %dma_start3A = arith.constant 0 : i32
        %dma_start3A_196 = tpu.memref_slice %arg6[%add3A_47, %dma_start3A] : memref<512x64xf32, #tpu.memory_space<vmem>> -> memref<1x64xf32, #tpu.memory_space<vmem>>
        %dma_start3A_197 = arith.constant 0 : i32
        %dma_start3A_198 = tpu.memref_slice %arg3[%squeeze3A_43, %dma_start3A_197] : memref<100000x64xf32, #tpu.memory_space<hbm>> -> memref<1x64xf32, #tpu.memory_space<hbm>>
        %dma_start3A_199 = arith.constant 0 : i32
        %dma_start3A_200 = tpu.memref_slice %arg6[%add3A_47, %dma_start3A_199] : memref<512x64xf32, #tpu.memory_space<vmem>> -> memref<1x64xf32, #tpu.memory_space<vmem>>
        %dma_start3A_201 = arith.constant 0 : i32
        %dma_start3A_202 = tpu.memref_slice %arg3[%squeeze3A_43, %dma_start3A_201] : memref<100000x64xf32, #tpu.memory_space<hbm>> -> memref<1x64xf32, #tpu.memory_space<hbm>>
        tpu.enqueue_dma source(%dma_start3A_202 : memref<1x64xf32, #tpu.memory_space<hbm>>) target(%dma_start3A_200 : memref<1x64xf32, #tpu.memory_space<vmem>>) target_semaphore(%arg7 : memref<!tpu.dma_semaphore, #tpu.memory_space<semaphore_mem>>)
      } else {
      }
      %slice3A_53 = vector.extract_strided_slice %get3A_24 {offsets = [3], sizes = [1], strides = [1]} : vector<16xi32> to vector<1xi32>
      %squeeze3A_54 = vector.extract %slice3A_53[0] : i32 from vector<1xi32>
      %mul3A_55 = arith.constant 16 : i32
      %mul3A_56 = arith.muli %mul3A_55, %scan3A_21 : i32
      %add3A_57 = arith.constant 3 : i32
      %add3A_58 = arith.addi %mul3A_56, %add3A_57 : i32
      %ge3A_59 = arith.constant 0 : i32
      %ge3A_60 = arith.cmpi sge, %squeeze3A_54, %ge3A_59 : i32
      %convert_element_type3A_61 = arith.extui %ge3A_60 : i1 to i32
      %cond3A_62 = arith.constant 0 : i32
      %cond3A_63 = arith.cmpi ne, %convert_element_type3A_61, %cond3A_62 : i32
      scf.if %cond3A_63 {
        %dma_start3A = arith.constant 0 : i32
        %dma_start3A_196 = tpu.memref_slice %arg6[%add3A_58, %dma_start3A] : memref<512x64xf32, #tpu.memory_space<vmem>> -> memref<1x64xf32, #tpu.memory_space<vmem>>
        %dma_start3A_197 = arith.constant 0 : i32
        %dma_start3A_198 = tpu.memref_slice %arg3[%squeeze3A_54, %dma_start3A_197] : memref<100000x64xf32, #tpu.memory_space<hbm>> -> memref<1x64xf32, #tpu.memory_space<hbm>>
        %dma_start3A_199 = arith.constant 0 : i32
        %dma_start3A_200 = tpu.memref_slice %arg6[%add3A_58, %dma_start3A_199] : memref<512x64xf32, #tpu.memory_space<vmem>> -> memref<1x64xf32, #tpu.memory_space<vmem>>
        %dma_start3A_201 = arith.constant 0 : i32
        %dma_start3A_202 = tpu.memref_slice %arg3[%squeeze3A_54, %dma_start3A_201] : memref<100000x64xf32, #tpu.memory_space<hbm>> -> memref<1x64xf32, #tpu.memory_space<hbm>>
        tpu.enqueue_dma source(%dma_start3A_202 : memref<1x64xf32, #tpu.memory_space<hbm>>) target(%dma_start3A_200 : memref<1x64xf32, #tpu.memory_space<vmem>>) target_semaphore(%arg7 : memref<!tpu.dma_semaphore, #tpu.memory_space<semaphore_mem>>)
      } else {
      }
      %slice3A_64 = vector.extract_strided_slice %get3A_24 {offsets = [4], sizes = [1], strides = [1]} : vector<16xi32> to vector<1xi32>
      %squeeze3A_65 = vector.extract %slice3A_64[0] : i32 from vector<1xi32>
      %mul3A_66 = arith.constant 16 : i32
      %mul3A_67 = arith.muli %mul3A_66, %scan3A_21 : i32
      %add3A_68 = arith.constant 4 : i32
      %add3A_69 = arith.addi %mul3A_67, %add3A_68 : i32
      %ge3A_70 = arith.constant 0 : i32
      %ge3A_71 = arith.cmpi sge, %squeeze3A_65, %ge3A_70 : i32
      %convert_element_type3A_72 = arith.extui %ge3A_71 : i1 to i32
      %cond3A_73 = arith.constant 0 : i32
      %cond3A_74 = arith.cmpi ne, %convert_element_type3A_72, %cond3A_73 : i32
      scf.if %cond3A_74 {
        %dma_start3A = arith.constant 0 : i32
        %dma_start3A_196 = tpu.memref_slice %arg6[%add3A_69, %dma_start3A] : memref<512x64xf32, #tpu.memory_space<vmem>> -> memref<1x64xf32, #tpu.memory_space<vmem>>
        %dma_start3A_197 = arith.constant 0 : i32
        %dma_start3A_198 = tpu.memref_slice %arg3[%squeeze3A_65, %dma_start3A_197] : memref<100000x64xf32, #tpu.memory_space<hbm>> -> memref<1x64xf32, #tpu.memory_space<hbm>>
        %dma_start3A_199 = arith.constant 0 : i32
        %dma_start3A_200 = tpu.memref_slice %arg6[%add3A_69, %dma_start3A_199] : memref<512x64xf32, #tpu.memory_space<vmem>> -> memref<1x64xf32, #tpu.memory_space<vmem>>
        %dma_start3A_201 = arith.constant 0 : i32
        %dma_start3A_202 = tpu.memref_slice %arg3[%squeeze3A_65, %dma_start3A_201] : memref<100000x64xf32, #tpu.memory_space<hbm>> -> memref<1x64xf32, #tpu.memory_space<hbm>>
        tpu.enqueue_dma source(%dma_start3A_202 : memref<1x64xf32, #tpu.memory_space<hbm>>) target(%dma_start3A_200 : memref<1x64xf32, #tpu.memory_space<vmem>>) target_semaphore(%arg7 : memref<!tpu.dma_semaphore, #tpu.memory_space<semaphore_mem>>)
      } else {
      }
      %slice3A_75 = vector.extract_strided_slice %get3A_24 {offsets = [5], sizes = [1], strides = [1]} : vector<16xi32> to vector<1xi32>
      %squeeze3A_76 = vector.extract %slice3A_75[0] : i32 from vector<1xi32>
      %mul3A_77 = arith.constant 16 : i32
      %mul3A_78 = arith.muli %mul3A_77, %scan3A_21 : i32
      %add3A_79 = arith.constant 5 : i32
      %add3A_80 = arith.addi %mul3A_78, %add3A_79 : i32
      %ge3A_81 = arith.constant 0 : i32
      %ge3A_82 = arith.cmpi sge, %squeeze3A_76, %ge3A_81 : i32
      %convert_element_type3A_83 = arith.extui %ge3A_82 : i1 to i32
      %cond3A_84 = arith.constant 0 : i32
      %cond3A_85 = arith.cmpi ne, %convert_element_type3A_83, %cond3A_84 : i32
      scf.if %cond3A_85 {
        %dma_start3A = arith.constant 0 : i32
        %dma_start3A_196 = tpu.memref_slice %arg6[%add3A_80, %dma_start3A] : memref<512x64xf32, #tpu.memory_space<vmem>> -> memref<1x64xf32, #tpu.memory_space<vmem>>
        %dma_start3A_197 = arith.constant 0 : i32
        %dma_start3A_198 = tpu.memref_slice %arg3[%squeeze3A_76, %dma_start3A_197] : memref<100000x64xf32, #tpu.memory_space<hbm>> -> memref<1x64xf32, #tpu.memory_space<hbm>>
        %dma_start3A_199 = arith.constant 0 : i32
        %dma_start3A_200 = tpu.memref_slice %arg6[%add3A_80, %dma_start3A_199] : memref<512x64xf32, #tpu.memory_space<vmem>> -> memref<1x64xf32, #tpu.memory_space<vmem>>
        %dma_start3A_201 = arith.constant 0 : i32
        %dma_start3A_202 = tpu.memref_slice %arg3[%squeeze3A_76, %dma_start3A_201] : memref<100000x64xf32, #tpu.memory_space<hbm>> -> memref<1x64xf32, #tpu.memory_space<hbm>>
        tpu.enqueue_dma source(%dma_start3A_202 : memref<1x64xf32, #tpu.memory_space<hbm>>) target(%dma_start3A_200 : memref<1x64xf32, #tpu.memory_space<vmem>>) target_semaphore(%arg7 : memref<!tpu.dma_semaphore, #tpu.memory_space<semaphore_mem>>)
      } else {
      }
      %slice3A_86 = vector.extract_strided_slice %get3A_24 {offsets = [6], sizes = [1], strides = [1]} : vector<16xi32> to vector<1xi32>
      %squeeze3A_87 = vector.extract %slice3A_86[0] : i32 from vector<1xi32>
      %mul3A_88 = arith.constant 16 : i32
      %mul3A_89 = arith.muli %mul3A_88, %scan3A_21 : i32
      %add3A_90 = arith.constant 6 : i32
      %add3A_91 = arith.addi %mul3A_89, %add3A_90 : i32
      %ge3A_92 = arith.constant 0 : i32
      %ge3A_93 = arith.cmpi sge, %squeeze3A_87, %ge3A_92 : i32
      %convert_element_type3A_94 = arith.extui %ge3A_93 : i1 to i32
      %cond3A_95 = arith.constant 0 : i32
      %cond3A_96 = arith.cmpi ne, %convert_element_type3A_94, %cond3A_95 : i32
      scf.if %cond3A_96 {
        %dma_start3A = arith.constant 0 : i32
        %dma_start3A_196 = tpu.memref_slice %arg6[%add3A_91, %dma_start3A] : memref<512x64xf32, #tpu.memory_space<vmem>> -> memref<1x64xf32, #tpu.memory_space<vmem>>
        %dma_start3A_197 = arith.constant 0 : i32
        %dma_start3A_198 = tpu.memref_slice %arg3[%squeeze3A_87, %dma_start3A_197] : memref<100000x64xf32, #tpu.memory_space<hbm>> -> memref<1x64xf32, #tpu.memory_space<hbm>>
        %dma_start3A_199 = arith.constant 0 : i32
        %dma_start3A_200 = tpu.memref_slice %arg6[%add3A_91, %dma_start3A_199] : memref<512x64xf32, #tpu.memory_space<vmem>> -> memref<1x64xf32, #tpu.memory_space<vmem>>
        %dma_start3A_201 = arith.constant 0 : i32
        %dma_start3A_202 = tpu.memref_slice %arg3[%squeeze3A_87, %dma_start3A_201] : memref<100000x64xf32, #tpu.memory_space<hbm>> -> memref<1x64xf32, #tpu.memory_space<hbm>>
        tpu.enqueue_dma source(%dma_start3A_202 : memref<1x64xf32, #tpu.memory_space<hbm>>) target(%dma_start3A_200 : memref<1x64xf32, #tpu.memory_space<vmem>>) target_semaphore(%arg7 : memref<!tpu.dma_semaphore, #tpu.memory_space<semaphore_mem>>)
      } else {
      }
      %slice3A_97 = vector.extract_strided_slice %get3A_24 {offsets = [7], sizes = [1], strides = [1]} : vector<16xi32> to vector<1xi32>
      %squeeze3A_98 = vector.extract %slice3A_97[0] : i32 from vector<1xi32>
      %mul3A_99 = arith.constant 16 : i32
      %mul3A_100 = arith.muli %mul3A_99, %scan3A_21 : i32
      %add3A_101 = arith.constant 7 : i32
      %add3A_102 = arith.addi %mul3A_100, %add3A_101 : i32
      %ge3A_103 = arith.constant 0 : i32
      %ge3A_104 = arith.cmpi sge, %squeeze3A_98, %ge3A_103 : i32
      %convert_element_type3A_105 = arith.extui %ge3A_104 : i1 to i32
      %cond3A_106 = arith.constant 0 : i32
      %cond3A_107 = arith.cmpi ne, %convert_element_type3A_105, %cond3A_106 : i32
      scf.if %cond3A_107 {
        %dma_start3A = arith.constant 0 : i32
        %dma_start3A_196 = tpu.memref_slice %arg6[%add3A_102, %dma_start3A] : memref<512x64xf32, #tpu.memory_space<vmem>> -> memref<1x64xf32, #tpu.memory_space<vmem>>
        %dma_start3A_197 = arith.constant 0 : i32
        %dma_start3A_198 = tpu.memref_slice %arg3[%squeeze3A_98, %dma_start3A_197] : memref<100000x64xf32, #tpu.memory_space<hbm>> -> memref<1x64xf32, #tpu.memory_space<hbm>>
        %dma_start3A_199 = arith.constant 0 : i32
        %dma_start3A_200 = tpu.memref_slice %arg6[%add3A_102, %dma_start3A_199] : memref<512x64xf32, #tpu.memory_space<vmem>> -> memref<1x64xf32, #tpu.memory_space<vmem>>
        %dma_start3A_201 = arith.constant 0 : i32
        %dma_start3A_202 = tpu.memref_slice %arg3[%squeeze3A_98, %dma_start3A_201] : memref<100000x64xf32, #tpu.memory_space<hbm>> -> memref<1x64xf32, #tpu.memory_space<hbm>>
        tpu.enqueue_dma source(%dma_start3A_202 : memref<1x64xf32, #tpu.memory_space<hbm>>) target(%dma_start3A_200 : memref<1x64xf32, #tpu.memory_space<vmem>>) target_semaphore(%arg7 : memref<!tpu.dma_semaphore, #tpu.memory_space<semaphore_mem>>)
      } else {
      }
      %slice3A_108 = vector.extract_strided_slice %get3A_24 {offsets = [8], sizes = [1], strides = [1]} : vector<16xi32> to vector<1xi32>
      %squeeze3A_109 = vector.extract %slice3A_108[0] : i32 from vector<1xi32>
      %mul3A_110 = arith.constant 16 : i32
      %mul3A_111 = arith.muli %mul3A_110, %scan3A_21 : i32
      %add3A_112 = arith.constant 8 : i32
      %add3A_113 = arith.addi %mul3A_111, %add3A_112 : i32
      %ge3A_114 = arith.constant 0 : i32
      %ge3A_115 = arith.cmpi sge, %squeeze3A_109, %ge3A_114 : i32
      %convert_element_type3A_116 = arith.extui %ge3A_115 : i1 to i32
      %cond3A_117 = arith.constant 0 : i32
      %cond3A_118 = arith.cmpi ne, %convert_element_type3A_116, %cond3A_117 : i32
      scf.if %cond3A_118 {
        %dma_start3A = arith.constant 0 : i32
        %dma_start3A_196 = tpu.memref_slice %arg6[%add3A_113, %dma_start3A] : memref<512x64xf32, #tpu.memory_space<vmem>> -> memref<1x64xf32, #tpu.memory_space<vmem>>
        %dma_start3A_197 = arith.constant 0 : i32
        %dma_start3A_198 = tpu.memref_slice %arg3[%squeeze3A_109, %dma_start3A_197] : memref<100000x64xf32, #tpu.memory_space<hbm>> -> memref<1x64xf32, #tpu.memory_space<hbm>>
        %dma_start3A_199 = arith.constant 0 : i32
        %dma_start3A_200 = tpu.memref_slice %arg6[%add3A_113, %dma_start3A_199] : memref<512x64xf32, #tpu.memory_space<vmem>> -> memref<1x64xf32, #tpu.memory_space<vmem>>
        %dma_start3A_201 = arith.constant 0 : i32
        %dma_start3A_202 = tpu.memref_slice %arg3[%squeeze3A_109, %dma_start3A_201] : memref<100000x64xf32, #tpu.memory_space<hbm>> -> memref<1x64xf32, #tpu.memory_space<hbm>>
        tpu.enqueue_dma source(%dma_start3A_202 : memref<1x64xf32, #tpu.memory_space<hbm>>) target(%dma_start3A_200 : memref<1x64xf32, #tpu.memory_space<vmem>>) target_semaphore(%arg7 : memref<!tpu.dma_semaphore, #tpu.memory_space<semaphore_mem>>)
      } else {
      }
      %slice3A_119 = vector.extract_strided_slice %get3A_24 {offsets = [9], sizes = [1], strides = [1]} : vector<16xi32> to vector<1xi32>
      %squeeze3A_120 = vector.extract %slice3A_119[0] : i32 from vector<1xi32>
      %mul3A_121 = arith.constant 16 : i32
      %mul3A_122 = arith.muli %mul3A_121, %scan3A_21 : i32
      %add3A_123 = arith.constant 9 : i32
      %add3A_124 = arith.addi %mul3A_122, %add3A_123 : i32
      %ge3A_125 = arith.constant 0 : i32
      %ge3A_126 = arith.cmpi sge, %squeeze3A_120, %ge3A_125 : i32
      %convert_element_type3A_127 = arith.extui %ge3A_126 : i1 to i32
      %cond3A_128 = arith.constant 0 : i32
      %cond3A_129 = arith.cmpi ne, %convert_element_type3A_127, %cond3A_128 : i32
      scf.if %cond3A_129 {
        %dma_start3A = arith.constant 0 : i32
        %dma_start3A_196 = tpu.memref_slice %arg6[%add3A_124, %dma_start3A] : memref<512x64xf32, #tpu.memory_space<vmem>> -> memref<1x64xf32, #tpu.memory_space<vmem>>
        %dma_start3A_197 = arith.constant 0 : i32
        %dma_start3A_198 = tpu.memref_slice %arg3[%squeeze3A_120, %dma_start3A_197] : memref<100000x64xf32, #tpu.memory_space<hbm>> -> memref<1x64xf32, #tpu.memory_space<hbm>>
        %dma_start3A_199 = arith.constant 0 : i32
        %dma_start3A_200 = tpu.memref_slice %arg6[%add3A_124, %dma_start3A_199] : memref<512x64xf32, #tpu.memory_space<vmem>> -> memref<1x64xf32, #tpu.memory_space<vmem>>
        %dma_start3A_201 = arith.constant 0 : i32
        %dma_start3A_202 = tpu.memref_slice %arg3[%squeeze3A_120, %dma_start3A_201] : memref<100000x64xf32, #tpu.memory_space<hbm>> -> memref<1x64xf32, #tpu.memory_space<hbm>>
        tpu.enqueue_dma source(%dma_start3A_202 : memref<1x64xf32, #tpu.memory_space<hbm>>) target(%dma_start3A_200 : memref<1x64xf32, #tpu.memory_space<vmem>>) target_semaphore(%arg7 : memref<!tpu.dma_semaphore, #tpu.memory_space<semaphore_mem>>)
      } else {
      }
      %slice3A_130 = vector.extract_strided_slice %get3A_24 {offsets = [10], sizes = [1], strides = [1]} : vector<16xi32> to vector<1xi32>
      %squeeze3A_131 = vector.extract %slice3A_130[0] : i32 from vector<1xi32>
      %mul3A_132 = arith.constant 16 : i32
      %mul3A_133 = arith.muli %mul3A_132, %scan3A_21 : i32
      %add3A_134 = arith.constant 10 : i32
      %add3A_135 = arith.addi %mul3A_133, %add3A_134 : i32
      %ge3A_136 = arith.constant 0 : i32
      %ge3A_137 = arith.cmpi sge, %squeeze3A_131, %ge3A_136 : i32
      %convert_element_type3A_138 = arith.extui %ge3A_137 : i1 to i32
      %cond3A_139 = arith.constant 0 : i32
      %cond3A_140 = arith.cmpi ne, %convert_element_type3A_138, %cond3A_139 : i32
      scf.if %cond3A_140 {
        %dma_start3A = arith.constant 0 : i32
        %dma_start3A_196 = tpu.memref_slice %arg6[%add3A_135, %dma_start3A] : memref<512x64xf32, #tpu.memory_space<vmem>> -> memref<1x64xf32, #tpu.memory_space<vmem>>
        %dma_start3A_197 = arith.constant 0 : i32
        %dma_start3A_198 = tpu.memref_slice %arg3[%squeeze3A_131, %dma_start3A_197] : memref<100000x64xf32, #tpu.memory_space<hbm>> -> memref<1x64xf32, #tpu.memory_space<hbm>>
        %dma_start3A_199 = arith.constant 0 : i32
        %dma_start3A_200 = tpu.memref_slice %arg6[%add3A_135, %dma_start3A_199] : memref<512x64xf32, #tpu.memory_space<vmem>> -> memref<1x64xf32, #tpu.memory_space<vmem>>
        %dma_start3A_201 = arith.constant 0 : i32
        %dma_start3A_202 = tpu.memref_slice %arg3[%squeeze3A_131, %dma_start3A_201] : memref<100000x64xf32, #tpu.memory_space<hbm>> -> memref<1x64xf32, #tpu.memory_space<hbm>>
        tpu.enqueue_dma source(%dma_start3A_202 : memref<1x64xf32, #tpu.memory_space<hbm>>) target(%dma_start3A_200 : memref<1x64xf32, #tpu.memory_space<vmem>>) target_semaphore(%arg7 : memref<!tpu.dma_semaphore, #tpu.memory_space<semaphore_mem>>)
      } else {
      }
      %slice3A_141 = vector.extract_strided_slice %get3A_24 {offsets = [11], sizes = [1], strides = [1]} : vector<16xi32> to vector<1xi32>
      %squeeze3A_142 = vector.extract %slice3A_141[0] : i32 from vector<1xi32>
      %mul3A_143 = arith.constant 16 : i32
      %mul3A_144 = arith.muli %mul3A_143, %scan3A_21 : i32
      %add3A_145 = arith.constant 11 : i32
      %add3A_146 = arith.addi %mul3A_144, %add3A_145 : i32
      %ge3A_147 = arith.constant 0 : i32
      %ge3A_148 = arith.cmpi sge, %squeeze3A_142, %ge3A_147 : i32
      %convert_element_type3A_149 = arith.extui %ge3A_148 : i1 to i32
      %cond3A_150 = arith.constant 0 : i32
      %cond3A_151 = arith.cmpi ne, %convert_element_type3A_149, %cond3A_150 : i32
      scf.if %cond3A_151 {
        %dma_start3A = arith.constant 0 : i32
        %dma_start3A_196 = tpu.memref_slice %arg6[%add3A_146, %dma_start3A] : memref<512x64xf32, #tpu.memory_space<vmem>> -> memref<1x64xf32, #tpu.memory_space<vmem>>
        %dma_start3A_197 = arith.constant 0 : i32
        %dma_start3A_198 = tpu.memref_slice %arg3[%squeeze3A_142, %dma_start3A_197] : memref<100000x64xf32, #tpu.memory_space<hbm>> -> memref<1x64xf32, #tpu.memory_space<hbm>>
        %dma_start3A_199 = arith.constant 0 : i32
        %dma_start3A_200 = tpu.memref_slice %arg6[%add3A_146, %dma_start3A_199] : memref<512x64xf32, #tpu.memory_space<vmem>> -> memref<1x64xf32, #tpu.memory_space<vmem>>
        %dma_start3A_201 = arith.constant 0 : i32
        %dma_start3A_202 = tpu.memref_slice %arg3[%squeeze3A_142, %dma_start3A_201] : memref<100000x64xf32, #tpu.memory_space<hbm>> -> memref<1x64xf32, #tpu.memory_space<hbm>>
        tpu.enqueue_dma source(%dma_start3A_202 : memref<1x64xf32, #tpu.memory_space<hbm>>) target(%dma_start3A_200 : memref<1x64xf32, #tpu.memory_space<vmem>>) target_semaphore(%arg7 : memref<!tpu.dma_semaphore, #tpu.memory_space<semaphore_mem>>)
      } else {
      }
      %slice3A_152 = vector.extract_strided_slice %get3A_24 {offsets = [12], sizes = [1], strides = [1]} : vector<16xi32> to vector<1xi32>
      %squeeze3A_153 = vector.extract %slice3A_152[0] : i32 from vector<1xi32>
      %mul3A_154 = arith.constant 16 : i32
      %mul3A_155 = arith.muli %mul3A_154, %scan3A_21 : i32
      %add3A_156 = arith.constant 12 : i32
      %add3A_157 = arith.addi %mul3A_155, %add3A_156 : i32
      %ge3A_158 = arith.constant 0 : i32
      %ge3A_159 = arith.cmpi sge, %squeeze3A_153, %ge3A_158 : i32
      %convert_element_type3A_160 = arith.extui %ge3A_159 : i1 to i32
      %cond3A_161 = arith.constant 0 : i32
      %cond3A_162 = arith.cmpi ne, %convert_element_type3A_160, %cond3A_161 : i32
      scf.if %cond3A_162 {
        %dma_start3A = arith.constant 0 : i32
        %dma_start3A_196 = tpu.memref_slice %arg6[%add3A_157, %dma_start3A] : memref<512x64xf32, #tpu.memory_space<vmem>> -> memref<1x64xf32, #tpu.memory_space<vmem>>
        %dma_start3A_197 = arith.constant 0 : i32
        %dma_start3A_198 = tpu.memref_slice %arg3[%squeeze3A_153, %dma_start3A_197] : memref<100000x64xf32, #tpu.memory_space<hbm>> -> memref<1x64xf32, #tpu.memory_space<hbm>>
        %dma_start3A_199 = arith.constant 0 : i32
        %dma_start3A_200 = tpu.memref_slice %arg6[%add3A_157, %dma_start3A_199] : memref<512x64xf32, #tpu.memory_space<vmem>> -> memref<1x64xf32, #tpu.memory_space<vmem>>
        %dma_start3A_201 = arith.constant 0 : i32
        %dma_start3A_202 = tpu.memref_slice %arg3[%squeeze3A_153, %dma_start3A_201] : memref<100000x64xf32, #tpu.memory_space<hbm>> -> memref<1x64xf32, #tpu.memory_space<hbm>>
        tpu.enqueue_dma source(%dma_start3A_202 : memref<1x64xf32, #tpu.memory_space<hbm>>) target(%dma_start3A_200 : memref<1x64xf32, #tpu.memory_space<vmem>>) target_semaphore(%arg7 : memref<!tpu.dma_semaphore, #tpu.memory_space<semaphore_mem>>)
      } else {
      }
      %slice3A_163 = vector.extract_strided_slice %get3A_24 {offsets = [13], sizes = [1], strides = [1]} : vector<16xi32> to vector<1xi32>
      %squeeze3A_164 = vector.extract %slice3A_163[0] : i32 from vector<1xi32>
      %mul3A_165 = arith.constant 16 : i32
      %mul3A_166 = arith.muli %mul3A_165, %scan3A_21 : i32
      %add3A_167 = arith.constant 13 : i32
      %add3A_168 = arith.addi %mul3A_166, %add3A_167 : i32
      %ge3A_169 = arith.constant 0 : i32
      %ge3A_170 = arith.cmpi sge, %squeeze3A_164, %ge3A_169 : i32
      %convert_element_type3A_171 = arith.extui %ge3A_170 : i1 to i32
      %cond3A_172 = arith.constant 0 : i32
      %cond3A_173 = arith.cmpi ne, %convert_element_type3A_171, %cond3A_172 : i32
      scf.if %cond3A_173 {
        %dma_start3A = arith.constant 0 : i32
        %dma_start3A_196 = tpu.memref_slice %arg6[%add3A_168, %dma_start3A] : memref<512x64xf32, #tpu.memory_space<vmem>> -> memref<1x64xf32, #tpu.memory_space<vmem>>
        %dma_start3A_197 = arith.constant 0 : i32
        %dma_start3A_198 = tpu.memref_slice %arg3[%squeeze3A_164, %dma_start3A_197] : memref<100000x64xf32, #tpu.memory_space<hbm>> -> memref<1x64xf32, #tpu.memory_space<hbm>>
        %dma_start3A_199 = arith.constant 0 : i32
        %dma_start3A_200 = tpu.memref_slice %arg6[%add3A_168, %dma_start3A_199] : memref<512x64xf32, #tpu.memory_space<vmem>> -> memref<1x64xf32, #tpu.memory_space<vmem>>
        %dma_start3A_201 = arith.constant 0 : i32
        %dma_start3A_202 = tpu.memref_slice %arg3[%squeeze3A_164, %dma_start3A_201] : memref<100000x64xf32, #tpu.memory_space<hbm>> -> memref<1x64xf32, #tpu.memory_space<hbm>>
        tpu.enqueue_dma source(%dma_start3A_202 : memref<1x64xf32, #tpu.memory_space<hbm>>) target(%dma_start3A_200 : memref<1x64xf32, #tpu.memory_space<vmem>>) target_semaphore(%arg7 : memref<!tpu.dma_semaphore, #tpu.memory_space<semaphore_mem>>)
      } else {
      }
      %slice3A_174 = vector.extract_strided_slice %get3A_24 {offsets = [14], sizes = [1], strides = [1]} : vector<16xi32> to vector<1xi32>
      %squeeze3A_175 = vector.extract %slice3A_174[0] : i32 from vector<1xi32>
      %mul3A_176 = arith.constant 16 : i32
      %mul3A_177 = arith.muli %mul3A_176, %scan3A_21 : i32
      %add3A_178 = arith.constant 14 : i32
      %add3A_179 = arith.addi %mul3A_177, %add3A_178 : i32
      %ge3A_180 = arith.constant 0 : i32
      %ge3A_181 = arith.cmpi sge, %squeeze3A_175, %ge3A_180 : i32
      %convert_element_type3A_182 = arith.extui %ge3A_181 : i1 to i32
      %cond3A_183 = arith.constant 0 : i32
      %cond3A_184 = arith.cmpi ne, %convert_element_type3A_182, %cond3A_183 : i32
      scf.if %cond3A_184 {
        %dma_start3A = arith.constant 0 : i32
        %dma_start3A_196 = tpu.memref_slice %arg6[%add3A_179, %dma_start3A] : memref<512x64xf32, #tpu.memory_space<vmem>> -> memref<1x64xf32, #tpu.memory_space<vmem>>
        %dma_start3A_197 = arith.constant 0 : i32
        %dma_start3A_198 = tpu.memref_slice %arg3[%squeeze3A_175, %dma_start3A_197] : memref<100000x64xf32, #tpu.memory_space<hbm>> -> memref<1x64xf32, #tpu.memory_space<hbm>>
        %dma_start3A_199 = arith.constant 0 : i32
        %dma_start3A_200 = tpu.memref_slice %arg6[%add3A_179, %dma_start3A_199] : memref<512x64xf32, #tpu.memory_space<vmem>> -> memref<1x64xf32, #tpu.memory_space<vmem>>
        %dma_start3A_201 = arith.constant 0 : i32
        %dma_start3A_202 = tpu.memref_slice %arg3[%squeeze3A_175, %dma_start3A_201] : memref<100000x64xf32, #tpu.memory_space<hbm>> -> memref<1x64xf32, #tpu.memory_space<hbm>>
        tpu.enqueue_dma source(%dma_start3A_202 : memref<1x64xf32, #tpu.memory_space<hbm>>) target(%dma_start3A_200 : memref<1x64xf32, #tpu.memory_space<vmem>>) target_semaphore(%arg7 : memref<!tpu.dma_semaphore, #tpu.memory_space<semaphore_mem>>)
      } else {
      }
      %slice3A_185 = vector.extract_strided_slice %get3A_24 {offsets = [15], sizes = [1], strides = [1]} : vector<16xi32> to vector<1xi32>
      %squeeze3A_186 = vector.extract %slice3A_185[0] : i32 from vector<1xi32>
      %mul3A_187 = arith.constant 16 : i32
      %mul3A_188 = arith.muli %mul3A_187, %scan3A_21 : i32
      %add3A_189 = arith.constant 15 : i32
      %add3A_190 = arith.addi %mul3A_188, %add3A_189 : i32
      %ge3A_191 = arith.constant 0 : i32
      %ge3A_192 = arith.cmpi sge, %squeeze3A_186, %ge3A_191 : i32
      %convert_element_type3A_193 = arith.extui %ge3A_192 : i1 to i32
      %cond3A_194 = arith.constant 0 : i32
      %cond3A_195 = arith.cmpi ne, %convert_element_type3A_193, %cond3A_194 : i32
      scf.if %cond3A_195 {
        %dma_start3A = arith.constant 0 : i32
        %dma_start3A_196 = tpu.memref_slice %arg6[%add3A_190, %dma_start3A] : memref<512x64xf32, #tpu.memory_space<vmem>> -> memref<1x64xf32, #tpu.memory_space<vmem>>
        %dma_start3A_197 = arith.constant 0 : i32
        %dma_start3A_198 = tpu.memref_slice %arg3[%squeeze3A_186, %dma_start3A_197] : memref<100000x64xf32, #tpu.memory_space<hbm>> -> memref<1x64xf32, #tpu.memory_space<hbm>>
        %dma_start3A_199 = arith.constant 0 : i32
        %dma_start3A_200 = tpu.memref_slice %arg6[%add3A_190, %dma_start3A_199] : memref<512x64xf32, #tpu.memory_space<vmem>> -> memref<1x64xf32, #tpu.memory_space<vmem>>
        %dma_start3A_201 = arith.constant 0 : i32
        %dma_start3A_202 = tpu.memref_slice %arg3[%squeeze3A_186, %dma_start3A_201] : memref<100000x64xf32, #tpu.memory_space<hbm>> -> memref<1x64xf32, #tpu.memory_space<hbm>>
        tpu.enqueue_dma source(%dma_start3A_202 : memref<1x64xf32, #tpu.memory_space<hbm>>) target(%dma_start3A_200 : memref<1x64xf32, #tpu.memory_space<vmem>>) target_semaphore(%arg7 : memref<!tpu.dma_semaphore, #tpu.memory_space<semaphore_mem>>)
      } else {
      }
    }
    %scan3A_14 = arith.constant 32 : i32
    %scan3A_15 = arith.constant 0 : i32
    %scan3A_16 = arith.constant 0 : i32
    %scan3A_17 = arith.constant 32 : i32
    %scan3A_18 = arith.addi %scan3A_16, %scan3A_17 : i32
    %scan3A_19 = arith.constant 1 : i32
    scf.for %scan3A_21 = %scan3A_16 to %scan3A_18 step %scan3A_19  : i32 {
      %mul3A_22 = arith.constant 16 : i32
      %mul3A_23 = arith.muli %mul3A_22, %scan3A_21 : i32
      %get3A = arith.index_cast %mul3A_23 : i32 to index
      %get3A_24 = tpu.vector_load %arg5[%get3A] {strides = array<i32>} : memref<512xi32, #tpu.memory_space<vmem>>, vector<16xi32>,
      %slice3A = vector.extract_strided_slice %get3A_24 {offsets = [0], sizes = [1], strides = [1]} : vector<16xi32> to vector<1xi32>
      %squeeze3A = vector.extract %slice3A[0] : i32 from vector<1xi32>
      %mul3A_25 = arith.constant 16 : i32
      %mul3A_26 = arith.muli %mul3A_25, %scan3A_21 : i32
      %add3A_27 = arith.constant 0 : i32
      %add3A_28 = arith.addi %mul3A_26, %add3A_27 : i32
      %ge3A = arith.constant 0 : i32
      %ge3A_29 = arith.cmpi sge, %squeeze3A, %ge3A : i32
      %convert_element_type3A = arith.extui %ge3A_29 : i1 to i32
      %cond3A = arith.constant 0 : i32
      %cond3A_30 = arith.cmpi ne, %convert_element_type3A, %cond3A : i32
      scf.if %cond3A_30 {
        %dma_wait3A = arith.constant 0 : i32
        %dma_wait3A_196 = tpu.memref_slice %arg6[%add3A_28, %dma_wait3A] : memref<512x64xf32, #tpu.memory_space<vmem>> -> memref<1x64xf32, #tpu.memory_space<vmem>>
        %dma_wait3A_197 = arith.constant 0 : i32
        %dma_wait3A_198 = arith.constant 0 : i32
        %dma_wait3A_199 = tpu.memref_slice %arg3[%dma_wait3A_197, %dma_wait3A_198] : memref<100000x64xf32, #tpu.memory_space<hbm>> -> memref<1x64xf32, #tpu.memory_space<hbm>>
        %dma_wait3A_200 = arith.constant 0 : i32
        %dma_wait3A_201 = tpu.memref_slice %arg6[%add3A_28, %dma_wait3A_200] : memref<512x64xf32, #tpu.memory_space<vmem>> -> memref<1x64xf32, #tpu.memory_space<vmem>>
        %dma_wait3A_202 = arith.constant 0 : i32
        %dma_wait3A_203 = arith.constant 0 : i32
        %dma_wait3A_204 = tpu.memref_slice %arg3[%dma_wait3A_202, %dma_wait3A_203] : memref<100000x64xf32, #tpu.memory_space<hbm>> -> memref<1x64xf32, #tpu.memory_space<hbm>>
        tpu.wait_dma2 semaphore(%arg7 : memref<!tpu.dma_semaphore, #tpu.memory_space<semaphore_mem>>) src(%dma_wait3A_204 : memref<1x64xf32, #tpu.memory_space<hbm>>) dst(%dma_wait3A_201 : memref<1x64xf32, #tpu.memory_space<vmem>>)
      } else {
      }
      %slice3A_31 = vector.extract_strided_slice %get3A_24 {offsets = [1], sizes = [1], strides = [1]} : vector<16xi32> to vector<1xi32>
      %squeeze3A_32 = vector.extract %slice3A_31[0] : i32 from vector<1xi32>
      %mul3A_33 = arith.constant 16 : i32
      %mul3A_34 = arith.muli %mul3A_33, %scan3A_21 : i32
      %add3A_35 = arith.constant 1 : i32
      %add3A_36 = arith.addi %mul3A_34, %add3A_35 : i32
      %ge3A_37 = arith.constant 0 : i32
      %ge3A_38 = arith.cmpi sge, %squeeze3A_32, %ge3A_37 : i32
      %convert_element_type3A_39 = arith.extui %ge3A_38 : i1 to i32
      %cond3A_40 = arith.constant 0 : i32
      %cond3A_41 = arith.cmpi ne, %convert_element_type3A_39, %cond3A_40 : i32
      scf.if %cond3A_41 {
        %dma_wait3A = arith.constant 0 : i32
        %dma_wait3A_196 = tpu.memref_slice %arg6[%add3A_36, %dma_wait3A] : memref<512x64xf32, #tpu.memory_space<vmem>> -> memref<1x64xf32, #tpu.memory_space<vmem>>
        %dma_wait3A_197 = arith.constant 0 : i32
        %dma_wait3A_198 = arith.constant 0 : i32
        %dma_wait3A_199 = tpu.memref_slice %arg3[%dma_wait3A_197, %dma_wait3A_198] : memref<100000x64xf32, #tpu.memory_space<hbm>> -> memref<1x64xf32, #tpu.memory_space<hbm>>
        %dma_wait3A_200 = arith.constant 0 : i32
        %dma_wait3A_201 = tpu.memref_slice %arg6[%add3A_36, %dma_wait3A_200] : memref<512x64xf32, #tpu.memory_space<vmem>> -> memref<1x64xf32, #tpu.memory_space<vmem>>
        %dma_wait3A_202 = arith.constant 0 : i32
        %dma_wait3A_203 = arith.constant 0 : i32
        %dma_wait3A_204 = tpu.memref_slice %arg3[%dma_wait3A_202, %dma_wait3A_203] : memref<100000x64xf32, #tpu.memory_space<hbm>> -> memref<1x64xf32, #tpu.memory_space<hbm>>
        tpu.wait_dma2 semaphore(%arg7 : memref<!tpu.dma_semaphore, #tpu.memory_space<semaphore_mem>>) src(%dma_wait3A_204 : memref<1x64xf32, #tpu.memory_space<hbm>>) dst(%dma_wait3A_201 : memref<1x64xf32, #tpu.memory_space<vmem>>)
      } else {
      }
      %slice3A_42 = vector.extract_strided_slice %get3A_24 {offsets = [2], sizes = [1], strides = [1]} : vector<16xi32> to vector<1xi32>
      %squeeze3A_43 = vector.extract %slice3A_42[0] : i32 from vector<1xi32>
      %mul3A_44 = arith.constant 16 : i32
      %mul3A_45 = arith.muli %mul3A_44, %scan3A_21 : i32
      %add3A_46 = arith.constant 2 : i32
      %add3A_47 = arith.addi %mul3A_45, %add3A_46 : i32
      %ge3A_48 = arith.constant 0 : i32
      %ge3A_49 = arith.cmpi sge, %squeeze3A_43, %ge3A_48 : i32
      %convert_element_type3A_50 = arith.extui %ge3A_49 : i1 to i32
      %cond3A_51 = arith.constant 0 : i32
      %cond3A_52 = arith.cmpi ne, %convert_element_type3A_50, %cond3A_51 : i32
      scf.if %cond3A_52 {
        %dma_wait3A = arith.constant 0 : i32
        %dma_wait3A_196 = tpu.memref_slice %arg6[%add3A_47, %dma_wait3A] : memref<512x64xf32, #tpu.memory_space<vmem>> -> memref<1x64xf32, #tpu.memory_space<vmem>>
        %dma_wait3A_197 = arith.constant 0 : i32
        %dma_wait3A_198 = arith.constant 0 : i32
        %dma_wait3A_199 = tpu.memref_slice %arg3[%dma_wait3A_197, %dma_wait3A_198] : memref<100000x64xf32, #tpu.memory_space<hbm>> -> memref<1x64xf32, #tpu.memory_space<hbm>>
        %dma_wait3A_200 = arith.constant 0 : i32
        %dma_wait3A_201 = tpu.memref_slice %arg6[%add3A_47, %dma_wait3A_200] : memref<512x64xf32, #tpu.memory_space<vmem>> -> memref<1x64xf32, #tpu.memory_space<vmem>>
        %dma_wait3A_202 = arith.constant 0 : i32
        %dma_wait3A_203 = arith.constant 0 : i32
        %dma_wait3A_204 = tpu.memref_slice %arg3[%dma_wait3A_202, %dma_wait3A_203] : memref<100000x64xf32, #tpu.memory_space<hbm>> -> memref<1x64xf32, #tpu.memory_space<hbm>>
        tpu.wait_dma2 semaphore(%arg7 : memref<!tpu.dma_semaphore, #tpu.memory_space<semaphore_mem>>) src(%dma_wait3A_204 : memref<1x64xf32, #tpu.memory_space<hbm>>) dst(%dma_wait3A_201 : memref<1x64xf32, #tpu.memory_space<vmem>>)
      } else {
      }
      %slice3A_53 = vector.extract_strided_slice %get3A_24 {offsets = [3], sizes = [1], strides = [1]} : vector<16xi32> to vector<1xi32>
      %squeeze3A_54 = vector.extract %slice3A_53[0] : i32 from vector<1xi32>
      %mul3A_55 = arith.constant 16 : i32
      %mul3A_56 = arith.muli %mul3A_55, %scan3A_21 : i32
      %add3A_57 = arith.constant 3 : i32
      %add3A_58 = arith.addi %mul3A_56, %add3A_57 : i32
      %ge3A_59 = arith.constant 0 : i32
      %ge3A_60 = arith.cmpi sge, %squeeze3A_54, %ge3A_59 : i32
      %convert_element_type3A_61 = arith.extui %ge3A_60 : i1 to i32
      %cond3A_62 = arith.constant 0 : i32
      %cond3A_63 = arith.cmpi ne, %convert_element_type3A_61, %cond3A_62 : i32
      scf.if %cond3A_63 {
        %dma_wait3A = arith.constant 0 : i32
        %dma_wait3A_196 = tpu.memref_slice %arg6[%add3A_58, %dma_wait3A] : memref<512x64xf32, #tpu.memory_space<vmem>> -> memref<1x64xf32, #tpu.memory_space<vmem>>
        %dma_wait3A_197 = arith.constant 0 : i32
        %dma_wait3A_198 = arith.constant 0 : i32
        %dma_wait3A_199 = tpu.memref_slice %arg3[%dma_wait3A_197, %dma_wait3A_198] : memref<100000x64xf32, #tpu.memory_space<hbm>> -> memref<1x64xf32, #tpu.memory_space<hbm>>
        %dma_wait3A_200 = arith.constant 0 : i32
        %dma_wait3A_201 = tpu.memref_slice %arg6[%add3A_58, %dma_wait3A_200] : memref<512x64xf32, #tpu.memory_space<vmem>> -> memref<1x64xf32, #tpu.memory_space<vmem>>
        %dma_wait3A_202 = arith.constant 0 : i32
        %dma_wait3A_203 = arith.constant 0 : i32
        %dma_wait3A_204 = tpu.memref_slice %arg3[%dma_wait3A_202, %dma_wait3A_203] : memref<100000x64xf32, #tpu.memory_space<hbm>> -> memref<1x64xf32, #tpu.memory_space<hbm>>
        tpu.wait_dma2 semaphore(%arg7 : memref<!tpu.dma_semaphore, #tpu.memory_space<semaphore_mem>>) src(%dma_wait3A_204 : memref<1x64xf32, #tpu.memory_space<hbm>>) dst(%dma_wait3A_201 : memref<1x64xf32, #tpu.memory_space<vmem>>)
      } else {
      }
      %slice3A_64 = vector.extract_strided_slice %get3A_24 {offsets = [4], sizes = [1], strides = [1]} : vector<16xi32> to vector<1xi32>
      %squeeze3A_65 = vector.extract %slice3A_64[0] : i32 from vector<1xi32>
      %mul3A_66 = arith.constant 16 : i32
      %mul3A_67 = arith.muli %mul3A_66, %scan3A_21 : i32
      %add3A_68 = arith.constant 4 : i32
      %add3A_69 = arith.addi %mul3A_67, %add3A_68 : i32
      %ge3A_70 = arith.constant 0 : i32
      %ge3A_71 = arith.cmpi sge, %squeeze3A_65, %ge3A_70 : i32
      %convert_element_type3A_72 = arith.extui %ge3A_71 : i1 to i32
      %cond3A_73 = arith.constant 0 : i32
      %cond3A_74 = arith.cmpi ne, %convert_element_type3A_72, %cond3A_73 : i32
      scf.if %cond3A_74 {
        %dma_wait3A = arith.constant 0 : i32
        %dma_wait3A_196 = tpu.memref_slice %arg6[%add3A_69, %dma_wait3A] : memref<512x64xf32, #tpu.memory_space<vmem>> -> memref<1x64xf32, #tpu.memory_space<vmem>>
        %dma_wait3A_197 = arith.constant 0 : i32
        %dma_wait3A_198 = arith.constant 0 : i32
        %dma_wait3A_199 = tpu.memref_slice %arg3[%dma_wait3A_197, %dma_wait3A_198] : memref<100000x64xf32, #tpu.memory_space<hbm>> -> memref<1x64xf32, #tpu.memory_space<hbm>>
        %dma_wait3A_200 = arith.constant 0 : i32
        %dma_wait3A_201 = tpu.memref_slice %arg6[%add3A_69, %dma_wait3A_200] : memref<512x64xf32, #tpu.memory_space<vmem>> -> memref<1x64xf32, #tpu.memory_space<vmem>>
        %dma_wait3A_202 = arith.constant 0 : i32
        %dma_wait3A_203 = arith.constant 0 : i32
        %dma_wait3A_204 = tpu.memref_slice %arg3[%dma_wait3A_202, %dma_wait3A_203] : memref<100000x64xf32, #tpu.memory_space<hbm>> -> memref<1x64xf32, #tpu.memory_space<hbm>>
        tpu.wait_dma2 semaphore(%arg7 : memref<!tpu.dma_semaphore, #tpu.memory_space<semaphore_mem>>) src(%dma_wait3A_204 : memref<1x64xf32, #tpu.memory_space<hbm>>) dst(%dma_wait3A_201 : memref<1x64xf32, #tpu.memory_space<vmem>>)
      } else {
      }
      %slice3A_75 = vector.extract_strided_slice %get3A_24 {offsets = [5], sizes = [1], strides = [1]} : vector<16xi32> to vector<1xi32>
      %squeeze3A_76 = vector.extract %slice3A_75[0] : i32 from vector<1xi32>
      %mul3A_77 = arith.constant 16 : i32
      %mul3A_78 = arith.muli %mul3A_77, %scan3A_21 : i32
      %add3A_79 = arith.constant 5 : i32
      %add3A_80 = arith.addi %mul3A_78, %add3A_79 : i32
      %ge3A_81 = arith.constant 0 : i32
      %ge3A_82 = arith.cmpi sge, %squeeze3A_76, %ge3A_81 : i32
      %convert_element_type3A_83 = arith.extui %ge3A_82 : i1 to i32
      %cond3A_84 = arith.constant 0 : i32
      %cond3A_85 = arith.cmpi ne, %convert_element_type3A_83, %cond3A_84 : i32
      scf.if %cond3A_85 {
        %dma_wait3A = arith.constant 0 : i32
        %dma_wait3A_196 = tpu.memref_slice %arg6[%add3A_80, %dma_wait3A] : memref<512x64xf32, #tpu.memory_space<vmem>> -> memref<1x64xf32, #tpu.memory_space<vmem>>
        %dma_wait3A_197 = arith.constant 0 : i32
        %dma_wait3A_198 = arith.constant 0 : i32
        %dma_wait3A_199 = tpu.memref_slice %arg3[%dma_wait3A_197, %dma_wait3A_198] : memref<100000x64xf32, #tpu.memory_space<hbm>> -> memref<1x64xf32, #tpu.memory_space<hbm>>
        %dma_wait3A_200 = arith.constant 0 : i32
        %dma_wait3A_201 = tpu.memref_slice %arg6[%add3A_80, %dma_wait3A_200] : memref<512x64xf32, #tpu.memory_space<vmem>> -> memref<1x64xf32, #tpu.memory_space<vmem>>
        %dma_wait3A_202 = arith.constant 0 : i32
        %dma_wait3A_203 = arith.constant 0 : i32
        %dma_wait3A_204 = tpu.memref_slice %arg3[%dma_wait3A_202, %dma_wait3A_203] : memref<100000x64xf32, #tpu.memory_space<hbm>> -> memref<1x64xf32, #tpu.memory_space<hbm>>
        tpu.wait_dma2 semaphore(%arg7 : memref<!tpu.dma_semaphore, #tpu.memory_space<semaphore_mem>>) src(%dma_wait3A_204 : memref<1x64xf32, #tpu.memory_space<hbm>>) dst(%dma_wait3A_201 : memref<1x64xf32, #tpu.memory_space<vmem>>)
      } else {
      }
      %slice3A_86 = vector.extract_strided_slice %get3A_24 {offsets = [6], sizes = [1], strides = [1]} : vector<16xi32> to vector<1xi32>
      %squeeze3A_87 = vector.extract %slice3A_86[0] : i32 from vector<1xi32>
      %mul3A_88 = arith.constant 16 : i32
      %mul3A_89 = arith.muli %mul3A_88, %scan3A_21 : i32
      %add3A_90 = arith.constant 6 : i32
      %add3A_91 = arith.addi %mul3A_89, %add3A_90 : i32
      %ge3A_92 = arith.constant 0 : i32
      %ge3A_93 = arith.cmpi sge, %squeeze3A_87, %ge3A_92 : i32
      %convert_element_type3A_94 = arith.extui %ge3A_93 : i1 to i32
      %cond3A_95 = arith.constant 0 : i32
      %cond3A_96 = arith.cmpi ne, %convert_element_type3A_94, %cond3A_95 : i32
      scf.if %cond3A_96 {
        %dma_wait3A = arith.constant 0 : i32
        %dma_wait3A_196 = tpu.memref_slice %arg6[%add3A_91, %dma_wait3A] : memref<512x64xf32, #tpu.memory_space<vmem>> -> memref<1x64xf32, #tpu.memory_space<vmem>>
        %dma_wait3A_197 = arith.constant 0 : i32
        %dma_wait3A_198 = arith.constant 0 : i32
        %dma_wait3A_199 = tpu.memref_slice %arg3[%dma_wait3A_197, %dma_wait3A_198] : memref<100000x64xf32, #tpu.memory_space<hbm>> -> memref<1x64xf32, #tpu.memory_space<hbm>>
        %dma_wait3A_200 = arith.constant 0 : i32
        %dma_wait3A_201 = tpu.memref_slice %arg6[%add3A_91, %dma_wait3A_200] : memref<512x64xf32, #tpu.memory_space<vmem>> -> memref<1x64xf32, #tpu.memory_space<vmem>>
        %dma_wait3A_202 = arith.constant 0 : i32
        %dma_wait3A_203 = arith.constant 0 : i32
        %dma_wait3A_204 = tpu.memref_slice %arg3[%dma_wait3A_202, %dma_wait3A_203] : memref<100000x64xf32, #tpu.memory_space<hbm>> -> memref<1x64xf32, #tpu.memory_space<hbm>>
        tpu.wait_dma2 semaphore(%arg7 : memref<!tpu.dma_semaphore, #tpu.memory_space<semaphore_mem>>) src(%dma_wait3A_204 : memref<1x64xf32, #tpu.memory_space<hbm>>) dst(%dma_wait3A_201 : memref<1x64xf32, #tpu.memory_space<vmem>>)
      } else {
      }
      %slice3A_97 = vector.extract_strided_slice %get3A_24 {offsets = [7], sizes = [1], strides = [1]} : vector<16xi32> to vector<1xi32>
      %squeeze3A_98 = vector.extract %slice3A_97[0] : i32 from vector<1xi32>
      %mul3A_99 = arith.constant 16 : i32
      %mul3A_100 = arith.muli %mul3A_99, %scan3A_21 : i32
      %add3A_101 = arith.constant 7 : i32
      %add3A_102 = arith.addi %mul3A_100, %add3A_101 : i32
      %ge3A_103 = arith.constant 0 : i32
      %ge3A_104 = arith.cmpi sge, %squeeze3A_98, %ge3A_103 : i32
      %convert_element_type3A_105 = arith.extui %ge3A_104 : i1 to i32
      %cond3A_106 = arith.constant 0 : i32
      %cond3A_107 = arith.cmpi ne, %convert_element_type3A_105, %cond3A_106 : i32
      scf.if %cond3A_107 {
        %dma_wait3A = arith.constant 0 : i32
        %dma_wait3A_196 = tpu.memref_slice %arg6[%add3A_102, %dma_wait3A] : memref<512x64xf32, #tpu.memory_space<vmem>> -> memref<1x64xf32, #tpu.memory_space<vmem>>
        %dma_wait3A_197 = arith.constant 0 : i32
        %dma_wait3A_198 = arith.constant 0 : i32
        %dma_wait3A_199 = tpu.memref_slice %arg3[%dma_wait3A_197, %dma_wait3A_198] : memref<100000x64xf32, #tpu.memory_space<hbm>> -> memref<1x64xf32, #tpu.memory_space<hbm>>
        %dma_wait3A_200 = arith.constant 0 : i32
        %dma_wait3A_201 = tpu.memref_slice %arg6[%add3A_102, %dma_wait3A_200] : memref<512x64xf32, #tpu.memory_space<vmem>> -> memref<1x64xf32, #tpu.memory_space<vmem>>
        %dma_wait3A_202 = arith.constant 0 : i32
        %dma_wait3A_203 = arith.constant 0 : i32
        %dma_wait3A_204 = tpu.memref_slice %arg3[%dma_wait3A_202, %dma_wait3A_203] : memref<100000x64xf32, #tpu.memory_space<hbm>> -> memref<1x64xf32, #tpu.memory_space<hbm>>
        tpu.wait_dma2 semaphore(%arg7 : memref<!tpu.dma_semaphore, #tpu.memory_space<semaphore_mem>>) src(%dma_wait3A_204 : memref<1x64xf32, #tpu.memory_space<hbm>>) dst(%dma_wait3A_201 : memref<1x64xf32, #tpu.memory_space<vmem>>)
      } else {
      }
      %slice3A_108 = vector.extract_strided_slice %get3A_24 {offsets = [8], sizes = [1], strides = [1]} : vector<16xi32> to vector<1xi32>
      %squeeze3A_109 = vector.extract %slice3A_108[0] : i32 from vector<1xi32>
      %mul3A_110 = arith.constant 16 : i32
      %mul3A_111 = arith.muli %mul3A_110, %scan3A_21 : i32
      %add3A_112 = arith.constant 8 : i32
      %add3A_113 = arith.addi %mul3A_111, %add3A_112 : i32
      %ge3A_114 = arith.constant 0 : i32
      %ge3A_115 = arith.cmpi sge, %squeeze3A_109, %ge3A_114 : i32
      %convert_element_type3A_116 = arith.extui %ge3A_115 : i1 to i32
      %cond3A_117 = arith.constant 0 : i32
      %cond3A_118 = arith.cmpi ne, %convert_element_type3A_116, %cond3A_117 : i32
      scf.if %cond3A_118 {
        %dma_wait3A = arith.constant 0 : i32
        %dma_wait3A_196 = tpu.memref_slice %arg6[%add3A_113, %dma_wait3A] : memref<512x64xf32, #tpu.memory_space<vmem>> -> memref<1x64xf32, #tpu.memory_space<vmem>>
        %dma_wait3A_197 = arith.constant 0 : i32
        %dma_wait3A_198 = arith.constant 0 : i32
        %dma_wait3A_199 = tpu.memref_slice %arg3[%dma_wait3A_197, %dma_wait3A_198] : memref<100000x64xf32, #tpu.memory_space<hbm>> -> memref<1x64xf32, #tpu.memory_space<hbm>>
        %dma_wait3A_200 = arith.constant 0 : i32
        %dma_wait3A_201 = tpu.memref_slice %arg6[%add3A_113, %dma_wait3A_200] : memref<512x64xf32, #tpu.memory_space<vmem>> -> memref<1x64xf32, #tpu.memory_space<vmem>>
        %dma_wait3A_202 = arith.constant 0 : i32
        %dma_wait3A_203 = arith.constant 0 : i32
        %dma_wait3A_204 = tpu.memref_slice %arg3[%dma_wait3A_202, %dma_wait3A_203] : memref<100000x64xf32, #tpu.memory_space<hbm>> -> memref<1x64xf32, #tpu.memory_space<hbm>>
        tpu.wait_dma2 semaphore(%arg7 : memref<!tpu.dma_semaphore, #tpu.memory_space<semaphore_mem>>) src(%dma_wait3A_204 : memref<1x64xf32, #tpu.memory_space<hbm>>) dst(%dma_wait3A_201 : memref<1x64xf32, #tpu.memory_space<vmem>>)
      } else {
      }
      %slice3A_119 = vector.extract_strided_slice %get3A_24 {offsets = [9], sizes = [1], strides = [1]} : vector<16xi32> to vector<1xi32>
      %squeeze3A_120 = vector.extract %slice3A_119[0] : i32 from vector<1xi32>
      %mul3A_121 = arith.constant 16 : i32
      %mul3A_122 = arith.muli %mul3A_121, %scan3A_21 : i32
      %add3A_123 = arith.constant 9 : i32
      %add3A_124 = arith.addi %mul3A_122, %add3A_123 : i32
      %ge3A_125 = arith.constant 0 : i32
      %ge3A_126 = arith.cmpi sge, %squeeze3A_120, %ge3A_125 : i32
      %convert_element_type3A_127 = arith.extui %ge3A_126 : i1 to i32
      %cond3A_128 = arith.constant 0 : i32
      %cond3A_129 = arith.cmpi ne, %convert_element_type3A_127, %cond3A_128 : i32
      scf.if %cond3A_129 {
        %dma_wait3A = arith.constant 0 : i32
        %dma_wait3A_196 = tpu.memref_slice %arg6[%add3A_124, %dma_wait3A] : memref<512x64xf32, #tpu.memory_space<vmem>> -> memref<1x64xf32, #tpu.memory_space<vmem>>
        %dma_wait3A_197 = arith.constant 0 : i32
        %dma_wait3A_198 = arith.constant 0 : i32
        %dma_wait3A_199 = tpu.memref_slice %arg3[%dma_wait3A_197, %dma_wait3A_198] : memref<100000x64xf32, #tpu.memory_space<hbm>> -> memref<1x64xf32, #tpu.memory_space<hbm>>
        %dma_wait3A_200 = arith.constant 0 : i32
        %dma_wait3A_201 = tpu.memref_slice %arg6[%add3A_124, %dma_wait3A_200] : memref<512x64xf32, #tpu.memory_space<vmem>> -> memref<1x64xf32, #tpu.memory_space<vmem>>
        %dma_wait3A_202 = arith.constant 0 : i32
        %dma_wait3A_203 = arith.constant 0 : i32
        %dma_wait3A_204 = tpu.memref_slice %arg3[%dma_wait3A_202, %dma_wait3A_203] : memref<100000x64xf32, #tpu.memory_space<hbm>> -> memref<1x64xf32, #tpu.memory_space<hbm>>
        tpu.wait_dma2 semaphore(%arg7 : memref<!tpu.dma_semaphore, #tpu.memory_space<semaphore_mem>>) src(%dma_wait3A_204 : memref<1x64xf32, #tpu.memory_space<hbm>>) dst(%dma_wait3A_201 : memref<1x64xf32, #tpu.memory_space<vmem>>)
      } else {
      }
      %slice3A_130 = vector.extract_strided_slice %get3A_24 {offsets = [10], sizes = [1], strides = [1]} : vector<16xi32> to vector<1xi32>
      %squeeze3A_131 = vector.extract %slice3A_130[0] : i32 from vector<1xi32>
      %mul3A_132 = arith.constant 16 : i32
      %mul3A_133 = arith.muli %mul3A_132, %scan3A_21 : i32
      %add3A_134 = arith.constant 10 : i32
      %add3A_135 = arith.addi %mul3A_133, %add3A_134 : i32
      %ge3A_136 = arith.constant 0 : i32
      %ge3A_137 = arith.cmpi sge, %squeeze3A_131, %ge3A_136 : i32
      %convert_element_type3A_138 = arith.extui %ge3A_137 : i1 to i32
      %cond3A_139 = arith.constant 0 : i32
      %cond3A_140 = arith.cmpi ne, %convert_element_type3A_138, %cond3A_139 : i32
      scf.if %cond3A_140 {
        %dma_wait3A = arith.constant 0 : i32
        %dma_wait3A_196 = tpu.memref_slice %arg6[%add3A_135, %dma_wait3A] : memref<512x64xf32, #tpu.memory_space<vmem>> -> memref<1x64xf32, #tpu.memory_space<vmem>>
        %dma_wait3A_197 = arith.constant 0 : i32
        %dma_wait3A_198 = arith.constant 0 : i32
        %dma_wait3A_199 = tpu.memref_slice %arg3[%dma_wait3A_197, %dma_wait3A_198] : memref<100000x64xf32, #tpu.memory_space<hbm>> -> memref<1x64xf32, #tpu.memory_space<hbm>>
        %dma_wait3A_200 = arith.constant 0 : i32
        %dma_wait3A_201 = tpu.memref_slice %arg6[%add3A_135, %dma_wait3A_200] : memref<512x64xf32, #tpu.memory_space<vmem>> -> memref<1x64xf32, #tpu.memory_space<vmem>>
        %dma_wait3A_202 = arith.constant 0 : i32
        %dma_wait3A_203 = arith.constant 0 : i32
        %dma_wait3A_204 = tpu.memref_slice %arg3[%dma_wait3A_202, %dma_wait3A_203] : memref<100000x64xf32, #tpu.memory_space<hbm>> -> memref<1x64xf32, #tpu.memory_space<hbm>>
        tpu.wait_dma2 semaphore(%arg7 : memref<!tpu.dma_semaphore, #tpu.memory_space<semaphore_mem>>) src(%dma_wait3A_204 : memref<1x64xf32, #tpu.memory_space<hbm>>) dst(%dma_wait3A_201 : memref<1x64xf32, #tpu.memory_space<vmem>>)
      } else {
      }
      %slice3A_141 = vector.extract_strided_slice %get3A_24 {offsets = [11], sizes = [1], strides = [1]} : vector<16xi32> to vector<1xi32>
      %squeeze3A_142 = vector.extract %slice3A_141[0] : i32 from vector<1xi32>
      %mul3A_143 = arith.constant 16 : i32
      %mul3A_144 = arith.muli %mul3A_143, %scan3A_21 : i32
      %add3A_145 = arith.constant 11 : i32
      %add3A_146 = arith.addi %mul3A_144, %add3A_145 : i32
      %ge3A_147 = arith.constant 0 : i32
      %ge3A_148 = arith.cmpi sge, %squeeze3A_142, %ge3A_147 : i32
      %convert_element_type3A_149 = arith.extui %ge3A_148 : i1 to i32
      %cond3A_150 = arith.constant 0 : i32
      %cond3A_151 = arith.cmpi ne, %convert_element_type3A_149, %cond3A_150 : i32
      scf.if %cond3A_151 {
        %dma_wait3A = arith.constant 0 : i32
        %dma_wait3A_196 = tpu.memref_slice %arg6[%add3A_146, %dma_wait3A] : memref<512x64xf32, #tpu.memory_space<vmem>> -> memref<1x64xf32, #tpu.memory_space<vmem>>
        %dma_wait3A_197 = arith.constant 0 : i32
        %dma_wait3A_198 = arith.constant 0 : i32
        %dma_wait3A_199 = tpu.memref_slice %arg3[%dma_wait3A_197, %dma_wait3A_198] : memref<100000x64xf32, #tpu.memory_space<hbm>> -> memref<1x64xf32, #tpu.memory_space<hbm>>
        %dma_wait3A_200 = arith.constant 0 : i32
        %dma_wait3A_201 = tpu.memref_slice %arg6[%add3A_146, %dma_wait3A_200] : memref<512x64xf32, #tpu.memory_space<vmem>> -> memref<1x64xf32, #tpu.memory_space<vmem>>
        %dma_wait3A_202 = arith.constant 0 : i32
        %dma_wait3A_203 = arith.constant 0 : i32
        %dma_wait3A_204 = tpu.memref_slice %arg3[%dma_wait3A_202, %dma_wait3A_203] : memref<100000x64xf32, #tpu.memory_space<hbm>> -> memref<1x64xf32, #tpu.memory_space<hbm>>
        tpu.wait_dma2 semaphore(%arg7 : memref<!tpu.dma_semaphore, #tpu.memory_space<semaphore_mem>>) src(%dma_wait3A_204 : memref<1x64xf32, #tpu.memory_space<hbm>>) dst(%dma_wait3A_201 : memref<1x64xf32, #tpu.memory_space<vmem>>)
      } else {
      }
      %slice3A_152 = vector.extract_strided_slice %get3A_24 {offsets = [12], sizes = [1], strides = [1]} : vector<16xi32> to vector<1xi32>
      %squeeze3A_153 = vector.extract %slice3A_152[0] : i32 from vector<1xi32>
      %mul3A_154 = arith.constant 16 : i32
      %mul3A_155 = arith.muli %mul3A_154, %scan3A_21 : i32
      %add3A_156 = arith.constant 12 : i32
      %add3A_157 = arith.addi %mul3A_155, %add3A_156 : i32
      %ge3A_158 = arith.constant 0 : i32
      %ge3A_159 = arith.cmpi sge, %squeeze3A_153, %ge3A_158 : i32
      %convert_element_type3A_160 = arith.extui %ge3A_159 : i1 to i32
      %cond3A_161 = arith.constant 0 : i32
      %cond3A_162 = arith.cmpi ne, %convert_element_type3A_160, %cond3A_161 : i32
      scf.if %cond3A_162 {
        %dma_wait3A = arith.constant 0 : i32
        %dma_wait3A_196 = tpu.memref_slice %arg6[%add3A_157, %dma_wait3A] : memref<512x64xf32, #tpu.memory_space<vmem>> -> memref<1x64xf32, #tpu.memory_space<vmem>>
        %dma_wait3A_197 = arith.constant 0 : i32
        %dma_wait3A_198 = arith.constant 0 : i32
        %dma_wait3A_199 = tpu.memref_slice %arg3[%dma_wait3A_197, %dma_wait3A_198] : memref<100000x64xf32, #tpu.memory_space<hbm>> -> memref<1x64xf32, #tpu.memory_space<hbm>>
        %dma_wait3A_200 = arith.constant 0 : i32
        %dma_wait3A_201 = tpu.memref_slice %arg6[%add3A_157, %dma_wait3A_200] : memref<512x64xf32, #tpu.memory_space<vmem>> -> memref<1x64xf32, #tpu.memory_space<vmem>>
        %dma_wait3A_202 = arith.constant 0 : i32
        %dma_wait3A_203 = arith.constant 0 : i32
        %dma_wait3A_204 = tpu.memref_slice %arg3[%dma_wait3A_202, %dma_wait3A_203] : memref<100000x64xf32, #tpu.memory_space<hbm>> -> memref<1x64xf32, #tpu.memory_space<hbm>>
        tpu.wait_dma2 semaphore(%arg7 : memref<!tpu.dma_semaphore, #tpu.memory_space<semaphore_mem>>) src(%dma_wait3A_204 : memref<1x64xf32, #tpu.memory_space<hbm>>) dst(%dma_wait3A_201 : memref<1x64xf32, #tpu.memory_space<vmem>>)
      } else {
      }
      %slice3A_163 = vector.extract_strided_slice %get3A_24 {offsets = [13], sizes = [1], strides = [1]} : vector<16xi32> to vector<1xi32>
      %squeeze3A_164 = vector.extract %slice3A_163[0] : i32 from vector<1xi32>
      %mul3A_165 = arith.constant 16 : i32
      %mul3A_166 = arith.muli %mul3A_165, %scan3A_21 : i32
      %add3A_167 = arith.constant 13 : i32
      %add3A_168 = arith.addi %mul3A_166, %add3A_167 : i32
      %ge3A_169 = arith.constant 0 : i32
      %ge3A_170 = arith.cmpi sge, %squeeze3A_164, %ge3A_169 : i32
      %convert_element_type3A_171 = arith.extui %ge3A_170 : i1 to i32
      %cond3A_172 = arith.constant 0 : i32
      %cond3A_173 = arith.cmpi ne, %convert_element_type3A_171, %cond3A_172 : i32
      scf.if %cond3A_173 {
        %dma_wait3A = arith.constant 0 : i32
        %dma_wait3A_196 = tpu.memref_slice %arg6[%add3A_168, %dma_wait3A] : memref<512x64xf32, #tpu.memory_space<vmem>> -> memref<1x64xf32, #tpu.memory_space<vmem>>
        %dma_wait3A_197 = arith.constant 0 : i32
        %dma_wait3A_198 = arith.constant 0 : i32
        %dma_wait3A_199 = tpu.memref_slice %arg3[%dma_wait3A_197, %dma_wait3A_198] : memref<100000x64xf32, #tpu.memory_space<hbm>> -> memref<1x64xf32, #tpu.memory_space<hbm>>
        %dma_wait3A_200 = arith.constant 0 : i32
        %dma_wait3A_201 = tpu.memref_slice %arg6[%add3A_168, %dma_wait3A_200] : memref<512x64xf32, #tpu.memory_space<vmem>> -> memref<1x64xf32, #tpu.memory_space<vmem>>
        %dma_wait3A_202 = arith.constant 0 : i32
        %dma_wait3A_203 = arith.constant 0 : i32
        %dma_wait3A_204 = tpu.memref_slice %arg3[%dma_wait3A_202, %dma_wait3A_203] : memref<100000x64xf32, #tpu.memory_space<hbm>> -> memref<1x64xf32, #tpu.memory_space<hbm>>
        tpu.wait_dma2 semaphore(%arg7 : memref<!tpu.dma_semaphore, #tpu.memory_space<semaphore_mem>>) src(%dma_wait3A_204 : memref<1x64xf32, #tpu.memory_space<hbm>>) dst(%dma_wait3A_201 : memref<1x64xf32, #tpu.memory_space<vmem>>)
      } else {
      }
      %slice3A_174 = vector.extract_strided_slice %get3A_24 {offsets = [14], sizes = [1], strides = [1]} : vector<16xi32> to vector<1xi32>
      %squeeze3A_175 = vector.extract %slice3A_174[0] : i32 from vector<1xi32>
      %mul3A_176 = arith.constant 16 : i32
      %mul3A_177 = arith.muli %mul3A_176, %scan3A_21 : i32
      %add3A_178 = arith.constant 14 : i32
      %add3A_179 = arith.addi %mul3A_177, %add3A_178 : i32
      %ge3A_180 = arith.constant 0 : i32
      %ge3A_181 = arith.cmpi sge, %squeeze3A_175, %ge3A_180 : i32
      %convert_element_type3A_182 = arith.extui %ge3A_181 : i1 to i32
      %cond3A_183 = arith.constant 0 : i32
      %cond3A_184 = arith.cmpi ne, %convert_element_type3A_182, %cond3A_183 : i32
      scf.if %cond3A_184 {
        %dma_wait3A = arith.constant 0 : i32
        %dma_wait3A_196 = tpu.memref_slice %arg6[%add3A_179, %dma_wait3A] : memref<512x64xf32, #tpu.memory_space<vmem>> -> memref<1x64xf32, #tpu.memory_space<vmem>>
        %dma_wait3A_197 = arith.constant 0 : i32
        %dma_wait3A_198 = arith.constant 0 : i32
        %dma_wait3A_199 = tpu.memref_slice %arg3[%dma_wait3A_197, %dma_wait3A_198] : memref<100000x64xf32, #tpu.memory_space<hbm>> -> memref<1x64xf32, #tpu.memory_space<hbm>>
        %dma_wait3A_200 = arith.constant 0 : i32
        %dma_wait3A_201 = tpu.memref_slice %arg6[%add3A_179, %dma_wait3A_200] : memref<512x64xf32, #tpu.memory_space<vmem>> -> memref<1x64xf32, #tpu.memory_space<vmem>>
        %dma_wait3A_202 = arith.constant 0 : i32
        %dma_wait3A_203 = arith.constant 0 : i32
        %dma_wait3A_204 = tpu.memref_slice %arg3[%dma_wait3A_202, %dma_wait3A_203] : memref<100000x64xf32, #tpu.memory_space<hbm>> -> memref<1x64xf32, #tpu.memory_space<hbm>>
        tpu.wait_dma2 semaphore(%arg7 : memref<!tpu.dma_semaphore, #tpu.memory_space<semaphore_mem>>) src(%dma_wait3A_204 : memref<1x64xf32, #tpu.memory_space<hbm>>) dst(%dma_wait3A_201 : memref<1x64xf32, #tpu.memory_space<vmem>>)
      } else {
      }
      %slice3A_185 = vector.extract_strided_slice %get3A_24 {offsets = [15], sizes = [1], strides = [1]} : vector<16xi32> to vector<1xi32>
      %squeeze3A_186 = vector.extract %slice3A_185[0] : i32 from vector<1xi32>
      %mul3A_187 = arith.constant 16 : i32
      %mul3A_188 = arith.muli %mul3A_187, %scan3A_21 : i32
      %add3A_189 = arith.constant 15 : i32
      %add3A_190 = arith.addi %mul3A_188, %add3A_189 : i32
      %ge3A_191 = arith.constant 0 : i32
      %ge3A_192 = arith.cmpi sge, %squeeze3A_186, %ge3A_191 : i32
      %convert_element_type3A_193 = arith.extui %ge3A_192 : i1 to i32
      %cond3A_194 = arith.constant 0 : i32
      %cond3A_195 = arith.cmpi ne, %convert_element_type3A_193, %cond3A_194 : i32
      scf.if %cond3A_195 {
        %dma_wait3A = arith.constant 0 : i32
        %dma_wait3A_196 = tpu.memref_slice %arg6[%add3A_190, %dma_wait3A] : memref<512x64xf32, #tpu.memory_space<vmem>> -> memref<1x64xf32, #tpu.memory_space<vmem>>
        %dma_wait3A_197 = arith.constant 0 : i32
        %dma_wait3A_198 = arith.constant 0 : i32
        %dma_wait3A_199 = tpu.memref_slice %arg3[%dma_wait3A_197, %dma_wait3A_198] : memref<100000x64xf32, #tpu.memory_space<hbm>> -> memref<1x64xf32, #tpu.memory_space<hbm>>
        %dma_wait3A_200 = arith.constant 0 : i32
        %dma_wait3A_201 = tpu.memref_slice %arg6[%add3A_190, %dma_wait3A_200] : memref<512x64xf32, #tpu.memory_space<vmem>> -> memref<1x64xf32, #tpu.memory_space<vmem>>
        %dma_wait3A_202 = arith.constant 0 : i32
        %dma_wait3A_203 = arith.constant 0 : i32
        %dma_wait3A_204 = tpu.memref_slice %arg3[%dma_wait3A_202, %dma_wait3A_203] : memref<100000x64xf32, #tpu.memory_space<hbm>> -> memref<1x64xf32, #tpu.memory_space<hbm>>
        tpu.wait_dma2 semaphore(%arg7 : memref<!tpu.dma_semaphore, #tpu.memory_space<semaphore_mem>>) src(%dma_wait3A_204 : memref<1x64xf32, #tpu.memory_space<hbm>>) dst(%dma_wait3A_201 : memref<1x64xf32, #tpu.memory_space<vmem>>)
      } else {
      }
    }
    %scan3A_20 = arith.constant 32 : i32
    "tpu.region"() ({
      %run_scoped3A = tpu.sem_alloc : memref<!tpu.dma_semaphore, #tpu.memory_space<semaphore_mem>>
      %dma_start3A = arith.constant 0 : i32
      %dma_start3A_21 = tpu.memref_slice %arg4[%mul3A_2, %dma_start3A] : memref<16384x64xf32, #tpu.memory_space<hbm>> -> memref<512x64xf32, #tpu.memory_space<hbm>>
      %dma_start3A_22 = arith.constant 0 : i32
      %dma_start3A_23 = tpu.memref_slice %arg4[%mul3A_2, %dma_start3A_22] : memref<16384x64xf32, #tpu.memory_space<hbm>> -> memref<512x64xf32, #tpu.memory_space<hbm>>
      tpu.enqueue_dma source(%arg6 : memref<512x64xf32, #tpu.memory_space<vmem>>) target(%dma_start3A_23 : memref<512x64xf32, #tpu.memory_space<hbm>>) target_semaphore(%run_scoped3A : memref<!tpu.dma_semaphore, #tpu.memory_space<semaphore_mem>>)
      %dma_wait3A = arith.constant 0 : i32
      %dma_wait3A_24 = tpu.memref_slice %arg4[%mul3A_2, %dma_wait3A] : memref<16384x64xf32, #tpu.memory_space<hbm>> -> memref<512x64xf32, #tpu.memory_space<hbm>>
      %dma_wait3A_25 = arith.constant 0 : i32
      %dma_wait3A_26 = tpu.memref_slice %arg4[%mul3A_2, %dma_wait3A_25] : memref<16384x64xf32, #tpu.memory_space<hbm>> -> memref<512x64xf32, #tpu.memory_space<hbm>>
      tpu.wait_dma2 semaphore(%run_scoped3A : memref<!tpu.dma_semaphore, #tpu.memory_space<semaphore_mem>>) src(%arg6 : memref<512x64xf32, #tpu.memory_space<vmem>>) dst(%dma_wait3A_26 : memref<512x64xf32, #tpu.memory_space<hbm>>)
      tpu.yield
    }) : () -> ()
    return
  }
}

module attributes {stable_mosaic.version = 14 : i64} {
  func.func @_mm_body(%arg0: i32, %arg1: memref<2048x64xf32, #tpu.memory_space<vmem>>, %arg2: memref<2048x64xf32, #tpu.memory_space<vmem>>, %arg3: memref<64x64xf32, #tpu.memory_space<vmem>>, %arg4: memref<64x64xf32, #tpu.memory_space<vmem>>, %arg5: memref<64x1xf32, #tpu.memory_space<vmem>>, %arg6: memref<64x2048xf32, #tpu.memory_space<vmem>>) attributes {dimension_semantics = [#tpu.dimension_semantics<arbitrary>], iteration_bounds = array<i64: 8>, scalar_prefetch = 0 : i64, scratch_operands = 0 : i64, tpu.core_type = #tpu.core_type<tc>, window_params = [{transform_indices = @transform_0, window_bounds = array<i64: 2048, 64>}, {transform_indices = @transform_1, window_bounds = array<i64: 2048, 64>}, {pipeline_mode = #tpu.pipeline_mode<synchronous>, transform_indices = @transform_2, window_bounds = array<i64: 64, 64>}, {pipeline_mode = #tpu.pipeline_mode<synchronous>, transform_indices = @transform_3, window_bounds = array<i64: 64, 64>}, {pipeline_mode = #tpu.pipeline_mode<synchronous>, transform_indices = @transform_4, window_bounds = array<i64: 64, 1>}, {transform_indices = @transform_5, window_bounds = array<i64: 64, 2048>}]} {
    %get3A = arith.constant 0 : index
    %get3A_0 = arith.constant 0 : index
    %get3A_1 = vector.load %arg3[%get3A, %get3A_0] : memref<64x64xf32, #tpu.memory_space<vmem>>, vector<64x64xf32>
    %get3A_2 = arith.constant 0 : index
    %get3A_3 = arith.constant 0 : index
    %get3A_4 = vector.load %arg1[%get3A_2, %get3A_3] : memref<2048x64xf32, #tpu.memory_space<vmem>>, vector<2048x64xf32>
    %dot_general3A = arith.constant dense<0.000000e+00> : vector<64x2048xf32>
    %dot_general3A_5 = tpu.matmul %get3A_1, %get3A_4, %dot_general3A {dimension_numbers = #tpu.dot_dimension_numbers<[0], [1], [1], [0], [0, 1, 1, 0], [], []>, transpose_lhs_hint = false} : vector<64x64xf32>, vector<2048x64xf32>, vector<64x2048xf32> -> vector<64x2048xf32>
    %get3A_6 = arith.constant 0 : index
    %get3A_7 = arith.constant 0 : index
    %get3A_8 = vector.load %arg4[%get3A_6, %get3A_7] : memref<64x64xf32, #tpu.memory_space<vmem>>, vector<64x64xf32>
    %get3A_9 = arith.constant 0 : index
    %get3A_10 = arith.constant 0 : index
    %get3A_11 = vector.load %arg2[%get3A_9, %get3A_10] : memref<2048x64xf32, #tpu.memory_space<vmem>>, vector<2048x64xf32>
    %dot_general3A_12 = arith.constant dense<0.000000e+00> : vector<64x2048xf32>
    %dot_general3A_13 = tpu.matmul %get3A_8, %get3A_11, %dot_general3A_12 {dimension_numbers = #tpu.dot_dimension_numbers<[0], [1], [1], [0], [0, 1, 1, 0], [], []>, transpose_lhs_hint = false} : vector<64x64xf32>, vector<2048x64xf32>, vector<64x2048xf32> -> vector<64x2048xf32>
    %add3A = arith.addf %dot_general3A_5, %dot_general3A_13 : vector<64x2048xf32>
    %get3A_14 = arith.constant 0 : index
    %get3A_15 = arith.constant 0 : index
    %get3A_16 = vector.load %arg5[%get3A_14, %get3A_15] : memref<64x1xf32, #tpu.memory_space<vmem>>, vector<64x1xf32>
    %add3A_17 = vector.broadcast %get3A_16 : vector<64x1xf32> to vector<64x2048xf32>
    %add3A_18 = arith.addf %add3A, %add3A_17 : vector<64x2048xf32>
    %swap3A = arith.constant 0 : index
    %swap3A_19 = arith.constant 0 : index
    %swap3A_20 = vector.load %arg6[%swap3A, %swap3A_19] : memref<64x2048xf32, #tpu.memory_space<vmem>>, vector<64x2048xf32>
    tpu.vector_store %arg6[%swap3A, %swap3A_19], %add3A_18 {strides = array<i32>} : memref<64x2048xf32, #tpu.memory_space<vmem>>, vector<64x2048xf32>,
    return
  }
  func.func @transform_0(%arg0: i32) -> (i32, i32) {
    %c0_i32 = arith.constant 0 : i32
    %c0_i32_0 = arith.constant 0 : i32
    return %arg0, %c0_i32 : i32, i32
  }
  func.func @transform_1(%arg0: i32) -> (i32, i32) {
    %c0_i32 = arith.constant 0 : i32
    %c0_i32_0 = arith.constant 0 : i32
    return %arg0, %c0_i32 : i32, i32
  }
  func.func @transform_2(%arg0: i32) -> (i32, i32) {
    %c0_i32 = arith.constant 0 : i32
    %c0_i32_0 = arith.constant 0 : i32
    %c0_i32_1 = arith.constant 0 : i32
    return %c0_i32, %c0_i32_0 : i32, i32
  }
  func.func @transform_3(%arg0: i32) -> (i32, i32) {
    %c0_i32 = arith.constant 0 : i32
    %c0_i32_0 = arith.constant 0 : i32
    %c0_i32_1 = arith.constant 0 : i32
    return %c0_i32, %c0_i32_0 : i32, i32
  }
  func.func @transform_4(%arg0: i32) -> (i32, i32) {
    %c0_i32 = arith.constant 0 : i32
    %c0_i32_0 = arith.constant 0 : i32
    %c0_i32_1 = arith.constant 0 : i32
    return %c0_i32, %c0_i32_0 : i32, i32
  }
  func.func @transform_5(%arg0: i32) -> (i32, i32) {
    %c0_i32 = arith.constant 0 : i32
    %c0_i32_0 = arith.constant 0 : i32
    return %c0_i32, %arg0 : i32, i32
  }
}

</mosaic_0001>

<sc_bundles>
// kernel: kernel.12.cloned.1.call-start
scs
__scs_entry_jumppad:
0x0: {  	(pc) =	sbr.rel $0x88, $3  }
0x1: {  	(tag) =	ssettag $0x0;
	lr =	simm.s32 $0x1  }
0x2: {  	[smem:$0x3F9A] =	sst lr;
	_ =	strace $0xD0000000  }
0x3: {  	_ = 	snop  }
0x4: {  	_ = 	snop  }
0x5: {  	_ = 	snop  }
0x6: {  	_ = 	snop  }
0x7: {  	_ = 	snop  }
__scs_overlays_trampoline_lowered:
0x8: {  	[smem:$0x3FA9] =	sst s0  }
0x9: {  	[smem:$0x3FAA] =	sst s1  }
0xa: {  	[smem:$0x3FAB] =	sst s2  }
0xb: {  	[smem:$0x3FAC] =	sst s3  }
0xc: {  	[smem:$0x3FAD] =	sst s4  }
0xd: {  	[smem:$0x3FAE] =	sst s5  }
0xe: {  	[smem:$0x3FAF] =	sst s6  }
0xf: {  	[smem:$0x3FB0] =	sst s7  }
0x10: {  	[smem:$0x3FB1] =	sst s8  }
0x11: {  	[smem:$0x3FB2] =	sst s9;
	s0 =	simm.s32 @!p0 $0x0  }
0x12: {  	s1 =	sld [smem:$0x3F98];
	s0 =	simm.s32 @p0 $0x1  }
0x13: {  	[smem:$0x3FB3] =	sst s0;
	s0 =	simm.s32 @!p1 $0x0  }
0x14: {  	s2 =	sld [smem:$0x3F97];
	s0 =	simm.s32 @p1 $0x1  }
0x15: {  	[smem:$0x3FB4] =	sst s0;
	s0 =	simm.s32 @!p2 $0x0  }
0x16: {  	s3 =	sld [smem:$0x3FDB];
	s0 =	simm.s32 @p2 $0x1  }
0x17: {  	s4 =	simm.s32 $0x1BF5;
	[smem:$0x3FB6] =	sst s0  }
0x18: {  	s0 =	sld [smem:$0x3F99];
	_ =	swait.ge [sflag:s4], $0x0  }
0x19: {  	s7 =	sld [smem:$0x3F9A]  }
0x1a: {  	s8 =	sadd.s32 $0xFFFFE003, lr  }
0x1b: {  	s9 =	sadd.s32 $0xFFFFFEF7, lr;
	s5 =	simm.s32 $0xFFFFFFFF;
	p2 =	slt.u32 s8, $0xFFFFF086  }
0x1c: {  	p1 =	slt.u32 s9, $0xF7A;
	s5 =	simm.s32 @!p2 $0x0  }
0x1d: {  	s5 =	simm.s32 @p1 $0x1;
	p0 =	seq.s32 s7, s2  }
0x1e: {  	s7 =	smul.u32 @!p0 $0xF7A, s2;
	p2 =	seq.s32 @!p0 s5, $0x0  }
0x1f: {  	s9 =	smul.u32 $0xF7A, s1;
	s8 =	simm.s32 @!p0 $0x1BF5;
	p2 =	por !p2, p0  }
0x20: {  	[sflag:s8] =	ssyncset.s32 @!p0 $0xFFFFF086;
	s6 =	sadd.s32 @!p0 s3, s7;
	s7 =	simm.s32 @!p0 $0x108  }
0x21: {  	s3 =	sadd.s32 s3, s9;
	s6 =	sadd.s32 @!p0 $0x88, s6;
	s7 =	simm.s32 @p2 $0x1082  }
0x22: {  	[simem:s7], [sflag:s8] =	dma.local @!p0 [hbm:s6], $0xF7A  }
0x23: {  	s9 =	sor.u32 $0xD0000000, s2;
	s6 =	simm.s32 $0x108;
	_ =	swait.ge @!p0 [sflag:s8], $0x0  }
0x24: {  	s3 =	sadd.s32 $0x88, s3;
	s6 =	simm.s32 @!p1 $0x1082;
	[sflag:s4] =	ssyncset.s32 $0xFFFFF086  }
0x25: {  	[simem:s6], [sflag:s4] =	dma.local [hbm:s3], $0xF7A  }
0x26: {  	[smem:$0x3F9A] =	sst s1;
	(tag) =	ssettag s2;
	_ =	strace s9  }
0x27: {  	s1 =	sld [smem:$0x3FAA]  }
0x28: {  	s2 =	sld [smem:$0x3FAB]  }
0x29: {  	s4 =	sld [smem:$0x3FAD]  }
0x2a: {  	p0 =	seq.s32 s5, $0x0;
	s5 =	sld [smem:$0x3FAE]  }
0x2b: {  	s6 =	sld [smem:$0x3FAF]  }
0x2c: {  	s7 =	sld [smem:$0x3FB0]  }
0x2d: {  	s3 =	simm.s32 $0x108;
	s8 =	sld [smem:$0x3FB1]  }
0x2e: {  	s3 =	simm.s32 @!p0 $0x1082;
	s9 =	sld [smem:$0x3FB2]  }
0x2f: {  	lr =	sadd.s32 s0, s3;
	s0 =	sld [smem:$0x3FA9]  }
0x30: {  	s3 =	sld [smem:$0x3FAC]  }
0x31: {  	[smem:$0x3FB5] =	sst s10  }
0x32: {  	s10 =	sld [smem:$0x3FB3];
	_ =	sdelay $0x3  }
0x33: {  	p0 =	seq.s32 s10, $0x1;
	s10 =	sld [smem:$0x3FB5];
	_ =	sdelay $0x3  }
0x34: {  	[smem:$0x3FB5] =	sst s10  }
0x35: {  	s10 =	sld [smem:$0x3FB4];
	_ =	sdelay $0x3  }
0x36: {  	p1 =	seq.s32 s10, $0x1;
	s10 =	sld [smem:$0x3FB5];
	_ =	sdelay $0x3  }
0x37: {  	[smem:$0x3FB5] =	sst s10  }
0x38: {  	s10 =	sld [smem:$0x3FB6]  }
0x39: {  	_ = 	snop;
	(pc) =	sbr.ind lr, $3  }
0x3a: {  	_ = 	snop  }
0x3b: {  	_ = 	snop  }
0x3c: {  	p2 =	seq.s32 s10, $0x1;
	s10 =	sld [smem:$0x3FB5]  }
0x3d: {  	_ =	shalt  }
0x3e: {  	_ =	shalt  }
0x3f: {  	_ =	shalt  }
0x40: {  	_ =	shalt  }
0x41: {  	_ =	shalt  }
0x42: {  	_ =	shalt  }
0x43: {  	_ =	shalt  }
0x44: {  	_ =	shalt  }
0x45: {  	_ =	shalt  }
0x46: {  	_ =	shalt  }
0x47: {  	_ =	shalt  }
0x48: {  	_ =	shalt  }
0x49: {  	_ =	shalt  }
0x4a: {  	_ =	shalt  }
0x4b: {  	_ =	shalt  }
0x4c: {  	_ =	shalt  }
0x4d: {  	_ =	shalt  }
0x4e: {  	_ =	shalt  }
0x4f: {  	_ =	shalt  }
0x50: {  	_ =	shalt  }
0x51: {  	_ =	shalt  }
0x52: {  	_ =	shalt  }
0x53: {  	_ =	shalt  }
0x54: {  	_ =	shalt  }
0x55: {  	_ =	shalt  }
0x56: {  	_ =	shalt  }
0x57: {  	_ =	shalt  }
0x58: {  	_ =	shalt  }
0x59: {  	_ =	shalt  }
0x5a: {  	_ =	shalt  }
0x5b: {  	_ =	shalt  }
0x5c: {  	_ =	shalt  }
0x5d: {  	_ =	shalt  }
0x5e: {  	_ =	shalt  }
0x5f: {  	_ =	shalt  }
0x60: {  	_ =	shalt  }
0x61: {  	_ =	shalt  }
0x62: {  	_ =	shalt  }
0x63: {  	_ =	shalt  }
0x64: {  	_ =	shalt  }
0x65: {  	_ =	shalt  }
0x66: {  	_ =	shalt  }
0x67: {  	_ =	shalt  }
0x68: {  	_ =	shalt  }
0x69: {  	_ =	shalt  }
0x6a: {  	_ =	shalt  }
0x6b: {  	_ =	shalt  }
0x6c: {  	_ =	shalt  }
0x6d: {  	_ =	shalt  }
0x6e: {  	_ =	shalt  }
0x6f: {  	_ =	shalt  }
0x70: {  	_ =	shalt  }
0x71: {  	_ =	shalt  }
0x72: {  	_ =	shalt  }
0x73: {  	_ =	shalt  }
0x74: {  	_ =	shalt  }
0x75: {  	_ =	shalt  }
0x76: {  	_ =	shalt  }
0x77: {  	_ =	shalt  }
0x78: {  	_ =	shalt  }
0x79: {  	_ =	shalt  }
0x7a: {  	_ =	shalt  }
0x7b: {  	_ =	shalt  }
0x7c: {  	_ =	shalt  }
0x7d: {  	_ =	shalt  }
0x7e: {  	_ =	shalt  }
0x7f: {  	_ =	shalt  }
0x80: {  	_ =	shalt  }
0x81: {  	_ =	shalt  }
0x82: {  	_ =	shalt  }
0x83: {  	_ =	shalt  }
0x84: {  	_ =	shalt  }
0x85: {  	_ =	shalt  }
0x86: {  	_ =	shalt  }
0x87: {  	_ =	shalt  }
.Lfunc_end0:
.L_simem_size_0:
called_computation.2_lowered:
.L_overlay_start_0:
0x88: {  	s2 =	sld [smem:$0x3FD9]  }
0x89: {  	s3 =	sld [smem:$0x3FFE];
	_ =	sdelay $0x1  }
0x8a: {  	s1 =	srdreg.scid  }
0x8b: {  	s0 =	sand.u32 $0x1, s1  }
0x8c: {  	s17 =	sshll.u32 s0, $0xA;
	s2 =	sadd.s32 s3, s2  }
0x8d: {  	s2 =	sadd.s32 s2, s17  }
0x8e: {  	[smem:$0x3FC1] =	sst s2  }
0x8f: {  	_ = 	snop  }
0x90: {  	s18 =	sld [smem:$0x3FD0];
	(tm) =	ssettm $0x1  }
0x91: {  	s19 =	sld [smem:$0x3FFB];
	_ =	sdelay $0x3  }
0x92: {  	_ =	strace s19  }
0x93: {  	s2 =	sld [smem:$0x3FFC];
	_ =	sdelay $0x3  }
0x94: {  	_ =	strace s2  }
0x95: {  	s2 =	sld [smem:$0x3FFD];
	_ =	sdelay $0x3  }
0x96: {  	_ =	strace s2  }
0x97: {  	_ =	strace $0x8FFFFFFF  }
0x98: {  	s20 =	sld [smem:$0x3FDB];
	_ =	sdelay $0x1  }
0x99: {  	s4 =	simm.s32 $_scs_section_size  }
0x9a: {  	s5 =	simm.s32 $_size__tile_overlayer_lowered;
	s6 =	simm.s32 $_tile_overlayer_lowered  }
0x9b: {  	s7 =	simm.s32 $0x1BFF;
	s21 =	sshll.u32 s6, $0x1;
	s4 =	sadd.s32 s4, s20  }
0x9c: {  	s22 =	simm.s32 $0x0;
	s5 =	sshll.u32 s5, $0x1;
	s6 =	sadd.s32 s21, s4  }
0x9d: {  	[timem:s22], [sflag:s7] =	dma.local [hbm:s6], s5  }
0x9e: {  	_ =	swait.ge [sflag:s7], s5  }
0x9f: {  	s5 =	ssub.s32 $0x0, s5;
	[sflag:s7] =	ssyncset.done $0x0  }
0xa0: {  	[sflag:s7] =	ssyncadd.s32 s5;
	_ =	sdelay $0x1  }
0xa1: {  	s23 =	simm.s32 $0x1B8B  }
0xa2: {  	_ =	swait.ge [sflag:s23], $0x1  }
0xa3: {  	[sflag:s23] =	ssyncset.done $0x0  }
0xa4: {  	[sflag:s23] =	ssyncadd.s32 $0xFFFFFFFF  }
0xa5: {  	s5 =	sld [smem:$0x0]  }
0xa6: {  	s6 =	sand.u32 $0xFFFFFFFE, s1  }
0xa7: {  	p0 =	sne.s32 s1, s6  }
0xa8: {  	s6 =	sshll.u32 @p0 s6, $0xE  }
0xa9: {  	s6 =	sadd.s32 @p0 $0x11B8D, s6;
	s7 =	sshll.u32 @p0 s5, $0x11  }
0xaa: {  	s6 =	sor.u32 @p0 s7, s6  }
0xab: {  	[sflag:s6] =	ssyncadd.remote.s32 @p0 $0x1;
	_ =	sdelay $0x1  }
0xac: {  	s6 =	simm.s32 @p0 $0x1B8D  }
0xad: {  	_ =	swait.eq @p0 [sflag:s6], $0x1  }
0xae: {  	[sflag:s6] =	ssyncadd.s32 @p0 $0xFFFFFFFF  }
0xaf: {  	s7 =	sshll.u32 @!p0 s1, $0xE  }
0xb0: {  	s7 =	sor.u32 @!p0 $0x4000, s7;
	s6 =	simm.s32 @!p0 $0x1B8D  }
0xb1: {  	s5 =	sshll.u32 @!p0 s5, $0x11;
	s7 =	sadd.s32 @!p0 $0x11B8D, s7;
	_ =	swait.eq @!p0 [sflag:s6], $0x1  }
0xb2: {  	s5 =	sor.u32 @!p0 s5, s7;
	[sflag:s6] =	ssyncadd.s32 @!p0 $0xFFFFFFFF  }
0xb3: {  	s25 =	simm.s32 $0x1B8E;
	s24 =	sld [smem:$0x3FFE];
	[sflag:s5] =	ssyncadd.remote.s32 @!p0 $0x1  }
0xb4: {  	s26 =	simm.s32 $execute0_lowered;
	[smem:$0x3FD2] =	sst s25  }
0xb5: {  	s6 =	sshll.u32 s26, $0x1;
	_ =	strace $0x8000004C;
	[dreg:$0x1] =	wrdreg $0xFFFFFFFF  }
0xb6: {  	s28 =	simm.s32 $_size_execute0_lowered;
	s4 =	sadd.s32 s4, s6;
	[dreg:$0x0] =	wrdreg $0x0  }
0xb7: {  	s6 =	sshll.u32 s28, $0x1;
	[dreg:$0x2] =	wrdreg s4  }
0xb8: {  	[dreg:$0x3] =	wrdreg s6  }
0xb9: {  	[dreg:$0x4] =	wrdreg $0xC0  }
0xba: {  	_ =	task [dreg:s22], $0x5FFFF  }
0xbb: {  	[dreg:$0x1] =	wrdreg $0xFFFFFFFF  }
0xbc: {  	[dreg:$0x0] =	wrdreg $0x60  }
0xbd: {  	[dreg:$0x2] =	wrdreg s18  }
0xbe: {  	[dreg:$0x3] =	wrdreg s24  }
0xbf: {  	[dreg:$0x4] =	wrdreg $0xA  }
0xc0: {  	_ =	task.clear_ibuf [dreg:s22], $0x5FFFF;
	_ =	strace $0x9000004C  }
0xc1: {  	s29 =	simm.s32 $0xA;
	_ =	strace $0x8000004E  }
0xc2: {  	_ =	swait.ge [sflag:s29], $0x1  }
0xc3: {  	[sflag:s29] =	ssyncadd.s32 $0xFFFFFFFF  }
0xc4: {  	_ =	strace $0x9000004E  }
0xc5: {  	_ =	sfence  }
0xc6: {  	s30 =	sld [smem:$0x0];
	_ =	sdelay $0x2  }
0xc7: {  	s31 =	sshll.u32 s1, $0xD;
	s1 =	sshrl.u32 s1, $0x2  }
0xc8: {  	s4 =	sand.u32 $0x4000, s31;
	s1 =	sadd.s32 s1, s30  }
0xc9: {  	s0 =	sor.u32 s4, s0;
	s1 =	sshll.u32 s1, $0x11  }
0xca: {  	s0 =	sor.u32 s1, s0  }
0xcb: {  	s0 =	sadd.s32 $0x8F2B, s0  }
0xcc: {  	[sflag:s0] =	ssyncadd.remote.s32 $0x1  }
0xcd: {  	_ =	sfence.sel $0xFFFF  }
0xce: {  	[dreg:$0x0] =	wrdreg $0xFFFFFFFF;
	(pc) =	sbr.abs _section_cstart, $3  }
0xcf: {  	[dreg:$0x1] =	wrdreg $0xFFFFFFFF  }
0xd0: {  	_ =	task.clear_ibuf [dreg:s22], $0x2FFFF;
	_ =	strace $0x9FFFFFFF  }
0xd1: {  	(tm) =	ssettm $0x7FFFFFFF  }
tec
execute0_lowered:
.L_overlay_start_1:
0x0: {  	(tag) =	ssettag $0x1  }
0x1: {  	s4 =	rddreg [dreg:$0x0]  }
0x2: {  	s5 =	rddreg [dreg:$0x1];
	s3 =	srdreg.scid  }
0x3: {  	s1 =	simm.s32 $0x0;
	s0 =	stileid.u32;
	s3 =	sand.u32 $0x1, s3  }
0x4: {  	[smem:$0x7FF] =	sst s1;
	s7 =	sshll.u32 s0, $0x9;
	s6 =	sshll.u32 s3, $0xD  }
0x5: {  	_ =	strace $0x8000004D;
	s30 =	ssub.s32 $0x2, s3;
	s6 =	sor.u32 s7, s6  }
0x6: {  	s3 =	sadd.s32 $0xF83C00, s5;
	s9 =	sshrl.u32 s30, $0x1;
	s8 =	sshll.u32 s6, $0x4  }
0x7: {  	s7 =	ssub.s32 s30, s9;
	s6 =	sshrl.u32 s6, $0x3;
	s9 =	simm.s32 $0x0  }
0x8: {  	s5 =	sadd.s32 s8, s5;
	s31 =	sadd.s32 s4, s6;
	s6 =	smax.u32 s7, $0x1  }
0x9: {  	v0 =	vimm.f32 $0.0e+00;
	s7 =	simm.s32 $0x2;
	[dreg:$0x3] =	wrdreg s31;
	s5 =	sadd.s32 $0x110A600, s5  }
.LBB2_1:
0xa: {  	s0 =	rddreg [dreg:$0x3]  }
0xb: {  	[tilespmem:s1], [sflag:$0x2] =	stream.linear.gather [hbm4b:s0+s1], $0x200, $0x38;
	[tilespmem:$0x10200] =	vst v63  }
0xc: {  	_ =	swait.ge [sflag:s7], $0x200  }
0xd: {  	[sflag:s7] =	ssyncset.done $0x0  }
0xe: {  	s10 =	simm.s32 $0x200;
	s11 =	simm.s32 $0x0;
	[sflag:s7] =	ssyncadd.s32 $0xFFFFFE00  }
.LBB2_2:
0xf: {  	p0 =	sne.s32 s10, $0x3FE00;
	[tilespmem:s11+$0x230] =	vst v0;
	s12 =	smov.u32 s10;
	s10 =	sadd.s32 $0x200, s10  }
.Ltmp0:
0x10: {  	[tilespmem:s11+$0x220] =	vst v0;
	(pc) =	sbr.rel @p0 .LBB2_2-.Ltmp0, $3  }
0x11: {  	[tilespmem:s11+$0x200] =	vst v0  }
0x12: {  	[tilespmem:s11+$0x210] =	vst v0;
	_ =	sdelay $0x1  }
0x13: {  	s11 =	sshra.s32 s12, $0x2  }
0x14: {  	[tilespmem:s11+$0x230] =	vst v0  }
0x15: {  	[tilespmem:s11+$0x220] =	vst v0  }
0x16: {  	[tilespmem:s11+$0x200] =	vst v0  }
0x17: {  	s10 =	simm.s32 $0x0;
	[tilespmem:s11+$0x210] =	vst v0  }
0x18: {  	v1 =	vld [tilespmem:s10+$0x0];
	_ =	sdelay $0x4  }
0x19: {  	(v2sf) =	vpush v1, $0xA  }
0x1a: {  	(v2sf) =	vpush v1, $0x3  }
0x1b: {  	(v2sf) =	vpush v1, $0x7  }
0x1c: {  	(v2sf) =	vpush v1, $0x1  }
0x1d: {  	(v2sf) =	vpush v1, $0x0;
	_ =	sdelay $0x1  }
0x1e: {  	(v2sf) =	vpush v1, $0xD  }
0x1f: {  	(v2sf) =	vpush v1, $0x2;
	_ =	sdelay $0x2  }
0x20: {  	(v2sf) =	vpush v1, $0x6;
	_ =	sdelay $0x1  }
0x21: {  	(v2sf) =	vpush v1, $0x4;
	_ =	sdelay $0x1  }
0x22: {  	(v2sf) =	vpush v1, $0x5  }
0x23: {  	s11 =	simm.s32 $0x2000;
	s13 =	spop (v2sf)  }
0x24: {  	s12 =	simm.s32 $0x10;
	s15 =	spop (v2sf);
	p4 =	slt.s32 s13, $0x0  }
0x25: {  	s17 =	spop (v2sf);
	p0 =	slt.s32 s15, $0x0;
	s0 =	simm.s32 @!p4 $0x0  }
0x26: {  	s16 =	spop (v2sf);
	p5 =	slt.s32 s17, $0x0;
	s15 =	sshll.u32 @!p0 s15, $0x4  }
0x27: {  	s22 =	simm.s32 @!p0 $0x380;
	s0 =	simm.s32 @p4 $0x1;
	s18 =	spop (v2sf)  }
0x28: {  	p2 =	slt.s32 s16, $0x0;
	s15 =	sand.u32 @!p0 $0x1FFFFFF0, s15;
	[smem:$0x7FC] =	sst s0  }
0x29: {  	s14 =	spop (v2sf);
	p3 =	slt.s32 s18, $0x0;
	s16 =	sshll.u32 @!p2 s16, $0x4  }
0x2a: {  	s24 =	sadd.s32 @!p0 s3, s15;
	s15 =	simm.s32 @!p4 $0x0;
	s19 =	spop (v2sf)  }
0x2b: {  	(v2sf) =	vpush v1, $0x9;
	s18 =	sshll.u32 @!p3 s18, $0x4;
	s16 =	sand.u32 @!p2 $0x1FFFFFF0, s16;
	s25 =	simm.s32 @!p3 $0x200  }
0x2c: {  	s28 =	simm.s32 @!p3 $0x0;
	p1 =	slt.s32 s19, $0x0;
	s18 =	sand.u32 @!p3 $0x1FFFFFF0, s18  }
0x2d: {  	(v2sf) =	vpush v1, $0x8;
	s21 =	spop (v2sf);
	s16 =	sadd.s32 @!p2 s3, s16;
	s19 =	sshll.u32 @!p1 s19, $0x4  }
0x2e: {  	s18 =	sadd.s32 @!p3 s3, s18;
	s20 =	simm.s32 @!p1 $0x0;
	s23 =	simm.s32 @!p1 $0x300  }
0x2f: {  	s26 =	spop (v2sf);
	p6 =	slt.s32 s21, $0x0;
	s19 =	sand.u32 @!p1 $0x1FFFFFF0, s19  }
0x30: {  	[tilespmem:s25], [sflag:$0x1] =	stream.linear.gather @!p3 [hbm4b:s18+s28], $0x80, $0x38;
	[tilespmem:$0x10200] =	vst v63  }
0x31: {  	p3 =	slt.s32 s26, $0x0;
	s18 =	spop (v2sf);
	s25 =	simm.s32 @!p2 $0x280  }
0x32: {  	s28 =	simm.s32 @!p2 $0x0;
	s21 =	sshll.u32 @!p6 s21, $0x4;
	s19 =	sadd.s32 @!p1 s3, s19  }
0x33: {  	s26 =	sshll.u32 @!p3 s26, $0x4;
	p4 =	slt.s32 s18, $0x0;
	s21 =	sand.u32 @!p6 $0x1FFFFFF0, s21  }
0x34: {  	[tilespmem:s25], [sflag:$0x1] =	stream.linear.gather @!p2 [hbm4b:s16+s28], $0x80, $0x38;
	[tilespmem:$0x10200] =	vst v63  }
0x35: {  	p2 =	por p5, p5;
	s25 =	simm.s32 @!p3 $0x0;
	s26 =	sand.u32 @!p3 $0x1FFFFFF0, s26  }
0x36: {  	[tilespmem:s23], [sflag:$0x1] =	stream.linear.gather @!p1 [hbm4b:s19+s20], $0x80, $0x38;
	[tilespmem:$0x10200] =	vst v63  }
0x37: {  	s18 =	sshll.u32 @!p4 s18, $0x4;
	s28 =	sshll.u32 @!p2 s17, $0x4;
	p1 =	slt.s32 s14, $0x0  }
0x38: {  	s20 =	sadd.s32 @!p3 s3, s26;
	s19 =	sand.u32 @!p4 $0x1FFFFFF0, s18;
	s23 =	simm.s32 @!p3 $0x400  }
0x39: {  	s18 =	simm.s32 @!p4 $0x480;
	s26 =	simm.s32 @!p0 $0x0;
	s0 =	simm.s32 @!p1 $0x0  }
0x3a: {  	s19 =	sadd.s32 @!p4 s3, s19;
	s0 =	simm.s32 @p1 $0x1;
	s16 =	spop (v2sf)  }
0x3b: {  	[tilespmem:s22], [sflag:$0x1] =	stream.linear.gather @!p0 [hbm4b:s24+s26], $0x80, $0x38;
	[tilespmem:$0x10200] =	vst v63  }
0x3c: {  	s22 =	simm.s32 @!p4 $0x0;
	s26 =	simm.s32 @!p6 $0x0;
	s24 =	spop (v2sf)  }
0x3d: {  	[tilespmem:s23], [sflag:$0x1] =	stream.linear.gather @!p3 [hbm4b:s20+s25], $0x80, $0x38;
	[tilespmem:$0x10200] =	vst v63  }
0x3e: {  	[smem:$0x7FD] =	sst s0;
	s20 =	simm.s32 @!p6 $0x500;
	p5 =	slt.s32 s24, $0x0  }
0x3f: {  	s25 =	sadd.s32 @!p6 s3, s21;
	s23 =	simm.s32 @!p2 $0x580;
	s21 =	sshll.u32 @!p5 s24, $0x4  }
0x40: {  	(v2sf) =	vpush v1, $0xB;
	s17 =	simm.s32 @!p5 $0x0;
	s24 =	sand.u32 @!p2 $0x1FFFFFF0, s28;
	s21 =	sand.u32 @!p5 $0x1FFFFFF0, s21  }
0x41: {  	(v2sf) =	vpush v1, $0xC;
	s28 =	simm.s32 @!p2 $0x0;
	s24 =	sadd.s32 @!p2 s3, s24;
	s21 =	sadd.s32 @!p5 s3, s21  }
.LBB2_4:
0x42: {  	_ =	sdelay $0x4  }
0x43: {  	[tilespmem:s18], [sflag:$0x1] =	stream.linear.gather @!p4 [hbm4b:s19+s22], $0x80, $0x38;
	[tilespmem:$0x10200] =	vst v63  }
0x44: {  	s0 =	sld [smem:$0x7FC]  }
0x45: {  	s29 =	sshra.s32 @!p5 s10, $0x2;
	p1 =	slt.s32 s16, $0x0;
	s8 =	sld [smem:$0x7FD]  }
0x46: {  	[tilespmem:s20], [sflag:$0x1] =	stream.linear.gather @!p6 [hbm4b:s25+s26], $0x80, $0x38;
	[tilespmem:$0x10200] =	vst v63  }
0x47: {  	s31 =	sshra.s32 @!p1 s10, $0x2;
	s16 =	sshll.u32 @!p1 s16, $0x4;
	s29 =	sadd.s32 @!p5 $0x600, s29  }
0x48: {  	[tilespmem:s23], [sflag:$0x1] =	stream.linear.gather @!p2 [hbm4b:s24+s28], $0x80, $0x38;
	[tilespmem:$0x10200] =	vst v63  }
0x49: {  	s18 =	sadd.s32 @!p1 $0x680, s31;
	s16 =	sand.u32 @!p1 $0x1FFFFFF0, s16;
	s20 =	simm.s32 @!p1 $0x0  }
0x4a: {  	[tilespmem:s29], [sflag:$0x1] =	stream.linear.gather @!p5 [hbm4b:s21+s17], $0x80, $0x38;
	[tilespmem:$0x10200] =	vst v63  }
0x4b: {  	p3 =	seq.s32 s0, $0x1;
	p4 =	seq.s32 s8, $0x1;
	s30 =	spop (v2sf);
	(v2sf) =	vpush v1, $0xE  }
0x4c: {  	s16 =	sadd.s32 @!p1 s3, s16;
	s13 =	sshll.u32 @!p3 s13, $0x4;
	s14 =	sshll.u32 @!p4 s14, $0x4;
	(v2sf) =	vpush v1, $0xF  }
0x4d: {  	[tilespmem:s18], [sflag:$0x1] =	stream.linear.gather @!p1 [hbm4b:s16+s20], $0x80, $0x38;
	[tilespmem:$0x10200] =	vst v63  }
0x4e: {  	s13 =	sand.u32 @!p3 $0x1FFFFFF0, s13;
	s14 =	sand.u32 @!p4 $0x1FFFFFF0, s14;
	p0 =	slt.s32 s30, $0x0  }
0x4f: {  	s13 =	sadd.s32 @!p3 s3, s13;
	s31 =	spop (v2sf);
	s19 =	sshll.u32 @!p0 s30, $0x4  }
0x50: {  	s22 =	simm.s32 @!p0 $0x0;
	s30 =	sshra.s32 @!p3 s10, $0x2;
	s25 =	sshra.s32 @!p0 s10, $0x2  }
0x51: {  	p2 =	slt.s32 s31, $0x0;
	s19 =	sand.u32 @!p0 $0x1FFFFFF0, s19;
	s30 =	sadd.s32 @!p3 $0x700, s30  }
0x52: {  	s23 =	sadd.s32 @!p0 $0x780, s25;
	s24 =	sshra.s32 @!p2 s10, $0x2;
	s25 =	sshll.u32 @!p2 s31, $0x4  }
0x53: {  	[tilespmem:s30], [sflag:$0x1] =	stream.linear.gather @!p3 [hbm4b:s13+s15], $0x80, $0x38;
	[tilespmem:$0x10200] =	vst v63  }
0x54: {  	s19 =	sadd.s32 @!p0 s3, s19;
	s17 =	sadd.s32 @!p2 $0x800, s24;
	s21 =	sand.u32 @!p2 $0x1FFFFFF0, s25  }
0x55: {  	[tilespmem:s23], [sflag:$0x1] =	stream.linear.gather @!p0 [hbm4b:s19+s22], $0x80, $0x38;
	[tilespmem:$0x10200] =	vst v63  }
0x56: {  	s24 =	sshra.s32 @!p4 s10, $0x2;
	s13 =	simm.s32 @!p2 $0x0;
	s21 =	sadd.s32 @!p2 s3, s21  }
0x57: {  	[tilespmem:s17], [sflag:$0x1] =	stream.linear.gather @!p2 [hbm4b:s21+s13], $0x80, $0x38;
	[tilespmem:$0x10200] =	vst v63  }
0x58: {  	s14 =	sadd.s32 @!p4 s3, s14;
	s16 =	simm.s32 @!p4 $0x0;
	s24 =	sadd.s32 @!p4 $0x880, s24  }
0x59: {  	[tilespmem:s24], [sflag:$0x1] =	stream.linear.gather @!p4 [hbm4b:s14+s16], $0x80, $0x38;
	[tilespmem:$0x10200] =	vst v63  }
0x5a: {  	s18 =	spop (v2sf)  }
0x5b: {  	p1 =	slt.s32 s18, $0x0;
	s15 =	spop (v2sf)  }
0x5c: {  	s19 =	sshra.s32 @!p1 s10, $0x2;
	s18 =	sshll.u32 @!p1 s18, $0x4;
	s20 =	simm.s32 @!p1 $0x0  }
0x5d: {  	p0 =	slt.s32 s15, $0x0;
	s13 =	sadd.s32 @!p1 $0x900, s19;
	s17 =	sand.u32 @!p1 $0x1FFFFFF0, s18  }
0x5e: {  	s10 =	sshra.s32 @!p0 s10, $0x2;
	s15 =	sshll.u32 @!p0 s15, $0x4;
	s14 =	sadd.s32 @!p1 s3, s17  }
0x5f: {  	[tilespmem:s13], [sflag:$0x1] =	stream.linear.gather @!p1 [hbm4b:s14+s20], $0x80, $0x38;
	[tilespmem:$0x10200] =	vst v63  }
0x60: {  	s13 =	sadd.s32 @!p0 $0x980, s10;
	s10 =	sand.u32 @!p0 $0x1FFFFFF0, s15  }
0x61: {  	s14 =	simm.s32 @!p0 $0x0;
	s15 =	sadd.s32 @!p0 s3, s10  }
0x62: {  	[tilespmem:s13], [sflag:$0x1] =	stream.linear.gather @!p0 [hbm4b:s15+s14], $0x80, $0x38;
	[tilespmem:$0x10200] =	vst v63  }
0x63: {  	v1 =	vld [tilespmem:s12+$0x0];
	_ =	sdelay $0x4  }
0x64: {  	(v2sf) =	vpush v1, $0xA  }
0x65: {  	(v2sf) =	vpush v1, $0x3  }
0x66: {  	(v2sf) =	vpush v1, $0x7;
	_ =	sdelay $0x1  }
0x67: {  	(v2sf) =	vpush v1, $0x1  }
0x68: {  	(v2sf) =	vpush v1, $0x0  }
0x69: {  	(v2sf) =	vpush v1, $0xD;
	_ =	sdelay $0x1  }
0x6a: {  	(v2sf) =	vpush v1, $0x2;
	_ =	sdelay $0x2  }
0x6b: {  	(v2sf) =	vpush v1, $0x6;
	_ =	sdelay $0x2  }
0x6c: {  	s10 =	smov.u32 s11;
	s11 =	sadd.s32 $0x2000, s11  }
0x6d: {  	p0 =	sne.s32 s11, $0x40000;
	(v2sf) =	vpush v1, $0x4;
	s13 =	spop (v2sf)  }
0x6e: {  	s0 =	simm.s32 @!p0 $0x0;
	s15 =	spop (v2sf)  }
0x6f: {  	s0 =	simm.s32 @p0 $0x1;
	s17 =	spop (v2sf)  }
0x70: {  	s12 =	sadd.s32 $0x10, s12;
	[smem:$0x7FB] =	sst s0;
	p0 =	slt.s32 s17, $0x0  }
0x71: {  	p2 =	slt.s32 s13, $0x0;
	s16 =	spop (v2sf);
	s0 =	simm.s32 @!p0 $0x0  }
0x72: {  	s18 =	spop (v2sf);
	p3 =	slt.s32 s16, $0x0;
	s0 =	simm.s32 @p0 $0x1  }
0x73: {  	(v2sf) =	vpush v1, $0x5;
	p5 =	slt.s32 s18, $0x0;
	s14 =	spop (v2sf);
	p0 =	slt.s32 s15, $0x0  }
0x74: {  	s16 =	sshll.u32 @!p3 s16, $0x4;
	[smem:$0x7FA] =	sst s0;
	s19 =	sshra.s32 @!p5 s10, $0x2  }
0x75: {  	s18 =	sshll.u32 @!p5 s18, $0x4;
	s20 =	spop (v2sf);
	s21 =	sshra.s32 @!p0 s10, $0x2  }
0x76: {  	s15 =	sshll.u32 @!p0 s15, $0x4;
	s16 =	sand.u32 @!p3 $0x1FFFFFF0, s16;
	s0 =	simm.s32 @!p2 $0x0  }
0x77: {  	s8 =	simm.s32 @!p5 $0x0;
	p6 =	slt.s32 s14, $0x0;
	s18 =	sand.u32 @!p5 $0x1FFFFFF0, s18  }
0x78: {  	p1 =	slt.s32 s20, $0x0;
	s25 =	spop (v2sf);
	s21 =	sadd.s32 @!p0 $0x380, s21  }
0x79: {  	s15 =	sand.u32 @!p0 $0x1FFFFFF0, s15;
	s28 =	sadd.s32 @!p5 $0x200, s19;
	s0 =	simm.s32 @p2 $0x1  }
0x7a: {  	s31 =	sadd.s32 @!p3 s3, s16;
	s2 =	simm.s32 @!p6 $0x0;
	s20 =	sshll.u32 @!p1 s20, $0x4  }
0x7b: {  	s22 =	sadd.s32 @!p5 s3, s18;
	s23 =	simm.s32 @!p1 $0x0;
	s18 =	sshra.s32 @!p3 s10, $0x2  }
0x7c: {  	s24 =	sshra.s32 @!p1 s10, $0x2;
	[smem:$0x7FC] =	sst s0;
	s19 =	spop (v2sf)  }
0x7d: {  	s0 =	simm.s32 @!p3 $0x0;
	s2 =	simm.s32 @p6 $0x1;
	p6 =	slt.s32 s25, $0x0  }
0x7e: {  	(v2sf) =	vpush v1, $0x9;
	s20 =	sand.u32 @!p1 $0x1FFFFFF0, s20;
	s26 =	sadd.s32 @!p1 $0x300, s24;
	s24 =	sadd.s32 @!p0 s3, s15  }
0x7f: {  	(v2sf) =	vpush v1, $0x8;
	s15 =	simm.s32 @!p2 $0x0;
	p2 =	slt.s32 s19, $0x0;
	s30 =	sadd.s32 @!p3 $0x280, s18  }
0x80: {  	[tilespmem:s28], [sflag:$0x1] =	stream.linear.gather @!p5 [hbm4b:s22+s8], $0x80, $0x38;
	[tilespmem:$0x10200] =	vst v63  }
0x81: {  	[smem:$0x7FD] =	sst s2;
	s28 =	simm.s32 @!p0 $0x0;
	s25 =	sshll.u32 @!p6 s25, $0x4  }
0x82: {  	s29 =	sadd.s32 @!p1 s3, s20;
	s20 =	spop (v2sf);
	s16 =	sshll.u32 @!p2 s19, $0x4  }
0x83: {  	s1 =	simm.s32 @!p2 $0x0;
	s2 =	sshra.s32 @!p2 s10, $0x2;
	s25 =	sand.u32 @!p6 $0x1FFFFFF0, s25  }
0x84: {  	[tilespmem:s30], [sflag:$0x1] =	stream.linear.gather @!p3 [hbm4b:s31+s0], $0x80, $0x38;
	[tilespmem:$0x10200] =	vst v63  }
0x85: {  	p4 =	slt.s32 s20, $0x0;
	s18 =	sand.u32 @!p2 $0x1FFFFFF0, s16;
	s30 =	sld [smem:$0x7FA]  }
0x86: {  	s2 =	sadd.s32 @!p2 $0x400, s2;
	s25 =	sadd.s32 @!p6 s3, s25;
	s31 =	sld [smem:$0x7FB]  }
0x87: {  	s19 =	sshra.s32 @!p4 s10, $0x2;
	s20 =	sshll.u32 @!p4 s20, $0x4;
	s4 =	sadd.s32 @!p2 s3, s18  }
0x88: {  	[tilespmem:s26], [sflag:$0x1] =	stream.linear.gather @!p1 [hbm4b:s29+s23], $0x80, $0x38;
	[tilespmem:$0x10200] =	vst v63  }
0x89: {  	s22 =	simm.s32 @!p4 $0x0;
	s20 =	sand.u32 @!p4 $0x1FFFFFF0, s20;
	s18 =	sadd.s32 @!p4 $0x480, s19  }
0x8a: {  	[tilespmem:s21], [sflag:$0x1] =	stream.linear.gather @!p0 [hbm4b:s24+s28], $0x80, $0x38;
	[tilespmem:$0x10200] =	vst v63  }
0x8b: {  	s26 =	simm.s32 @!p6 $0x0;
	s19 =	sadd.s32 @!p4 s3, s20;
	s20 =	sshra.s32 @!p6 s10, $0x2  }
0x8c: {  	[tilespmem:s2], [sflag:$0x1] =	stream.linear.gather @!p2 [hbm4b:s4+s1], $0x80, $0x38;
	[tilespmem:$0x10200] =	vst v63  }
0x8d: {  	p3 =	seq.s32 s30, $0x1;
	p0 =	seq.s32 s31, $0x1;
	s16 =	spop (v2sf)  }
.Ltmp1:
0x8e: {  	s20 =	sadd.s32 @!p6 $0x500, s20;
	s8 =	spop (v2sf);
	(pc) =	sbr.rel @p0 .LBB2_4-.Ltmp1, $4  }
0x8f: {  	s0 =	sshra.s32 @!p3 s10, $0x2;
	s30 =	sshll.u32 @!p3 s17, $0x4;
	p5 =	slt.s32 s8, $0x0  }
0x90: {  	s28 =	simm.s32 @!p3 $0x0;
	s23 =	sadd.s32 @!p3 $0x580, s0;
	s0 =	sshll.u32 @!p5 s8, $0x4  }
0x91: {  	p2 =	por p3, p3;
	(v2sf) =	vpush v1, $0xB;
	s8 =	sand.u32 @!p3 $0x1FFFFFF0, s30;
	s0 =	sand.u32 @!p5 $0x1FFFFFF0, s0  }
0x92: {  	(v2sf) =	vpush v1, $0xC;
	s17 =	simm.s32 @!p5 $0x0;
	s24 =	sadd.s32 @!p3 s3, s8;
	s21 =	sadd.s32 @!p5 s3, s0  }
0x93: {  	[tilespmem:s18], [sflag:$0x1] =	stream.linear.gather @!p4 [hbm4b:s19+s22], $0x80, $0x38;
	[tilespmem:$0x10200] =	vst v63  }
0x94: {  	_ = 	snop  }
0x95: {  	[tilespmem:s20], [sflag:$0x1] =	stream.linear.gather @!p6 [hbm4b:s25+s26], $0x80, $0x38;
	[tilespmem:$0x10200] =	vst v63  }
0x96: {  	s0 =	sshra.s32 @!p5 s10, $0x2  }
0x97: {  	[tilespmem:s23], [sflag:$0x1] =	stream.linear.gather @!p2 [hbm4b:s24+s28], $0x80, $0x38;
	[tilespmem:$0x10200] =	vst v63  }
0x98: {  	p0 =	slt.s32 s16, $0x0;
	s0 =	sadd.s32 @!p5 $0x600, s0  }
0x99: {  	(v2sf) =	vpush v1, $0xE;
	[tilespmem:s0], [sflag:$0x1] =	stream.linear.gather @!p5 [hbm4b:s21+s17], $0x80, $0x38;
	[tilespmem:$0x10200] =	vst v63  }
0x9a: {  	s0 =	sshll.u32 @!p0 s16, $0x4  }
0x9b: {  	s12 =	sld [smem:$0x7FC];
	s1 =	sshra.s32 @!p0 s10, $0x2;
	s0 =	sand.u32 @!p0 $0x1FFFFFF0, s0  }
0x9c: {  	s2 =	simm.s32 @!p0 $0x0;
	s1 =	sadd.s32 @!p0 $0x680, s1;
	s0 =	sadd.s32 @!p0 s3, s0  }
0x9d: {  	[tilespmem:s1], [sflag:$0x1] =	stream.linear.gather @!p0 [hbm4b:s0+s2], $0x80, $0x38;
	[tilespmem:$0x10200] =	vst v63  }
0x9e: {  	p0 =	seq.s32 s12, $0x1  }
0x9f: {  	(v2sf) =	vpush v1, $0xF;
	s0 =	sshll.u32 @!p0 s13, $0x4  }
0xa0: {  	s1 =	sshra.s32 @!p0 s10, $0x2;
	s13 =	sld [smem:$0x7FD];
	s0 =	sand.u32 @!p0 $0x1FFFFFF0, s0  }
0xa1: {  	s1 =	sadd.s32 @!p0 $0x700, s1;
	s0 =	sadd.s32 @!p0 s3, s0;
	s2 =	spop (v2sf)  }
0xa2: {  	[tilespmem:s1], [sflag:$0x1] =	stream.linear.gather @!p0 [hbm4b:s0+s15], $0x80, $0x38;
	[tilespmem:$0x10200] =	vst v63  }
0xa3: {  	p0 =	slt.s32 s2, $0x0  }
0xa4: {  	p1 =	seq.s32 s13, $0x1;
	s0 =	sshll.u32 @!p0 s2, $0x4  }
0xa5: {  	s4 =	spop (v2sf);
	s2 =	sshra.s32 @!p0 s10, $0x2;
	s0 =	sand.u32 @!p0 $0x1FFFFFF0, s0  }
0xa6: {  	s1 =	simm.s32 @!p0 $0x0;
	s2 =	sadd.s32 @!p0 $0x780, s2;
	s0 =	sadd.s32 @!p0 s3, s0  }
0xa7: {  	[tilespmem:s2], [sflag:$0x1] =	stream.linear.gather @!p0 [hbm4b:s0+s1], $0x80, $0x38;
	[tilespmem:$0x10200] =	vst v63  }
0xa8: {  	s8 =	spop (v2sf);
	p0 =	slt.s32 s4, $0x0;
	s0 =	sshll.u32 @!p1 s14, $0x4  }
0xa9: {  	s1 =	sshll.u32 @!p0 s4, $0x4;
	s2 =	sshra.s32 @!p0 s10, $0x2;
	s4 =	sshra.s32 @!p1 s10, $0x2  }
0xaa: {  	s0 =	sand.u32 @!p1 $0x1FFFFFF0, s0;
	s11 =	simm.s32 @!p0 $0x0;
	s1 =	sand.u32 @!p0 $0x1FFFFFF0, s1  }
0xab: {  	s2 =	sadd.s32 @!p0 $0x800, s2;
	s4 =	sadd.s32 @!p1 $0x880, s4;
	s1 =	sadd.s32 @!p0 s3, s1  }
0xac: {  	[tilespmem:s2], [sflag:$0x1] =	stream.linear.gather @!p0 [hbm4b:s1+s11], $0x80, $0x38;
	[tilespmem:$0x10200] =	vst v63  }
0xad: {  	s0 =	sadd.s32 @!p1 s3, s0;
	s1 =	simm.s32 @!p1 $0x0;
	p0 =	slt.s32 s8, $0x0  }
0xae: {  	s2 =	spop (v2sf);
	s11 =	sshra.s32 @!p0 s10, $0x2;
	s8 =	sshll.u32 @!p0 s8, $0x4  }
0xaf: {  	[tilespmem:s4], [sflag:$0x1] =	stream.linear.gather @!p1 [hbm4b:s0+s1], $0x80, $0x38;
	[tilespmem:$0x10200] =	vst v63  }
0xb0: {  	s0 =	simm.s32 @!p0 $0x0;
	s1 =	sand.u32 @!p0 $0x1FFFFFF0, s8;
	p1 =	slt.s32 s2, $0x0  }
0xb1: {  	s4 =	sadd.s32 @!p0 $0x900, s11;
	s1 =	sadd.s32 @!p0 s3, s1;
	s2 =	sshll.u32 @!p1 s2, $0x4  }
0xb2: {  	[tilespmem:s4], [sflag:$0x1] =	stream.linear.gather @!p0 [hbm4b:s1+s0], $0x80, $0x38;
	[tilespmem:$0x10200] =	vst v63  }
0xb3: {  	s15 =	simm.s32 $0x0;
	s0 =	sshra.s32 @!p1 s10, $0x2;
	s1 =	sand.u32 @!p1 $0x1FFFFFF0, s2  }
0xb4: {  	s2 =	simm.s32 @!p1 $0x0;
	s0 =	sadd.s32 @!p1 $0x980, s0;
	s1 =	sadd.s32 @!p1 s3, s1  }
0xb5: {  	[tilespmem:s0], [sflag:$0x1] =	stream.linear.gather @!p1 [hbm4b:s1+s2], $0x80, $0x38;
	[tilespmem:$0x10200] =	vst v63  }
0xb6: {  	v1 =	vld [tilespmem:s15+$0x0];
	_ =	sdelay $0x4  }
0xb7: {  	(v2sf) =	vpush v1, $0x0  }
0xb8: {  	(v2sf) =	vpush v1, $0x1  }
0xb9: {  	(v2sf) =	vpush v1, $0x2;
	_ =	sdelay $0x1  }
0xba: {  	(v2sf) =	vpush v1, $0x3  }
0xbb: {  	(v2sf) =	vpush v1, $0x4  }
0xbc: {  	(v2sf) =	vpush v1, $0x5;
	_ =	sdelay $0x1  }
0xbd: {  	(v2sf) =	vpush v1, $0x6  }
0xbe: {  	(v2sf) =	vpush v1, $0x7  }
0xbf: {  	(v2sf) =	vpush v1, $0x8  }
0xc0: {  	(v2sf) =	vpush v1, $0x9  }
0xc1: {  	(v2sf) =	vpush v1, $0xA  }
0xc2: {  	(v2sf) =	vpush v1, $0xB  }
0xc3: {  	(v2sf) =	vpush v1, $0xC  }
0xc4: {  	(v2sf) =	vpush v1, $0xD;
	s16 =	spop (v2sf)  }
0xc5: {  	(v2sf) =	vpush v1, $0xE;
	p0 =	slt.s32 s16, $0x0;
	s17 =	spop (v2sf)  }
0xc6: {  	(v2sf) =	vpush v1, $0xF;
	s1 =	simm.s32 @!p0 $0x1;
	s18 =	spop (v2sf)  }
0xc7: {  	_ =	swait.ge @!p0 [sflag:s1], $0x80  }
0xc8: {  	s19 =	spop (v2sf)  }
0xc9: {  	p1 =	slt.s32 s17, $0x0;
	[sflag:s1] =	ssyncset.done @!p0 $0x0;
	s20 =	spop (v2sf)  }
0xca: {  	[sflag:s1] =	ssyncadd.s32 @!p0 $0xFFFFFF80;
	s1 =	simm.s32 @!p1 $0x1;
	s21 =	spop (v2sf)  }
0xcb: {  	_ =	swait.ge @!p1 [sflag:s1], $0x80  }
0xcc: {  	s22 =	spop (v2sf)  }
0xcd: {  	p0 =	slt.s32 s18, $0x0;
	[sflag:s1] =	ssyncset.done @!p1 $0x0;
	s23 =	spop (v2sf)  }
0xce: {  	[sflag:s1] =	ssyncadd.s32 @!p1 $0xFFFFFF80;
	s1 =	simm.s32 @!p0 $0x1;
	s24 =	spop (v2sf)  }
0xcf: {  	_ =	swait.ge @!p0 [sflag:s1], $0x80  }
0xd0: {  	s12 =	spop (v2sf)  }
0xd1: {  	p1 =	slt.s32 s19, $0x0;
	[sflag:s1] =	ssyncset.done @!p0 $0x0;
	s25 =	spop (v2sf)  }
0xd2: {  	[sflag:s1] =	ssyncadd.s32 @!p0 $0xFFFFFF80;
	s1 =	simm.s32 @!p1 $0x1;
	s26 =	spop (v2sf)  }
0xd3: {  	_ =	swait.ge @!p1 [sflag:s1], $0x80  }
0xd4: {  	s28 =	spop (v2sf)  }
0xd5: {  	p0 =	slt.s32 s20, $0x0;
	[sflag:s1] =	ssyncset.done @!p1 $0x0;
	s29 =	spop (v2sf)  }
0xd6: {  	[sflag:s1] =	ssyncadd.s32 @!p1 $0xFFFFFF80;
	s1 =	simm.s32 @!p0 $0x1;
	s30 =	spop (v2sf)  }
0xd7: {  	_ =	swait.ge @!p0 [sflag:s1], $0x80  }
0xd8: {  	p1 =	slt.s32 s21, $0x0;
	[sflag:s1] =	ssyncset.done @!p0 $0x0  }
0xd9: {  	s31 =	spop (v2sf);
	[sflag:s1] =	ssyncadd.s32 @!p0 $0xFFFFFF80;
	s1 =	simm.s32 @!p1 $0x1  }
0xda: {  	_ =	swait.ge @!p1 [sflag:s1], $0x80  }
0xdb: {  	p0 =	slt.s32 s22, $0x0;
	[sflag:s1] =	ssyncset.done @!p1 $0x0  }
0xdc: {  	[sflag:s1] =	ssyncadd.s32 @!p1 $0xFFFFFF80;
	s1 =	simm.s32 @!p0 $0x1  }
0xdd: {  	_ =	swait.ge @!p0 [sflag:s1], $0x80  }
0xde: {  	p1 =	slt.s32 s23, $0x0;
	[sflag:s1] =	ssyncset.done @!p0 $0x0  }
0xdf: {  	[sflag:s1] =	ssyncadd.s32 @!p0 $0xFFFFFF80;
	s1 =	simm.s32 @!p1 $0x1  }
0xe0: {  	_ =	swait.ge @!p1 [sflag:s1], $0x80  }
0xe1: {  	p0 =	slt.s32 s24, $0x0;
	[sflag:s1] =	ssyncset.done @!p1 $0x0  }
0xe2: {  	[sflag:s1] =	ssyncadd.s32 @!p1 $0xFFFFFF80;
	s1 =	simm.s32 @!p0 $0x1  }
0xe3: {  	_ =	swait.ge @!p0 [sflag:s1], $0x80  }
0xe4: {  	p1 =	slt.s32 s12, $0x0;
	[sflag:s1] =	ssyncset.done @!p0 $0x0  }
0xe5: {  	[sflag:s1] =	ssyncadd.s32 @!p0 $0xFFFFFF80;
	s1 =	simm.s32 @!p1 $0x1  }
0xe6: {  	_ =	swait.ge @!p1 [sflag:s1], $0x80  }
0xe7: {  	p0 =	slt.s32 s25, $0x0;
	[sflag:s1] =	ssyncset.done @!p1 $0x0  }
0xe8: {  	[sflag:s1] =	ssyncadd.s32 @!p1 $0xFFFFFF80;
	s1 =	simm.s32 @!p0 $0x1  }
0xe9: {  	_ =	swait.ge @!p0 [sflag:s1], $0x80  }
0xea: {  	p1 =	slt.s32 s26, $0x0;
	[sflag:s1] =	ssyncset.done @!p0 $0x0  }
0xeb: {  	[sflag:s1] =	ssyncadd.s32 @!p0 $0xFFFFFF80;
	s1 =	simm.s32 @!p1 $0x1  }
0xec: {  	_ =	swait.ge @!p1 [sflag:s1], $0x80  }
0xed: {  	p0 =	slt.s32 s28, $0x0;
	[sflag:s1] =	ssyncset.done @!p1 $0x0  }
0xee: {  	[sflag:s1] =	ssyncadd.s32 @!p1 $0xFFFFFF80;
	s1 =	simm.s32 @!p0 $0x1  }
0xef: {  	_ =	swait.ge @!p0 [sflag:s1], $0x80  }
0xf0: {  	p1 =	slt.s32 s29, $0x0;
	[sflag:s1] =	ssyncset.done @!p0 $0x0  }
0xf1: {  	s0 =	simm.s32 @!p1 $0x1;
	[sflag:s1] =	ssyncadd.s32 @!p0 $0xFFFFFF80  }
0xf2: {  	_ =	swait.ge @!p1 [sflag:s0], $0x80  }
0xf3: {  	p0 =	slt.s32 s30, $0x0;
	[sflag:s0] =	ssyncset.done @!p1 $0x0  }
0xf4: {  	[sflag:s0] =	ssyncadd.s32 @!p1 $0xFFFFFF80;
	s0 =	simm.s32 @!p0 $0x1  }
0xf5: {  	_ =	swait.ge @!p0 [sflag:s0], $0x80  }
0xf6: {  	p1 =	slt.s32 s31, $0x0;
	[sflag:s0] =	ssyncset.done @!p0 $0x0  }
0xf7: {  	s12 =	simm.s32 @!p1 $0x1;
	[sflag:s0] =	ssyncadd.s32 @!p0 $0xFFFFFF80  }
0xf8: {  	_ =	swait.ge @!p1 [sflag:s12], $0x80  }
0xf9: {  	s11 =	simm.s32 $0x80;
	s10 =	simm.s32 $0x40;
	[sflag:s12] =	ssyncset.done @!p1 $0x0  }
.LBB2_6:
0xfa: {  	s0 =	sshra.s32 s10, $0x2  }
0xfb: {  	[sflag:s12] =	ssyncadd.s32 @!p1 $0xFFFFFF80;
	s10 =	smov.u32 s11;
	s11 =	sadd.s32 $0x40, s11  }
0xfc: {  	p0 =	sne.s32 s11, $0x800;
	v1 =	vld [tilespmem:s0+$0x0];
	_ =	sdelay $0x4  }
0xfd: {  	(v2sf) =	vpush v1, $0x0  }
0xfe: {  	(v2sf) =	vpush v1, $0x1  }
0xff: {  	(v2sf) =	vpush v1, $0x2  }
0x100: {  	(v2sf) =	vpush v1, $0x3  }
0x101: {  	(v2sf) =	vpush v1, $0x4  }
0x102: {  	(v2sf) =	vpush v1, $0x5  }
0x103: {  	(v2sf) =	vpush v1, $0x6  }
0x104: {  	(v2sf) =	vpush v1, $0x7  }
0x105: {  	(v2sf) =	vpush v1, $0x8  }
0x106: {  	(v2sf) =	vpush v1, $0x9  }
0x107: {  	(v2sf) =	vpush v1, $0xA  }
0x108: {  	(v2sf) =	vpush v1, $0xB  }
0x109: {  	(v2sf) =	vpush v1, $0xC  }
0x10a: {  	(v2sf) =	vpush v1, $0xD  }
0x10b: {  	(v2sf) =	vpush v1, $0xE  }
0x10c: {  	s0 =	spop (v2sf);
	(v2sf) =	vpush v1, $0xF  }
0x10d: {  	p1 =	slt.s32 s0, $0x0;
	s0 =	spop (v2sf)  }
0x10e: {  	s1 =	simm.s32 @!p1 $0x1;
	s2 =	spop (v2sf)  }
0x10f: {  	_ =	swait.ge @!p1 [sflag:s1], $0x80  }
0x110: {  	s4 =	spop (v2sf)  }
0x111: {  	p2 =	slt.s32 s0, $0x0;
	[sflag:s1] =	ssyncset.done @!p1 $0x0;
	s0 =	spop (v2sf)  }
0x112: {  	[sflag:s1] =	ssyncadd.s32 @!p1 $0xFFFFFF80;
	s1 =	simm.s32 @!p2 $0x1;
	s8 =	spop (v2sf)  }
0x113: {  	_ =	swait.ge @!p2 [sflag:s1], $0x80  }
0x114: {  	s17 =	spop (v2sf)  }
0x115: {  	p1 =	slt.s32 s2, $0x0;
	[sflag:s1] =	ssyncset.done @!p2 $0x0;
	s2 =	spop (v2sf)  }
0x116: {  	[sflag:s1] =	ssyncadd.s32 @!p2 $0xFFFFFF80;
	s1 =	simm.s32 @!p1 $0x1;
	s18 =	spop (v2sf)  }
0x117: {  	_ =	swait.ge @!p1 [sflag:s1], $0x80  }
0x118: {  	s19 =	spop (v2sf)  }
0x119: {  	p2 =	slt.s32 s4, $0x0;
	[sflag:s1] =	ssyncset.done @!p1 $0x0;
	s4 =	spop (v2sf)  }
0x11a: {  	[sflag:s1] =	ssyncadd.s32 @!p1 $0xFFFFFF80;
	s1 =	simm.s32 @!p2 $0x1;
	s16 =	spop (v2sf)  }
0x11b: {  	_ =	swait.ge @!p2 [sflag:s1], $0x80  }
0x11c: {  	s15 =	spop (v2sf)  }
0x11d: {  	p1 =	slt.s32 s0, $0x0;
	[sflag:s1] =	ssyncset.done @!p2 $0x0;
	s14 =	spop (v2sf)  }
0x11e: {  	s0 =	simm.s32 @!p1 $0x1;
	[sflag:s1] =	ssyncadd.s32 @!p2 $0xFFFFFF80;
	s13 =	spop (v2sf)  }
0x11f: {  	_ =	swait.ge @!p1 [sflag:s0], $0x80  }
0x120: {  	s12 =	spop (v2sf)  }
0x121: {  	p2 =	slt.s32 s8, $0x0;
	[sflag:s0] =	ssyncset.done @!p1 $0x0  }
0x122: {  	[sflag:s0] =	ssyncadd.s32 @!p1 $0xFFFFFF80;
	s0 =	simm.s32 @!p2 $0x1  }
0x123: {  	_ =	swait.ge @!p2 [sflag:s0], $0x80  }
0x124: {  	p1 =	slt.s32 s17, $0x0;
	[sflag:s0] =	ssyncset.done @!p2 $0x0  }
0x125: {  	[sflag:s0] =	ssyncadd.s32 @!p2 $0xFFFFFF80;
	s0 =	simm.s32 @!p1 $0x1  }
0x126: {  	_ =	swait.ge @!p1 [sflag:s0], $0x80  }
0x127: {  	p2 =	slt.s32 s2, $0x0;
	[sflag:s0] =	ssyncset.done @!p1 $0x0  }
0x128: {  	[sflag:s0] =	ssyncadd.s32 @!p1 $0xFFFFFF80;
	s0 =	simm.s32 @!p2 $0x1  }
0x129: {  	_ =	swait.ge @!p2 [sflag:s0], $0x80  }
0x12a: {  	p1 =	slt.s32 s18, $0x0;
	[sflag:s0] =	ssyncset.done @!p2 $0x0  }
0x12b: {  	[sflag:s0] =	ssyncadd.s32 @!p2 $0xFFFFFF80;
	s0 =	simm.s32 @!p1 $0x1  }
0x12c: {  	_ =	swait.ge @!p1 [sflag:s0], $0x80  }
0x12d: {  	p2 =	slt.s32 s19, $0x0;
	[sflag:s0] =	ssyncset.done @!p1 $0x0  }
0x12e: {  	[sflag:s0] =	ssyncadd.s32 @!p1 $0xFFFFFF80;
	s0 =	simm.s32 @!p2 $0x1  }
0x12f: {  	_ =	swait.ge @!p2 [sflag:s0], $0x80  }
0x130: {  	p1 =	slt.s32 s4, $0x0;
	[sflag:s0] =	ssyncset.done @!p2 $0x0  }
0x131: {  	[sflag:s0] =	ssyncadd.s32 @!p2 $0xFFFFFF80;
	s0 =	simm.s32 @!p1 $0x1  }
0x132: {  	_ =	swait.ge @!p1 [sflag:s0], $0x80  }
0x133: {  	p2 =	slt.s32 s16, $0x0;
	[sflag:s0] =	ssyncset.done @!p1 $0x0  }
0x134: {  	[sflag:s0] =	ssyncadd.s32 @!p1 $0xFFFFFF80;
	s0 =	simm.s32 @!p2 $0x1  }
0x135: {  	_ =	swait.ge @!p2 [sflag:s0], $0x80  }
0x136: {  	p1 =	slt.s32 s15, $0x0;
	[sflag:s0] =	ssyncset.done @!p2 $0x0  }
0x137: {  	[sflag:s0] =	ssyncadd.s32 @!p2 $0xFFFFFF80;
	s0 =	simm.s32 @!p1 $0x1  }
0x138: {  	_ =	swait.ge @!p1 [sflag:s0], $0x80  }
0x139: {  	p2 =	slt.s32 s14, $0x0;
	[sflag:s0] =	ssyncset.done @!p1 $0x0  }
0x13a: {  	[sflag:s0] =	ssyncadd.s32 @!p1 $0xFFFFFF80;
	s0 =	simm.s32 @!p2 $0x1  }
0x13b: {  	_ =	swait.ge @!p2 [sflag:s0], $0x80  }
0x13c: {  	p3 =	slt.s32 s13, $0x0;
	[sflag:s0] =	ssyncset.done @!p2 $0x0  }
0x13d: {  	[sflag:s0] =	ssyncadd.s32 @!p2 $0xFFFFFF80;
	s0 =	simm.s32 @!p3 $0x1  }
.Ltmp2:
0x13e: {  	_ =	swait.ge @!p3 [sflag:s0], $0x80;
	(pc) =	sbr.rel @p0 .LBB2_6-.Ltmp2, $4  }
0x13f: {  	p1 =	slt.s32 s12, $0x0;
	[sflag:s0] =	ssyncset.done @!p3 $0x0  }
0x140: {  	s12 =	simm.s32 @!p1 $0x1;
	[sflag:s0] =	ssyncadd.s32 @!p3 $0xFFFFFF80  }
0x141: {  	_ =	swait.ge @!p1 [sflag:s12], $0x80  }
0x142: {  	[sflag:s12] =	ssyncset.done @!p1 $0x0  }
0x143: {  	s0 =	sshra.s32 s10, $0x2;
	[sflag:s12] =	ssyncadd.s32 @!p1 $0xFFFFFF80  }
0x144: {  	v1 =	vld [tilespmem:s0+$0x0];
	_ =	sdelay $0x4  }
0x145: {  	(v2sf) =	vpush v1, $0x0  }
0x146: {  	(v2sf) =	vpush v1, $0x1  }
0x147: {  	(v2sf) =	vpush v1, $0x2;
	_ =	sdelay $0x1  }
0x148: {  	(v2sf) =	vpush v1, $0x3  }
0x149: {  	(v2sf) =	vpush v1, $0x4  }
0x14a: {  	(v2sf) =	vpush v1, $0x5;
	_ =	sdelay $0x1  }
0x14b: {  	(v2sf) =	vpush v1, $0x6  }
0x14c: {  	(v2sf) =	vpush v1, $0x7  }
0x14d: {  	(v2sf) =	vpush v1, $0x8  }
0x14e: {  	(v2sf) =	vpush v1, $0x9  }
0x14f: {  	(v2sf) =	vpush v1, $0xA  }
0x150: {  	(v2sf) =	vpush v1, $0xB  }
0x151: {  	(v2sf) =	vpush v1, $0xC  }
0x152: {  	(v2sf) =	vpush v1, $0xD;
	s21 =	spop (v2sf)  }
0x153: {  	(v2sf) =	vpush v1, $0xE;
	p0 =	slt.s32 s21, $0x0;
	s22 =	spop (v2sf)  }
0x154: {  	(v2sf) =	vpush v1, $0xF;
	s1 =	simm.s32 @!p0 $0x1;
	s2 =	spop (v2sf)  }
0x155: {  	_ =	swait.ge @!p0 [sflag:s1], $0x80  }
0x156: {  	s4 =	spop (v2sf)  }
0x157: {  	p1 =	slt.s32 s22, $0x0;
	[sflag:s1] =	ssyncset.done @!p0 $0x0;
	s23 =	spop (v2sf)  }
0x158: {  	[sflag:s1] =	ssyncadd.s32 @!p0 $0xFFFFFF80;
	s1 =	simm.s32 @!p1 $0x1;
	s8 =	spop (v2sf)  }
0x159: {  	_ =	swait.ge @!p1 [sflag:s1], $0x80  }
0x15a: {  	s24 =	spop (v2sf)  }
0x15b: {  	p0 =	slt.s32 s2, $0x0;
	[sflag:s1] =	ssyncset.done @!p1 $0x0;
	s25 =	spop (v2sf)  }
0x15c: {  	[sflag:s1] =	ssyncadd.s32 @!p1 $0xFFFFFF80;
	s1 =	simm.s32 @!p0 $0x1;
	s11 =	spop (v2sf)  }
0x15d: {  	_ =	swait.ge @!p0 [sflag:s1], $0x80  }
0x15e: {  	s26 =	spop (v2sf)  }
0x15f: {  	p1 =	slt.s32 s4, $0x0;
	[sflag:s1] =	ssyncset.done @!p0 $0x0;
	s28 =	spop (v2sf)  }
0x160: {  	[sflag:s1] =	ssyncadd.s32 @!p0 $0xFFFFFF80;
	s1 =	simm.s32 @!p1 $0x1;
	s13 =	spop (v2sf)  }
0x161: {  	_ =	swait.ge @!p1 [sflag:s1], $0x80  }
0x162: {  	s14 =	spop (v2sf)  }
0x163: {  	p0 =	slt.s32 s23, $0x0;
	[sflag:s1] =	ssyncset.done @!p1 $0x0;
	s29 =	spop (v2sf)  }
0x164: {  	[sflag:s1] =	ssyncadd.s32 @!p1 $0xFFFFFF80;
	s1 =	simm.s32 @!p0 $0x1;
	s15 =	spop (v2sf)  }
0x165: {  	_ =	swait.ge @!p0 [sflag:s1], $0x80  }
0x166: {  	p1 =	slt.s32 s8, $0x0;
	[sflag:s1] =	ssyncset.done @!p0 $0x0  }
0x167: {  	s30 =	spop (v2sf);
	[sflag:s1] =	ssyncadd.s32 @!p0 $0xFFFFFF80;
	s1 =	simm.s32 @!p1 $0x1  }
0x168: {  	_ =	swait.ge @!p1 [sflag:s1], $0x80  }
0x169: {  	p0 =	slt.s32 s24, $0x0;
	[sflag:s1] =	ssyncset.done @!p1 $0x0  }
0x16a: {  	[sflag:s1] =	ssyncadd.s32 @!p1 $0xFFFFFF80;
	s1 =	simm.s32 @!p0 $0x1  }
0x16b: {  	_ =	swait.ge @!p0 [sflag:s1], $0x80  }
0x16c: {  	p1 =	slt.s32 s25, $0x0;
	[sflag:s1] =	ssyncset.done @!p0 $0x0  }
0x16d: {  	[sflag:s1] =	ssyncadd.s32 @!p0 $0xFFFFFF80;
	s1 =	simm.s32 @!p1 $0x1  }
0x16e: {  	_ =	swait.ge @!p1 [sflag:s1], $0x80  }
0x16f: {  	p0 =	slt.s32 s11, $0x0;
	[sflag:s1] =	ssyncset.done @!p1 $0x0  }
0x170: {  	[sflag:s1] =	ssyncadd.s32 @!p1 $0xFFFFFF80;
	s1 =	simm.s32 @!p0 $0x1  }
0x171: {  	_ =	swait.ge @!p0 [sflag:s1], $0x80  }
0x172: {  	p1 =	slt.s32 s26, $0x0;
	[sflag:s1] =	ssyncset.done @!p0 $0x0  }
0x173: {  	[sflag:s1] =	ssyncadd.s32 @!p0 $0xFFFFFF80;
	s1 =	simm.s32 @!p1 $0x1  }
0x174: {  	_ =	swait.ge @!p1 [sflag:s1], $0x80  }
0x175: {  	p0 =	slt.s32 s28, $0x0;
	[sflag:s1] =	ssyncset.done @!p1 $0x0  }
0x176: {  	[sflag:s1] =	ssyncadd.s32 @!p1 $0xFFFFFF80;
	s1 =	simm.s32 @!p0 $0x1  }
0x177: {  	_ =	swait.ge @!p0 [sflag:s1], $0x80  }
0x178: {  	p1 =	slt.s32 s13, $0x0;
	[sflag:s1] =	ssyncset.done @!p0 $0x0  }
0x179: {  	[sflag:s1] =	ssyncadd.s32 @!p0 $0xFFFFFF80;
	s1 =	simm.s32 @!p1 $0x1  }
0x17a: {  	_ =	swait.ge @!p1 [sflag:s1], $0x80  }
0x17b: {  	p0 =	slt.s32 s14, $0x0;
	[sflag:s1] =	ssyncset.done @!p1 $0x0  }
0x17c: {  	[sflag:s1] =	ssyncadd.s32 @!p1 $0xFFFFFF80;
	s1 =	simm.s32 @!p0 $0x1  }
0x17d: {  	_ =	swait.ge @!p0 [sflag:s1], $0x80  }
0x17e: {  	p1 =	slt.s32 s29, $0x0;
	[sflag:s1] =	ssyncset.done @!p0 $0x0  }
0x17f: {  	s0 =	simm.s32 @!p1 $0x1;
	[sflag:s1] =	ssyncadd.s32 @!p0 $0xFFFFFF80  }
0x180: {  	_ =	swait.ge @!p1 [sflag:s0], $0x80  }
0x181: {  	p0 =	slt.s32 s15, $0x0;
	[sflag:s0] =	ssyncset.done @!p1 $0x0  }
0x182: {  	[sflag:s0] =	ssyncadd.s32 @!p1 $0xFFFFFF80;
	s0 =	simm.s32 @!p0 $0x1  }
0x183: {  	_ =	swait.ge @!p0 [sflag:s0], $0x80  }
0x184: {  	p1 =	slt.s32 s30, $0x0;
	[sflag:s0] =	ssyncset.done @!p0 $0x0  }
0x185: {  	[sflag:s0] =	ssyncadd.s32 @!p0 $0xFFFFFF80;
	s0 =	simm.s32 @!p1 $0x1  }
0x186: {  	s9 =	sadd.s32 $0x1, s9;
	_ =	swait.ge @!p1 [sflag:s0], $0x80  }
0x187: {  	s31 =	simm.s32 $0x200;
	p0 =	sne.s32 s9, s6;
	[sflag:s0] =	ssyncset.done @!p1 $0x0  }
.Ltmp3:
0x188: {  	s1 =	simm.s32 $0x0;
	[sflag:s0] =	ssyncadd.s32 @!p1 $0xFFFFFF80;
	(pc) =	sbr.rel @p0 .LBB2_1-.Ltmp3, $4  }
0x189: {  	[hbm4b:s5+s1] =	stream.linear.scatter [tilespmem:s31], [sflag:$0x2], $0x10000, $0x38;
	[tilespmem:$0x10200] =	vst v63  }
0x18a: {  	_ =	swait.ge [sflag:s7], $0x10000  }
0x18b: {  	[sflag:s7] =	ssyncset.done $0x0  }
0x18c: {  	[sflag:s7] =	ssyncadd.s32 $0xFFFF0000  }
0x18d: {  	_ =	sfence.sel $0x180000  }
0x18e: {  	[bflag:$0x0] =	sbarrier.arrive $0xFFFF  }
0x18f: {  	_ =	strace $0x9000004D  }
0x190: {  	s0 =	stileid.u32;
	[bflag:$0x2] =	sbarrier.arrive $0xFFFF  }
0x191: {  	p0 =	sne.s32 s0, $0x0;
	s0 =	rddreg [dreg:$0x2]  }
0x192: {  	s0 =	sadd.s32 @!p0 $0x100000, s0  }
0x193: {  	[sflag:s0] =	ssyncadd.tile.s32 @!p0 $0x1;
	_ =	shalt  }
.Lfunc_end2:
_tile_overlayer_lowered:
.L_overlay_start_2:
0x194: {  	(tag) =	ssettag $0x2  }
0x195: {  	s0 =	rddreg [dreg:$0x0];
	s2 =	stileid.u32  }
0x196: {  	s1 =	rddreg [dreg:$0x1];
	p0 =	sne.s32 s2, $0x0  }
0x197: {  	s3 =	rddreg [dreg:$0x2];
	[bflag:$0x3] =	sbarrier.arrive $0xFFFF;
	s2 =	simm.s32 @!p0 $0x1C02  }
0x198: {  	[timem:s3], [sflag:s2] =	dma.local @!p0 [hbm:s0], s1  }
0x199: {  	s0 =	simm.s32 @!p0 $0x2  }
0x19a: {  	_ =	swait.ge @!p0 [sflag:s0], s1  }
0x19b: {  	s1 =	ssub.s32 @!p0 $0x0, s1;
	[sflag:s0] =	ssyncset.done @!p0 $0x0  }
0x19c: {  	[sflag:s0] =	ssyncadd.s32 @!p0 s1  }
0x19d: {  	[bflag:$0x3] =	sbarrier.arrive $0xFFFF  }
0x19e: {  	_ =	shalt  }

// kernel: kernel.6.cloned.1.call-start
scs
__scs_entry_jumppad:
0x0: {  	(pc) =	sbr.rel $0x88, $3  }
0x1: {  	(tag) =	ssettag $0x0;
	lr =	simm.s32 $0x1  }
0x2: {  	[smem:$0x3F9A] =	sst lr;
	_ =	strace $0xD0000000  }
0x3: {  	_ = 	snop  }
0x4: {  	_ = 	snop  }
0x5: {  	_ = 	snop  }
0x6: {  	_ = 	snop  }
0x7: {  	_ = 	snop  }
__scs_overlays_trampoline_lowered:
0x8: {  	[smem:$0x3FA9] =	sst s0  }
0x9: {  	[smem:$0x3FAA] =	sst s1  }
0xa: {  	[smem:$0x3FAB] =	sst s2  }
0xb: {  	[smem:$0x3FAC] =	sst s3  }
0xc: {  	[smem:$0x3FAD] =	sst s4  }
0xd: {  	[smem:$0x3FAE] =	sst s5  }
0xe: {  	[smem:$0x3FAF] =	sst s6  }
0xf: {  	[smem:$0x3FB0] =	sst s7  }
0x10: {  	[smem:$0x3FB1] =	sst s8  }
0x11: {  	[smem:$0x3FB2] =	sst s9;
	s0 =	simm.s32 @!p0 $0x0  }
0x12: {  	s1 =	sld [smem:$0x3F98];
	s0 =	simm.s32 @p0 $0x1  }
0x13: {  	[smem:$0x3FB3] =	sst s0;
	s0 =	simm.s32 @!p1 $0x0  }
0x14: {  	s2 =	sld [smem:$0x3F97];
	s0 =	simm.s32 @p1 $0x1  }
0x15: {  	[smem:$0x3FB4] =	sst s0;
	s0 =	simm.s32 @!p2 $0x0  }
0x16: {  	s3 =	sld [smem:$0x3FDB];
	s0 =	simm.s32 @p2 $0x1  }
0x17: {  	s4 =	simm.s32 $0x1BF5;
	[smem:$0x3FB6] =	sst s0  }
0x18: {  	s0 =	sld [smem:$0x3F99];
	_ =	swait.ge [sflag:s4], $0x0  }
0x19: {  	s7 =	sld [smem:$0x3F9A]  }
0x1a: {  	s8 =	sadd.s32 $0xFFFFE003, lr  }
0x1b: {  	s9 =	sadd.s32 $0xFFFFFEF7, lr;
	s5 =	simm.s32 $0xFFFFFFFF;
	p2 =	slt.u32 s8, $0xFFFFF086  }
0x1c: {  	p1 =	slt.u32 s9, $0xF7A;
	s5 =	simm.s32 @!p2 $0x0  }
0x1d: {  	s5 =	simm.s32 @p1 $0x1;
	p0 =	seq.s32 s7, s2  }
0x1e: {  	s7 =	smul.u32 @!p0 $0xF7A, s2;
	p2 =	seq.s32 @!p0 s5, $0x0  }
0x1f: {  	s9 =	smul.u32 $0xF7A, s1;
	s8 =	simm.s32 @!p0 $0x1BF5;
	p2 =	por !p2, p0  }
0x20: {  	[sflag:s8] =	ssyncset.s32 @!p0 $0xFFFFF086;
	s6 =	sadd.s32 @!p0 s3, s7;
	s7 =	simm.s32 @!p0 $0x108  }
0x21: {  	s3 =	sadd.s32 s3, s9;
	s6 =	sadd.s32 @!p0 $0x88, s6;
	s7 =	simm.s32 @p2 $0x1082  }
0x22: {  	[simem:s7], [sflag:s8] =	dma.local @!p0 [hbm:s6], $0xF7A  }
0x23: {  	s9 =	sor.u32 $0xD0000000, s2;
	s6 =	simm.s32 $0x108;
	_ =	swait.ge @!p0 [sflag:s8], $0x0  }
0x24: {  	s3 =	sadd.s32 $0x88, s3;
	s6 =	simm.s32 @!p1 $0x1082;
	[sflag:s4] =	ssyncset.s32 $0xFFFFF086  }
0x25: {  	[simem:s6], [sflag:s4] =	dma.local [hbm:s3], $0xF7A  }
0x26: {  	[smem:$0x3F9A] =	sst s1;
	(tag) =	ssettag s2;
	_ =	strace s9  }
0x27: {  	s1 =	sld [smem:$0x3FAA]  }
0x28: {  	s2 =	sld [smem:$0x3FAB]  }
0x29: {  	s4 =	sld [smem:$0x3FAD]  }
0x2a: {  	p0 =	seq.s32 s5, $0x0;
	s5 =	sld [smem:$0x3FAE]  }
0x2b: {  	s6 =	sld [smem:$0x3FAF]  }
0x2c: {  	s7 =	sld [smem:$0x3FB0]  }
0x2d: {  	s3 =	simm.s32 $0x108;
	s8 =	sld [smem:$0x3FB1]  }
0x2e: {  	s3 =	simm.s32 @!p0 $0x1082;
	s9 =	sld [smem:$0x3FB2]  }
0x2f: {  	lr =	sadd.s32 s0, s3;
	s0 =	sld [smem:$0x3FA9]  }
0x30: {  	s3 =	sld [smem:$0x3FAC]  }
0x31: {  	[smem:$0x3FB5] =	sst s10  }
0x32: {  	s10 =	sld [smem:$0x3FB3];
	_ =	sdelay $0x3  }
0x33: {  	p0 =	seq.s32 s10, $0x1;
	s10 =	sld [smem:$0x3FB5];
	_ =	sdelay $0x3  }
0x34: {  	[smem:$0x3FB5] =	sst s10  }
0x35: {  	s10 =	sld [smem:$0x3FB4];
	_ =	sdelay $0x3  }
0x36: {  	p1 =	seq.s32 s10, $0x1;
	s10 =	sld [smem:$0x3FB5];
	_ =	sdelay $0x3  }
0x37: {  	[smem:$0x3FB5] =	sst s10  }
0x38: {  	s10 =	sld [smem:$0x3FB6]  }
0x39: {  	_ = 	snop;
	(pc) =	sbr.ind lr, $3  }
0x3a: {  	_ = 	snop  }
0x3b: {  	_ = 	snop  }
0x3c: {  	p2 =	seq.s32 s10, $0x1;
	s10 =	sld [smem:$0x3FB5]  }
0x3d: {  	_ =	shalt  }
0x3e: {  	_ =	shalt  }
0x3f: {  	_ =	shalt  }
0x40: {  	_ =	shalt  }
0x41: {  	_ =	shalt  }
0x42: {  	_ =	shalt  }
0x43: {  	_ =	shalt  }
0x44: {  	_ =	shalt  }
0x45: {  	_ =	shalt  }
0x46: {  	_ =	shalt  }
0x47: {  	_ =	shalt  }
0x48: {  	_ =	shalt  }
0x49: {  	_ =	shalt  }
0x4a: {  	_ =	shalt  }
0x4b: {  	_ =	shalt  }
0x4c: {  	_ =	shalt  }
0x4d: {  	_ =	shalt  }
0x4e: {  	_ =	shalt  }
0x4f: {  	_ =	shalt  }
0x50: {  	_ =	shalt  }
0x51: {  	_ =	shalt  }
0x52: {  	_ =	shalt  }
0x53: {  	_ =	shalt  }
0x54: {  	_ =	shalt  }
0x55: {  	_ =	shalt  }
0x56: {  	_ =	shalt  }
0x57: {  	_ =	shalt  }
0x58: {  	_ =	shalt  }
0x59: {  	_ =	shalt  }
0x5a: {  	_ =	shalt  }
0x5b: {  	_ =	shalt  }
0x5c: {  	_ =	shalt  }
0x5d: {  	_ =	shalt  }
0x5e: {  	_ =	shalt  }
0x5f: {  	_ =	shalt  }
0x60: {  	_ =	shalt  }
0x61: {  	_ =	shalt  }
0x62: {  	_ =	shalt  }
0x63: {  	_ =	shalt  }
0x64: {  	_ =	shalt  }
0x65: {  	_ =	shalt  }
0x66: {  	_ =	shalt  }
0x67: {  	_ =	shalt  }
0x68: {  	_ =	shalt  }
0x69: {  	_ =	shalt  }
0x6a: {  	_ =	shalt  }
0x6b: {  	_ =	shalt  }
0x6c: {  	_ =	shalt  }
0x6d: {  	_ =	shalt  }
0x6e: {  	_ =	shalt  }
0x6f: {  	_ =	shalt  }
0x70: {  	_ =	shalt  }
0x71: {  	_ =	shalt  }
0x72: {  	_ =	shalt  }
0x73: {  	_ =	shalt  }
0x74: {  	_ =	shalt  }
0x75: {  	_ =	shalt  }
0x76: {  	_ =	shalt  }
0x77: {  	_ =	shalt  }
0x78: {  	_ =	shalt  }
0x79: {  	_ =	shalt  }
0x7a: {  	_ =	shalt  }
0x7b: {  	_ =	shalt  }
0x7c: {  	_ =	shalt  }
0x7d: {  	_ =	shalt  }
0x7e: {  	_ =	shalt  }
0x7f: {  	_ =	shalt  }
0x80: {  	_ =	shalt  }
0x81: {  	_ =	shalt  }
0x82: {  	_ =	shalt  }
0x83: {  	_ =	shalt  }
0x84: {  	_ =	shalt  }
0x85: {  	_ =	shalt  }
0x86: {  	_ =	shalt  }
0x87: {  	_ =	shalt  }
.Lfunc_end0:
.L_simem_size_0:
called_computation_lowered:
.L_overlay_start_0:
0x88: {  	s2 =	sld [smem:$0x3FD9]  }
0x89: {  	s3 =	sld [smem:$0x3FFE];
	_ =	sdelay $0x1  }
0x8a: {  	s1 =	srdreg.scid  }
0x8b: {  	s0 =	sand.u32 $0x1, s1  }
0x8c: {  	s18 =	sshll.u32 s0, $0xA;
	s2 =	sadd.s32 s3, s2  }
0x8d: {  	s2 =	sadd.s32 s2, s18  }
0x8e: {  	[smem:$0x3FC1] =	sst s2  }
0x8f: {  	_ = 	snop  }
0x90: {  	s2 =	sld [smem:$0x3FC8]  }
0x91: {  	s19 =	sld [smem:$0x3FC7]  }
0x92: {  	s4 =	sld [smem:$0x3FD0];
	(tm) =	ssettm $0x1  }
0x93: {  	s5 =	sld [smem:$0x3FFB];
	_ =	sdelay $0x3  }
0x94: {  	_ =	strace s5  }
0x95: {  	s5 =	sld [smem:$0x3FFC];
	_ =	sdelay $0x3  }
0x96: {  	_ =	strace s5  }
0x97: {  	s5 =	sld [smem:$0x3FFD];
	_ =	sdelay $0x3  }
0x98: {  	_ =	strace s5  }
0x99: {  	_ =	strace $0x8FFFFFFF  }
0x9a: {  	s20 =	sld [smem:$0x3FDB];
	_ =	sdelay $0x1  }
0x9b: {  	s6 =	simm.s32 $_scs_section_size  }
0x9c: {  	s7 =	simm.s32 $_size__tile_overlayer_lowered;
	s8 =	simm.s32 $_tile_overlayer_lowered  }
0x9d: {  	s23 =	simm.s32 $0x1BFF;
	s22 =	sshll.u32 s8, $0x1;
	s5 =	sadd.s32 s6, s20  }
0x9e: {  	s9 =	simm.s32 $0x0;
	s21 =	sshll.u32 s7, $0x1;
	s7 =	sadd.s32 s22, s5  }
0x9f: {  	[timem:s9], [sflag:s23] =	dma.local [hbm:s7], s21  }
0xa0: {  	_ =	swait.ge [sflag:s23], s21  }
0xa1: {  	s6 =	ssub.s32 $0x0, s21;
	[sflag:s23] =	ssyncset.done $0x0  }
0xa2: {  	[sflag:s23] =	ssyncadd.s32 s6;
	_ =	sdelay $0x1  }
0xa3: {  	s24 =	simm.s32 $0x1B8B  }
0xa4: {  	_ =	swait.ge [sflag:s24], $0x1  }
0xa5: {  	[sflag:s24] =	ssyncset.done $0x0  }
0xa6: {  	s25 =	simm.s32 $0x1B8E;
	[sflag:s24] =	ssyncadd.s32 $0xFFFFFFFF  }
0xa7: {  	s26 =	simm.s32 $execute0_lowered;
	[smem:$0x3FD2] =	sst s25  }
0xa8: {  	s6 =	sshll.u32 s26, $0x1;
	_ =	strace $0x80000046;
	[dreg:$0x1] =	wrdreg $0xFFFFFFFF  }
0xa9: {  	s28 =	simm.s32 $_size_execute0_lowered;
	s5 =	sadd.s32 s5, s6;
	[dreg:$0x0] =	wrdreg $0x0  }
0xaa: {  	s6 =	sshll.u32 s28, $0x1;
	[dreg:$0x2] =	wrdreg s5  }
0xab: {  	[dreg:$0x3] =	wrdreg s6  }
0xac: {  	[dreg:$0x4] =	wrdreg $0xC0  }
0xad: {  	_ =	task [dreg:s9], $0x5FFFF  }
0xae: {  	[dreg:$0x1] =	wrdreg $0xFFFFFFFF  }
0xaf: {  	[dreg:$0x0] =	wrdreg $0x60  }
0xb0: {  	[dreg:$0x2] =	wrdreg s2  }
0xb1: {  	[dreg:$0x3] =	wrdreg s19  }
0xb2: {  	[dreg:$0x4] =	wrdreg s4  }
0xb3: {  	[dreg:$0x5] =	wrdreg $0xA  }
0xb4: {  	_ =	task.clear_ibuf [dreg:s9], $0x6FFFF;
	_ =	strace $0x90000046  }
0xb5: {  	s29 =	simm.s32 $0xA;
	_ =	strace $0x80000048  }
0xb6: {  	_ =	swait.ge [sflag:s29], $0x1  }
0xb7: {  	[sflag:s29] =	ssyncadd.s32 $0xFFFFFFFF  }
0xb8: {  	_ =	strace $0x90000048  }
0xb9: {  	_ =	sfence  }
0xba: {  	s30 =	sld [smem:$0x0];
	_ =	sdelay $0x2  }
0xbb: {  	s31 =	sshll.u32 s1, $0xD;
	s1 =	sshrl.u32 s1, $0x2  }
0xbc: {  	s3 =	sand.u32 $0x4000, s31;
	s1 =	sadd.s32 s1, s30  }
0xbd: {  	s0 =	sor.u32 s3, s0;
	s1 =	sshll.u32 s1, $0x11  }
0xbe: {  	s0 =	sor.u32 s1, s0  }
0xbf: {  	s0 =	sadd.s32 $0x8F2B, s0  }
0xc0: {  	[sflag:s0] =	ssyncadd.remote.s32 $0x1  }
0xc1: {  	_ =	sfence.sel $0xFFFF  }
0xc2: {  	[dreg:$0x0] =	wrdreg $0xFFFFFFFF;
	(pc) =	sbr.abs _section_cstart, $3  }
0xc3: {  	[dreg:$0x1] =	wrdreg $0xFFFFFFFF  }
0xc4: {  	_ =	task.clear_ibuf [dreg:s9], $0x2FFFF;
	_ =	strace $0x9FFFFFFF  }
0xc5: {  	(tm) =	ssettm $0x7FFFFFFF  }
tec
execute0_lowered:
.L_overlay_start_1:
0x0: {  	(tag) =	ssettag $0x1  }
0x1: {  	s1 =	rddreg [dreg:$0x0]  }
0x2: {  	s2 =	rddreg [dreg:$0x1];
	s0 =	srdreg.scid  }
0x3: {  	s5 =	rddreg [dreg:$0x2];
	s3 =	stileid.u32  }
0x4: {  	s4 =	simm.s32 $0x0;
	s10 =	simm.s32 $0x1;
	s11 =	simm.s32 $0x2000  }
0x5: {  	s12 =	simm.s32 $0x4200;
	s13 =	simm.s32 $0x4000;
	s14 =	simm.s32 $0x4080  }
0x6: {  	s16 =	simm.s32 $0x4180;
	s17 =	simm.s32 $0x0;
	s6 =	sand.u32 $0x1, s0  }
0x7: {  	s0 =	rddreg [dreg:$0x3];
	s7 =	sshll.u32 s6, $0x4;
	s6 =	ssub.s32 $0x2, s6  }
0x8: {  	[smem:$0x7FF] =	sst s4;
	s15 =	sor.u32 s3, s7;
	s31 =	sshrl.u32 s6, $0x1  }
0x9: {  	_ =	strace $0x80000047;
	s8 =	sshll.u32 s15, $0x6;
	s9 =	ssub.s32 s6, s31  }
0xa: {  	v0 =	vlaneseq.u32;
	v1 =	vmov s15;
	s15 =	simm.s32 $0x4100;
	s5 =	sadd.s32 s5, s8;
	s9 =	smax.u32 s9, $0x1  }
0xb: {  	v2 =	vimm.s32 $0xFFFFFFFF;
	v3 =	vadd.s32 $0x1, v0;
	s6 =	sadd.s32 $0x10, s5;
	s7 =	sadd.s32 $0x20, s5;
	s8 =	sadd.s32 $0x30, s5  }
.LBB2_1:
0xc: {  	[tilespmem:s4], [sflag:$0x1] =	stream.linear.gather [hbm4b:s1+s4], $0x2000, $0x38;
	[tilespmem:$0x4220] =	vst v63  }
0xd: {  	_ =	swait.ge [sflag:s10], $0x2000  }
0xe: {  	[sflag:s10] =	ssyncset.done $0x0  }
0xf: {  	[sflag:s10] =	ssyncadd.s32 $0xFFFFE000  }
0x10: {  	[tilespmem:s11], [sflag:$0x1] =	stream.linear.gather [hbm4b:s2+s4], $0x2000, $0x38;
	[tilespmem:$0x4220] =	vst v63  }
0x11: {  	_ =	swait.ge [sflag:s10], $0x2000  }
0x12: {  	[sflag:s10] =	ssyncset.done $0x0  }
0x13: {  	[sflag:s10] =	ssyncadd.s32 $0xFFFFE000  }
0x14: {  	[tilespmem:$0x4000] =	vst v2  }
0x15: {  	[tilespmem:$0x4010] =	vst v2  }
0x16: {  	[tilespmem:$0x4020] =	vst v2  }
0x17: {  	[tilespmem:$0x4030] =	vst v2  }
0x18: {  	[tilespmem:$0x4040] =	vst v2  }
0x19: {  	[tilespmem:$0x4050] =	vst v2  }
0x1a: {  	[tilespmem:$0x4060] =	vst v2  }
0x1b: {  	[tilespmem:$0x4070] =	vst v2  }
0x1c: {  	[tilespmem:$0x4080] =	vst v2  }
0x1d: {  	[tilespmem:$0x4090] =	vst v2  }
0x1e: {  	[tilespmem:$0x40A0] =	vst v2  }
0x1f: {  	[tilespmem:$0x40B0] =	vst v2  }
0x20: {  	[tilespmem:$0x40C0] =	vst v2  }
0x21: {  	[tilespmem:$0x40D0] =	vst v2  }
0x22: {  	[tilespmem:$0x40E0] =	vst v2  }
0x23: {  	[tilespmem:$0x40F0] =	vst v2  }
0x24: {  	[tilespmem:$0x4100] =	vst v2  }
0x25: {  	[tilespmem:$0x4110] =	vst v2  }
0x26: {  	[tilespmem:$0x4120] =	vst v2  }
0x27: {  	[tilespmem:$0x4130] =	vst v2  }
0x28: {  	[tilespmem:$0x4140] =	vst v2  }
0x29: {  	[tilespmem:$0x4150] =	vst v2  }
0x2a: {  	[tilespmem:$0x4160] =	vst v2  }
0x2b: {  	[tilespmem:$0x4170] =	vst v2  }
0x2c: {  	[tilespmem:$0x4180] =	vst v2  }
0x2d: {  	[tilespmem:$0x4190] =	vst v2  }
0x2e: {  	[tilespmem:$0x41A0] =	vst v2  }
0x2f: {  	[tilespmem:$0x41B0] =	vst v2  }
0x30: {  	[tilespmem:$0x41C0] =	vst v2  }
0x31: {  	[tilespmem:$0x41D0] =	vst v2  }
0x32: {  	[tilespmem:$0x41E0] =	vst v2  }
0x33: {  	[tilespmem:$0x41F0] =	vst v2  }
0x34: {  	s18 =	simm.s32 $0x70;
	s19 =	simm.s32 $0x40;
	[tilespmem:$0x4210] =	vst v2  }
.LBB2_2:
0x35: {  	v4 =	vld [tilespmem:s19+$0xFFFFFFC0];
	_ =	sdelay $0x4  }
0x36: {  	s20 =	sadd.s32 $0xFFFFFF90, s18;
	v4 =	vshll.u32 v4, $0xD  }
0x37: {  	v4 =	vadd.s32 s20, v4  }
0x38: {  	v4 =	vadd.s32 v0, v4  }
0x39: {  	(xrf1) =	vsort.ascd.msk.u32 $0xffff, v4, v4;
	_ =	sdelay $0xd  }
0x3a: {  	v4, _, _ =	vpop (xrf1)  }
0x3b: {  	[tilespmem:$0x4200] =	vst v4  }
0x3c: {  	v5 =	vld.idx.msk [tilespmem:v3+s12+$0x0], $0xffff;
	_ =	sdelay $0x2  }
0x3d: {  	v6 =	vand.u32 $0x1FFF, v4;
	_ =	sdelay $0x1  }
0x3e: {  	v7 =	vshra.s32 v4, $0xD;
	v4 =	vshra.s32 v4, $0x16;
	v5 =	vshra.s32 v5, $0xD  }
0x3f: {  	vm1 =	veq.s32 v4, v1;
	vm0 =	vne.s32 v7, v5  }
0x40: {  	vm0 =	vmand vm0, vm1  }
0x41: {  	v4 =	vld.idx.msk [tilespmem:v6+s11+$0x0], $0xffff;
	v5 =	vand.u32 $0x1FF, v7;
	_ =	sdelay $0x4  }
0x42: {  	[tilespmem:v5+s13+$0x0] =	vst.idx.msk vm0, v4  }
0x43: {  	v4 =	vld [tilespmem:s19+$0xFFFFFFD0];
	_ =	sdelay $0x4  }
0x44: {  	s25 =	sadd.s32 $0xFFFFFFA0, s18;
	v4 =	vshll.u32 v4, $0xD  }
0x45: {  	v4 =	vadd.s32 s25, v4  }
0x46: {  	v4 =	vadd.s32 v0, v4  }
0x47: {  	(xrf1) =	vsort.ascd.msk.u32 $0xffff, v4, v4;
	_ =	sdelay $0xd  }
0x48: {  	v4, _, _ =	vpop (xrf1)  }
0x49: {  	[tilespmem:$0x4200] =	vst v4  }
0x4a: {  	v5 =	vld.idx.msk [tilespmem:v3+s12+$0x0], $0xffff;
	_ =	sdelay $0x2  }
0x4b: {  	v50 =	vand.u32 $0x1FFF, v4;
	_ =	sdelay $0x1  }
0x4c: {  	v51 =	vshra.s32 v4, $0xD;
	v4 =	vshra.s32 v4, $0x16;
	v5 =	vshra.s32 v5, $0xD  }
0x4d: {  	vm15 =	veq.s32 v4, v1;
	vm14 =	vne.s32 v51, v5  }
0x4e: {  	vm0 =	vmand vm14, vm15  }
0x4f: {  	v4 =	vld.idx.msk [tilespmem:v50+s11+$0x0], $0xffff;
	v5 =	vand.u32 $0x1FF, v51;
	_ =	sdelay $0x4  }
0x50: {  	[tilespmem:v5+s13+$0x0] =	vst.idx.msk vm0, v4  }
0x51: {  	v4 =	vld [tilespmem:s19+$0xFFFFFFE0];
	_ =	sdelay $0x4  }
0x52: {  	s26 =	sadd.s32 $0xFFFFFFB0, s18;
	v4 =	vshll.u32 v4, $0xD  }
0x53: {  	v4 =	vadd.s32 s26, v4  }
0x54: {  	v4 =	vadd.s32 v0, v4  }
0x55: {  	(xrf1) =	vsort.ascd.msk.u32 $0xffff, v4, v4;
	_ =	sdelay $0xd  }
0x56: {  	v4, _, _ =	vpop (xrf1)  }
0x57: {  	[tilespmem:$0x4200] =	vst v4  }
0x58: {  	v5 =	vld.idx.msk [tilespmem:v3+s12+$0x0], $0xffff;
	_ =	sdelay $0x2  }
0x59: {  	v52 =	vand.u32 $0x1FFF, v4;
	_ =	sdelay $0x1  }
0x5a: {  	v53 =	vshra.s32 v4, $0xD;
	v4 =	vshra.s32 v4, $0x16;
	v5 =	vshra.s32 v5, $0xD  }
0x5b: {  	vm5 =	veq.s32 v4, v1;
	vm4 =	vne.s32 v53, v5  }
0x5c: {  	vm0 =	vmand vm4, vm5  }
0x5d: {  	v4 =	vld.idx.msk [tilespmem:v52+s11+$0x0], $0xffff;
	v5 =	vand.u32 $0x1FF, v53;
	_ =	sdelay $0x4  }
0x5e: {  	[tilespmem:v5+s13+$0x0] =	vst.idx.msk vm0, v4  }
0x5f: {  	v4 =	vld [tilespmem:s19+$0xFFFFFFF0];
	_ =	sdelay $0x4  }
0x60: {  	s28 =	sadd.s32 $0xFFFFFFC0, s18;
	v4 =	vshll.u32 v4, $0xD  }
0x61: {  	v4 =	vadd.s32 s28, v4  }
0x62: {  	v4 =	vadd.s32 v0, v4  }
0x63: {  	(xrf1) =	vsort.ascd.msk.u32 $0xffff, v4, v4;
	_ =	sdelay $0xd  }
0x64: {  	v4, _, _ =	vpop (xrf1)  }
0x65: {  	[tilespmem:$0x4200] =	vst v4  }
0x66: {  	v5 =	vld.idx.msk [tilespmem:v3+s12+$0x0], $0xffff;
	_ =	sdelay $0x2  }
0x67: {  	v54 =	vand.u32 $0x1FFF, v4;
	_ =	sdelay $0x1  }
0x68: {  	v55 =	vshra.s32 v4, $0xD;
	v4 =	vshra.s32 v4, $0x16;
	v5 =	vshra.s32 v5, $0xD  }
0x69: {  	vm7 =	veq.s32 v4, v1;
	vm6 =	vne.s32 v55, v5  }
0x6a: {  	vm0 =	vmand vm6, vm7  }
0x6b: {  	v4 =	vld.idx.msk [tilespmem:v54+s11+$0x0], $0xffff;
	v5 =	vand.u32 $0x1FF, v55;
	_ =	sdelay $0x4  }
0x6c: {  	[tilespmem:v5+s13+$0x0] =	vst.idx.msk vm0, v4  }
0x6d: {  	v4 =	vld [tilespmem:s19+$0x0];
	_ =	sdelay $0x4  }
0x6e: {  	s29 =	sadd.s32 $0xFFFFFFD0, s18;
	v4 =	vshll.u32 v4, $0xD  }
0x6f: {  	v4 =	vadd.s32 s29, v4  }
0x70: {  	v4 =	vadd.s32 v0, v4  }
0x71: {  	(xrf1) =	vsort.ascd.msk.u32 $0xffff, v4, v4;
	_ =	sdelay $0xd  }
0x72: {  	v4, _, _ =	vpop (xrf1)  }
0x73: {  	[tilespmem:$0x4200] =	vst v4  }
0x74: {  	v5 =	vld.idx.msk [tilespmem:v3+s12+$0x0], $0xffff;
	_ =	sdelay $0x2  }
0x75: {  	v56 =	vand.u32 $0x1FFF, v4;
	_ =	sdelay $0x1  }
0x76: {  	v57 =	vshra.s32 v4, $0xD;
	v4 =	vshra.s32 v4, $0x16;
	v5 =	vshra.s32 v5, $0xD  }
0x77: {  	vm9 =	veq.s32 v4, v1;
	vm8 =	vne.s32 v57, v5  }
0x78: {  	vm0 =	vmand vm8, vm9  }
0x79: {  	v4 =	vld.idx.msk [tilespmem:v56+s11+$0x0], $0xffff;
	v5 =	vand.u32 $0x1FF, v57;
	_ =	sdelay $0x4  }
0x7a: {  	[tilespmem:v5+s13+$0x0] =	vst.idx.msk vm0, v4  }
0x7b: {  	v4 =	vld [tilespmem:s19+$0x10];
	_ =	sdelay $0x4  }
0x7c: {  	s30 =	sadd.s32 $0xFFFFFFE0, s18;
	v4 =	vshll.u32 v4, $0xD  }
0x7d: {  	v4 =	vadd.s32 s30, v4  }
0x7e: {  	v4 =	vadd.s32 v0, v4  }
0x7f: {  	(xrf1) =	vsort.ascd.msk.u32 $0xffff, v4, v4;
	_ =	sdelay $0xd  }
0x80: {  	v4, _, _ =	vpop (xrf1)  }
0x81: {  	[tilespmem:$0x4200] =	vst v4  }
0x82: {  	v5 =	vld.idx.msk [tilespmem:v3+s12+$0x0], $0xffff;
	_ =	sdelay $0x2  }
0x83: {  	v58 =	vand.u32 $0x1FFF, v4;
	_ =	sdelay $0x1  }
0x84: {  	v59 =	vshra.s32 v4, $0xD;
	v4 =	vshra.s32 v4, $0x16;
	v5 =	vshra.s32 v5, $0xD  }
0x85: {  	vm11 =	veq.s32 v4, v1;
	vm10 =	vne.s32 v59, v5  }
0x86: {  	vm0 =	vmand vm10, vm11  }
0x87: {  	v4 =	vld.idx.msk [tilespmem:v58+s11+$0x0], $0xffff;
	v5 =	vand.u32 $0x1FF, v59;
	_ =	sdelay $0x4  }
0x88: {  	[tilespmem:v5+s13+$0x0] =	vst.idx.msk vm0, v4  }
0x89: {  	v4 =	vld [tilespmem:s19+$0x20];
	_ =	sdelay $0x4  }
0x8a: {  	s31 =	sadd.s32 $0xFFFFFFF0, s18;
	v4 =	vshll.u32 v4, $0xD  }
0x8b: {  	v4 =	vadd.s32 s31, v4  }
0x8c: {  	v4 =	vadd.s32 v0, v4  }
0x8d: {  	(xrf1) =	vsort.ascd.msk.u32 $0xffff, v4, v4;
	_ =	sdelay $0xd  }
0x8e: {  	v4, _, _ =	vpop (xrf1)  }
0x8f: {  	[tilespmem:$0x4200] =	vst v4  }
0x90: {  	v5 =	vld.idx.msk [tilespmem:v3+s12+$0x0], $0xffff;
	_ =	sdelay $0x2  }
0x91: {  	v60 =	vand.u32 $0x1FFF, v4;
	_ =	sdelay $0x1  }
0x92: {  	v61 =	vshra.s32 v4, $0xD;
	v4 =	vshra.s32 v4, $0x16;
	v5 =	vshra.s32 v5, $0xD  }
0x93: {  	vm13 =	veq.s32 v4, v1;
	vm12 =	vne.s32 v61, v5  }
0x94: {  	vm0 =	vmand vm12, vm13  }
0x95: {  	v4 =	vld.idx.msk [tilespmem:v60+s11+$0x0], $0xffff;
	v5 =	vand.u32 $0x1FF, v61;
	_ =	sdelay $0x4  }
0x96: {  	[tilespmem:v5+s13+$0x0] =	vst.idx.msk vm0, v4  }
0x97: {  	v4 =	vld [tilespmem:s19+$0x30];
	_ =	sdelay $0x4  }
0x98: {  	v4 =	vshll.u32 v4, $0xD  }
0x99: {  	v4 =	vadd.s32 s18, v4  }
0x9a: {  	v4 =	vadd.s32 v0, v4  }
0x9b: {  	(xrf1) =	vsort.ascd.msk.u32 $0xffff, v4, v4;
	_ =	sdelay $0xd  }
0x9c: {  	v4, _, _ =	vpop (xrf1)  }
0x9d: {  	[tilespmem:$0x4200] =	vst v4  }
0x9e: {  	v5 =	vld.idx.msk [tilespmem:v3+s12+$0x0], $0xffff;
	_ =	sdelay $0x2  }
0x9f: {  	v62 =	vand.u32 $0x1FFF, v4;
	_ =	sdelay $0x1  }
0xa0: {  	v63 =	vshra.s32 v4, $0xD;
	v4 =	vshra.s32 v4, $0x16;
	v5 =	vshra.s32 v5, $0xD  }
0xa1: {  	vm15 =	veq.s32 v4, v1;
	vm14 =	vne.s32 v63, v5  }
0xa2: {  	vm0 =	vmand vm14, vm15  }
0xa3: {  	p0 =	sne.s32 s18, $0x1FF0;
	v4 =	vld.idx.msk [tilespmem:v62+s11+$0x0], $0xffff;
	v5 =	vand.u32 $0x1FF, v63  }
.Ltmp0:
0xa4: {  	_ = 	snop;
	(pc) =	sbr.rel @p0 .LBB2_2-.Ltmp0, $2  }
0xa5: {  	_ =	sdelay $0x2  }
0xa6: {  	s19 =	sadd.s32 $0x80, s19;
	s18 =	sadd.s32 $0x80, s18;
	[tilespmem:v5+s13+$0x0] =	vst.idx.msk vm0, v4  }
0xa7: {  	[hbm4b:s5+s4] =	stream.linear.scatter [tilespmem:s13], [sflag:$0x1], $0x80, $0x38;
	[tilespmem:$0x4220] =	vst v63  }
0xa8: {  	_ =	swait.ge [sflag:s10], $0x80  }
0xa9: {  	[sflag:s10] =	ssyncset.done $0x0  }
0xaa: {  	[sflag:s10] =	ssyncadd.s32 $0xFFFFFF80  }
0xab: {  	[hbm4b:s6+s4] =	stream.linear.scatter [tilespmem:s14], [sflag:$0x1], $0x80, $0x38;
	[tilespmem:$0x4220] =	vst v63  }
0xac: {  	_ =	swait.ge [sflag:s10], $0x80  }
0xad: {  	[sflag:s10] =	ssyncset.done $0x0  }
0xae: {  	[sflag:s10] =	ssyncadd.s32 $0xFFFFFF80  }
0xaf: {  	[hbm4b:s7+s4] =	stream.linear.scatter [tilespmem:s15], [sflag:$0x1], $0x80, $0x38;
	[tilespmem:$0x4220] =	vst v63  }
0xb0: {  	s17 =	sadd.s32 $0x1, s17;
	_ =	swait.ge [sflag:s10], $0x80  }
0xb1: {  	p0 =	sne.s32 s17, s9;
	[sflag:s10] =	ssyncset.done $0x0  }
.Ltmp1:
0xb2: {  	[sflag:s10] =	ssyncadd.s32 $0xFFFFFF80;
	(pc) =	sbr.rel @p0 .LBB2_1-.Ltmp1, $4  }
0xb3: {  	[hbm4b:s8+s4] =	stream.linear.scatter [tilespmem:s16], [sflag:$0x1], $0x80, $0x38;
	[tilespmem:$0x4220] =	vst v63  }
0xb4: {  	_ =	swait.ge [sflag:s10], $0x80  }
0xb5: {  	[sflag:s10] =	ssyncset.done $0x0  }
0xb6: {  	[sflag:s10] =	ssyncadd.s32 $0xFFFFFF80  }
0xb7: {  	_ =	sfence.sel $0x180000  }
0xb8: {  	[bflag:$0x0] =	sbarrier.arrive $0xFFFF  }
0xb9: {  	p0 =	sne.s32 s3, $0x0;
	_ =	strace $0x90000047  }
0xba: {  	s0 =	sadd.s32 @!p0 $0x100000, s0;
	[bflag:$0x2] =	sbarrier.arrive $0xFFFF  }
0xbb: {  	[sflag:s0] =	ssyncadd.tile.s32 @!p0 $0x1;
	_ =	shalt  }
.Lfunc_end2:
_tile_overlayer_lowered:
.L_overlay_start_2:
0xbc: {  	(tag) =	ssettag $0x2  }
0xbd: {  	s0 =	rddreg [dreg:$0x0];
	s2 =	stileid.u32  }
0xbe: {  	s1 =	rddreg [dreg:$0x1];
	p0 =	sne.s32 s2, $0x0  }
0xbf: {  	s3 =	rddreg [dreg:$0x2];
	[bflag:$0x3] =	sbarrier.arrive $0xFFFF;
	s2 =	simm.s32 @!p0 $0x1C01  }
0xc0: {  	[timem:s3], [sflag:s2] =	dma.local @!p0 [hbm:s0], s1  }
0xc1: {  	s0 =	simm.s32 @!p0 $0x1  }
0xc2: {  	_ =	swait.ge @!p0 [sflag:s0], s1  }
0xc3: {  	s1 =	ssub.s32 @!p0 $0x0, s1;
	[sflag:s0] =	ssyncset.done @!p0 $0x0  }
0xc4: {  	[sflag:s0] =	ssyncadd.s32 @!p0 s1  }
0xc5: {  	[bflag:$0x3] =	sbarrier.arrive $0xFFFF  }
0xc6: {  	_ =	shalt  }

// kernel: kernel.9.cloned.1.call-start
scs
__scs_entry_jumppad:
0x0: {  	(pc) =	sbr.rel $0x88, $3  }
0x1: {  	(tag) =	ssettag $0x0;
	lr =	simm.s32 $0x1  }
0x2: {  	[smem:$0x3F9A] =	sst lr;
	_ =	strace $0xD0000000  }
0x3: {  	_ = 	snop  }
0x4: {  	_ = 	snop  }
0x5: {  	_ = 	snop  }
0x6: {  	_ = 	snop  }
0x7: {  	_ = 	snop  }
__scs_overlays_trampoline_lowered:
0x8: {  	[smem:$0x3FA9] =	sst s0  }
0x9: {  	[smem:$0x3FAA] =	sst s1  }
0xa: {  	[smem:$0x3FAB] =	sst s2  }
0xb: {  	[smem:$0x3FAC] =	sst s3  }
0xc: {  	[smem:$0x3FAD] =	sst s4  }
0xd: {  	[smem:$0x3FAE] =	sst s5  }
0xe: {  	[smem:$0x3FAF] =	sst s6  }
0xf: {  	[smem:$0x3FB0] =	sst s7  }
0x10: {  	[smem:$0x3FB1] =	sst s8  }
0x11: {  	[smem:$0x3FB2] =	sst s9;
	s0 =	simm.s32 @!p0 $0x0  }
0x12: {  	s1 =	sld [smem:$0x3F98];
	s0 =	simm.s32 @p0 $0x1  }
0x13: {  	[smem:$0x3FB3] =	sst s0;
	s0 =	simm.s32 @!p1 $0x0  }
0x14: {  	s2 =	sld [smem:$0x3F97];
	s0 =	simm.s32 @p1 $0x1  }
0x15: {  	[smem:$0x3FB4] =	sst s0;
	s0 =	simm.s32 @!p2 $0x0  }
0x16: {  	s3 =	sld [smem:$0x3FDB];
	s0 =	simm.s32 @p2 $0x1  }
0x17: {  	s4 =	simm.s32 $0x1BF5;
	[smem:$0x3FB6] =	sst s0  }
0x18: {  	s0 =	sld [smem:$0x3F99];
	_ =	swait.ge [sflag:s4], $0x0  }
0x19: {  	s7 =	sld [smem:$0x3F9A]  }
0x1a: {  	s8 =	sadd.s32 $0xFFFFE003, lr  }
0x1b: {  	s9 =	sadd.s32 $0xFFFFFEF7, lr;
	s5 =	simm.s32 $0xFFFFFFFF;
	p2 =	slt.u32 s8, $0xFFFFF086  }
0x1c: {  	p1 =	slt.u32 s9, $0xF7A;
	s5 =	simm.s32 @!p2 $0x0  }
0x1d: {  	s5 =	simm.s32 @p1 $0x1;
	p0 =	seq.s32 s7, s2  }
0x1e: {  	s7 =	smul.u32 @!p0 $0xF7A, s2;
	p2 =	seq.s32 @!p0 s5, $0x0  }
0x1f: {  	s9 =	smul.u32 $0xF7A, s1;
	s8 =	simm.s32 @!p0 $0x1BF5;
	p2 =	por !p2, p0  }
0x20: {  	[sflag:s8] =	ssyncset.s32 @!p0 $0xFFFFF086;
	s6 =	sadd.s32 @!p0 s3, s7;
	s7 =	simm.s32 @!p0 $0x108  }
0x21: {  	s3 =	sadd.s32 s3, s9;
	s6 =	sadd.s32 @!p0 $0x88, s6;
	s7 =	simm.s32 @p2 $0x1082  }
0x22: {  	[simem:s7], [sflag:s8] =	dma.local @!p0 [hbm:s6], $0xF7A  }
0x23: {  	s9 =	sor.u32 $0xD0000000, s2;
	s6 =	simm.s32 $0x108;
	_ =	swait.ge @!p0 [sflag:s8], $0x0  }
0x24: {  	s3 =	sadd.s32 $0x88, s3;
	s6 =	simm.s32 @!p1 $0x1082;
	[sflag:s4] =	ssyncset.s32 $0xFFFFF086  }
0x25: {  	[simem:s6], [sflag:s4] =	dma.local [hbm:s3], $0xF7A  }
0x26: {  	[smem:$0x3F9A] =	sst s1;
	(tag) =	ssettag s2;
	_ =	strace s9  }
0x27: {  	s1 =	sld [smem:$0x3FAA]  }
0x28: {  	s2 =	sld [smem:$0x3FAB]  }
0x29: {  	s4 =	sld [smem:$0x3FAD]  }
0x2a: {  	p0 =	seq.s32 s5, $0x0;
	s5 =	sld [smem:$0x3FAE]  }
0x2b: {  	s6 =	sld [smem:$0x3FAF]  }
0x2c: {  	s7 =	sld [smem:$0x3FB0]  }
0x2d: {  	s3 =	simm.s32 $0x108;
	s8 =	sld [smem:$0x3FB1]  }
0x2e: {  	s3 =	simm.s32 @!p0 $0x1082;
	s9 =	sld [smem:$0x3FB2]  }
0x2f: {  	lr =	sadd.s32 s0, s3;
	s0 =	sld [smem:$0x3FA9]  }
0x30: {  	s3 =	sld [smem:$0x3FAC]  }
0x31: {  	[smem:$0x3FB5] =	sst s10  }
0x32: {  	s10 =	sld [smem:$0x3FB3];
	_ =	sdelay $0x3  }
0x33: {  	p0 =	seq.s32 s10, $0x1;
	s10 =	sld [smem:$0x3FB5];
	_ =	sdelay $0x3  }
0x34: {  	[smem:$0x3FB5] =	sst s10  }
0x35: {  	s10 =	sld [smem:$0x3FB4];
	_ =	sdelay $0x3  }
0x36: {  	p1 =	seq.s32 s10, $0x1;
	s10 =	sld [smem:$0x3FB5];
	_ =	sdelay $0x3  }
0x37: {  	[smem:$0x3FB5] =	sst s10  }
0x38: {  	s10 =	sld [smem:$0x3FB6]  }
0x39: {  	_ = 	snop;
	(pc) =	sbr.ind lr, $3  }
0x3a: {  	_ = 	snop  }
0x3b: {  	_ = 	snop  }
0x3c: {  	p2 =	seq.s32 s10, $0x1;
	s10 =	sld [smem:$0x3FB5]  }
0x3d: {  	_ =	shalt  }
0x3e: {  	_ =	shalt  }
0x3f: {  	_ =	shalt  }
0x40: {  	_ =	shalt  }
0x41: {  	_ =	shalt  }
0x42: {  	_ =	shalt  }
0x43: {  	_ =	shalt  }
0x44: {  	_ =	shalt  }
0x45: {  	_ =	shalt  }
0x46: {  	_ =	shalt  }
0x47: {  	_ =	shalt  }
0x48: {  	_ =	shalt  }
0x49: {  	_ =	shalt  }
0x4a: {  	_ =	shalt  }
0x4b: {  	_ =	shalt  }
0x4c: {  	_ =	shalt  }
0x4d: {  	_ =	shalt  }
0x4e: {  	_ =	shalt  }
0x4f: {  	_ =	shalt  }
0x50: {  	_ =	shalt  }
0x51: {  	_ =	shalt  }
0x52: {  	_ =	shalt  }
0x53: {  	_ =	shalt  }
0x54: {  	_ =	shalt  }
0x55: {  	_ =	shalt  }
0x56: {  	_ =	shalt  }
0x57: {  	_ =	shalt  }
0x58: {  	_ =	shalt  }
0x59: {  	_ =	shalt  }
0x5a: {  	_ =	shalt  }
0x5b: {  	_ =	shalt  }
0x5c: {  	_ =	shalt  }
0x5d: {  	_ =	shalt  }
0x5e: {  	_ =	shalt  }
0x5f: {  	_ =	shalt  }
0x60: {  	_ =	shalt  }
0x61: {  	_ =	shalt  }
0x62: {  	_ =	shalt  }
0x63: {  	_ =	shalt  }
0x64: {  	_ =	shalt  }
0x65: {  	_ =	shalt  }
0x66: {  	_ =	shalt  }
0x67: {  	_ =	shalt  }
0x68: {  	_ =	shalt  }
0x69: {  	_ =	shalt  }
0x6a: {  	_ =	shalt  }
0x6b: {  	_ =	shalt  }
0x6c: {  	_ =	shalt  }
0x6d: {  	_ =	shalt  }
0x6e: {  	_ =	shalt  }
0x6f: {  	_ =	shalt  }
0x70: {  	_ =	shalt  }
0x71: {  	_ =	shalt  }
0x72: {  	_ =	shalt  }
0x73: {  	_ =	shalt  }
0x74: {  	_ =	shalt  }
0x75: {  	_ =	shalt  }
0x76: {  	_ =	shalt  }
0x77: {  	_ =	shalt  }
0x78: {  	_ =	shalt  }
0x79: {  	_ =	shalt  }
0x7a: {  	_ =	shalt  }
0x7b: {  	_ =	shalt  }
0x7c: {  	_ =	shalt  }
0x7d: {  	_ =	shalt  }
0x7e: {  	_ =	shalt  }
0x7f: {  	_ =	shalt  }
0x80: {  	_ =	shalt  }
0x81: {  	_ =	shalt  }
0x82: {  	_ =	shalt  }
0x83: {  	_ =	shalt  }
0x84: {  	_ =	shalt  }
0x85: {  	_ =	shalt  }
0x86: {  	_ =	shalt  }
0x87: {  	_ =	shalt  }
.Lfunc_end0:
.L_simem_size_0:
called_computation.1_lowered:
.L_overlay_start_0:
0x88: {  	s2 =	sld [smem:$0x3FD9]  }
0x89: {  	s3 =	sld [smem:$0x3FFE];
	_ =	sdelay $0x1  }
0x8a: {  	s1 =	srdreg.scid  }
0x8b: {  	s0 =	sand.u32 $0x1, s1  }
0x8c: {  	s17 =	sshll.u32 s0, $0xA;
	s2 =	sadd.s32 s3, s2  }
0x8d: {  	s2 =	sadd.s32 s2, s17  }
0x8e: {  	[smem:$0x3FC1] =	sst s2  }
0x8f: {  	_ = 	snop  }
0x90: {  	s18 =	sld [smem:$0x3FC9];
	(tm) =	ssettm $0x1  }
0x91: {  	s19 =	sld [smem:$0x3FFB];
	_ =	sdelay $0x3  }
0x92: {  	_ =	strace s19  }
0x93: {  	s2 =	sld [smem:$0x3FFC];
	_ =	sdelay $0x3  }
0x94: {  	_ =	strace s2  }
0x95: {  	s2 =	sld [smem:$0x3FFD];
	_ =	sdelay $0x3  }
0x96: {  	_ =	strace s2  }
0x97: {  	_ =	strace $0x8FFFFFFF  }
0x98: {  	s20 =	sld [smem:$0x3FDB];
	_ =	sdelay $0x1  }
0x99: {  	s4 =	simm.s32 $_scs_section_size  }
0x9a: {  	s5 =	simm.s32 $_size__tile_overlayer_lowered;
	s6 =	simm.s32 $_tile_overlayer_lowered  }
0x9b: {  	s7 =	simm.s32 $0x1BFF;
	s21 =	sshll.u32 s6, $0x1;
	s4 =	sadd.s32 s4, s20  }
0x9c: {  	s22 =	simm.s32 $0x0;
	s5 =	sshll.u32 s5, $0x1;
	s6 =	sadd.s32 s21, s4  }
0x9d: {  	[timem:s22], [sflag:s7] =	dma.local [hbm:s6], s5  }
0x9e: {  	_ =	swait.ge [sflag:s7], s5  }
0x9f: {  	s5 =	ssub.s32 $0x0, s5;
	[sflag:s7] =	ssyncset.done $0x0  }
0xa0: {  	[sflag:s7] =	ssyncadd.s32 s5;
	_ =	sdelay $0x1  }
0xa1: {  	s23 =	simm.s32 $0x1B8B  }
0xa2: {  	_ =	swait.ge [sflag:s23], $0x1  }
0xa3: {  	[sflag:s23] =	ssyncset.done $0x0  }
0xa4: {  	[sflag:s23] =	ssyncadd.s32 $0xFFFFFFFF  }
0xa5: {  	s5 =	sld [smem:$0x0]  }
0xa6: {  	s6 =	sand.u32 $0xFFFFFFFE, s1  }
0xa7: {  	p0 =	sne.s32 s1, s6  }
0xa8: {  	s6 =	sshll.u32 @p0 s6, $0xE  }
0xa9: {  	s6 =	sadd.s32 @p0 $0x11B8D, s6;
	s7 =	sshll.u32 @p0 s5, $0x11  }
0xaa: {  	s6 =	sor.u32 @p0 s7, s6  }
0xab: {  	[sflag:s6] =	ssyncadd.remote.s32 @p0 $0x1;
	_ =	sdelay $0x1  }
0xac: {  	s6 =	simm.s32 @p0 $0x1B8D  }
0xad: {  	_ =	swait.eq @p0 [sflag:s6], $0x1  }
0xae: {  	[sflag:s6] =	ssyncadd.s32 @p0 $0xFFFFFFFF  }
0xaf: {  	s7 =	sshll.u32 @!p0 s1, $0xE  }
0xb0: {  	s7 =	sor.u32 @!p0 $0x4000, s7;
	s6 =	simm.s32 @!p0 $0x1B8D  }
0xb1: {  	s5 =	sshll.u32 @!p0 s5, $0x11;
	s7 =	sadd.s32 @!p0 $0x11B8D, s7;
	_ =	swait.eq @!p0 [sflag:s6], $0x1  }
0xb2: {  	s5 =	sor.u32 @!p0 s5, s7;
	[sflag:s6] =	ssyncadd.s32 @!p0 $0xFFFFFFFF  }
0xb3: {  	s25 =	simm.s32 $0x1B8E;
	s24 =	sld [smem:$0x3FFE];
	[sflag:s5] =	ssyncadd.remote.s32 @!p0 $0x1  }
0xb4: {  	s26 =	simm.s32 $execute0_lowered;
	[smem:$0x3FD2] =	sst s25  }
0xb5: {  	s6 =	sshll.u32 s26, $0x1;
	_ =	strace $0x80000049;
	[dreg:$0x1] =	wrdreg $0xFFFFFFFF  }
0xb6: {  	s28 =	simm.s32 $_size_execute0_lowered;
	s4 =	sadd.s32 s4, s6;
	[dreg:$0x0] =	wrdreg $0x0  }
0xb7: {  	s6 =	sshll.u32 s28, $0x1;
	[dreg:$0x2] =	wrdreg s4  }
0xb8: {  	[dreg:$0x3] =	wrdreg s6  }
0xb9: {  	[dreg:$0x4] =	wrdreg $0xC0  }
0xba: {  	_ =	task [dreg:s22], $0x5FFFF  }
0xbb: {  	[dreg:$0x1] =	wrdreg $0xFFFFFFFF  }
0xbc: {  	[dreg:$0x0] =	wrdreg $0x60  }
0xbd: {  	[dreg:$0x2] =	wrdreg s18  }
0xbe: {  	[dreg:$0x3] =	wrdreg s24  }
0xbf: {  	[dreg:$0x4] =	wrdreg $0x9  }
0xc0: {  	_ =	task.clear_ibuf [dreg:s22], $0x5FFFF;
	_ =	strace $0x90000049  }
0xc1: {  	s29 =	simm.s32 $0x9;
	_ =	strace $0x8000004B  }
0xc2: {  	_ =	swait.ge [sflag:s29], $0x1  }
0xc3: {  	[sflag:s29] =	ssyncadd.s32 $0xFFFFFFFF  }
0xc4: {  	_ =	strace $0x9000004B  }
0xc5: {  	_ =	sfence  }
0xc6: {  	s30 =	sld [smem:$0x0];
	_ =	sdelay $0x2  }
0xc7: {  	s31 =	sshll.u32 s1, $0xD;
	s1 =	sshrl.u32 s1, $0x2  }
0xc8: {  	s4 =	sand.u32 $0x4000, s31;
	s1 =	sadd.s32 s1, s30  }
0xc9: {  	s0 =	sor.u32 s4, s0;
	s1 =	sshll.u32 s1, $0x11  }
0xca: {  	s0 =	sor.u32 s1, s0  }
0xcb: {  	s0 =	sadd.s32 $0x8F2B, s0  }
0xcc: {  	[sflag:s0] =	ssyncadd.remote.s32 $0x1  }
0xcd: {  	_ =	sfence.sel $0xFFFF  }
0xce: {  	[dreg:$0x0] =	wrdreg $0xFFFFFFFF;
	(pc) =	sbr.abs _section_cstart, $3  }
0xcf: {  	[dreg:$0x1] =	wrdreg $0xFFFFFFFF  }
0xd0: {  	_ =	task.clear_ibuf [dreg:s22], $0x2FFFF;
	_ =	strace $0x9FFFFFFF  }
0xd1: {  	(tm) =	ssettm $0x7FFFFFFF  }
tec
execute0_lowered:
.L_overlay_start_1:
0x0: {  	(tag) =	ssettag $0x1  }
0x1: {  	s4 =	rddreg [dreg:$0x0]  }
0x2: {  	s5 =	rddreg [dreg:$0x1]  }
0x3: {  	s0 =	rddreg [dreg:$0x2];
	s2 =	simm.s32 $0x0;
	s3 =	srdreg.scid  }
0x4: {  	s1 =	stileid.u32;
	s10 =	simm.s32 $0x0;
	s6 =	sand.u32 $0x1, s3  }
0x5: {  	[smem:$0x7FF] =	sst s2;
	s8 =	sshll.u32 s1, $0x9;
	s7 =	sshll.u32 s6, $0xD  }
0x6: {  	s3 =	sadd.s32 $0x1800, s5;
	s6 =	ssub.s32 $0x2, s6;
	s7 =	sor.u32 s8, s7  }
0x7: {  	_ =	strace $0x8000004A;
	s9 =	sshrl.u32 s6, $0x1;
	s8 =	sshll.u32 s7, $0x4  }
0x8: {  	s7 =	sshrl.u32 s7, $0x3;
	s6 =	ssub.s32 s6, s9;
	s9 =	simm.s32 $0x200  }
0x9: {  	s5 =	sadd.s32 s8, s5;
	s4 =	sadd.s32 s4, s7;
	s6 =	smax.u32 s6, $0x1  }
0xa: {  	s7 =	simm.s32 $0x2;
	s8 =	simm.s32 $0x1;
	s5 =	sadd.s32 $0xF43C00, s5  }
.LBB2_1:
0xb: {  	[tilespmem:s2], [sflag:$0x2] =	stream.linear.gather [hbm4b:s4+s2], $0x200, $0x38;
	[tilespmem:$0x10200] =	vst v63  }
0xc: {  	_ =	swait.ge [sflag:s7], $0x200  }
0xd: {  	[sflag:s7] =	ssyncset.done $0x0  }
0xe: {  	[sflag:s7] =	ssyncadd.s32 $0xFFFFFE00  }
0xf: {  	v0 =	vld [tilespmem:s2+$0x0];
	_ =	sdelay $0x4  }
0x10: {  	v0 =	vshll.u32 v0, $0x4  }
0x11: {  	(v2sf) =	vpush v0, $0x0  }
0x12: {  	(v2sf) =	vpush v0, $0x1  }
0x13: {  	(v2sf) =	vpush v0, $0x2;
	_ =	sdelay $0x1  }
0x14: {  	(v2sf) =	vpush v0, $0x4;
	_ =	sdelay $0x1  }
0x15: {  	(v2sf) =	vpush v0, $0x3  }
0x16: {  	(v2sf) =	vpush v0, $0x5  }
0x17: {  	s12 =	simm.s32 $0x2000;
	s11 =	simm.s32 $0x0;
	s13 =	simm.s32 $0x0;
	(v2sf) =	vpush v0, $0x6  }
.LBB2_2:
0x18: {  	p0 =	sne.s32 s12, $0x3E000  }
0x19: {  	s23 =	sadd.s32 $0x280, s11;
	s17 =	sadd.s32 $0x780, s11;
	s14 =	smov.u32 s12  }
0x1a: {  	s12 =	sadd.s32 $0x2000, s12;
	s20 =	sadd.s32 $0x580, s11;
	s15 =	sadd.s32 $0x800, s11;
	(v2sf) =	vpush v0, $0x7  }
0x1b: {  	s22 =	sadd.s32 $0x480, s11;
	s19 =	sadd.s32 $0x600, s11;
	s16 =	sadd.s32 $0x880, s11  }
0x1c: {  	s24 =	sadd.s32 $0x200, s11;
	s25 =	sadd.s32 $0x400, s11;
	(v2sf) =	vpush v0, $0x8  }
0x1d: {  	s26 =	sadd.s32 $0x500, s11;
	s13 =	sadd.s32 $0x10, s13  }
0x1e: {  	s28 =	sadd.s32 $0x300, s11;
	s18 =	sadd.s32 $0x700, s11;
	s21 =	spop (v2sf);
	(v2sf) =	vpush v0, $0x9  }
0x1f: {  	s29 =	sand.u32 $0x1FFFFFF0, s21;
	s21 =	sadd.s32 $0x680, s11;
	s30 =	spop (v2sf)  }
0x20: {  	s29 =	sadd.s32 s3, s29;
	s30 =	sand.u32 $0x1FFFFFF0, s30;
	s31 =	spop (v2sf);
	(v2sf) =	vpush v0, $0xA  }
0x21: {  	[tilespmem:s24], [sflag:$0x1] =	stream.linear.gather [hbm4b:s29+s2], $0x80, $0x38;
	[tilespmem:$0x10200] =	vst v63  }
0x22: {  	s24 =	sadd.s32 s3, s30;
	s29 =	sadd.s32 $0x380, s11;
	s30 =	spop (v2sf);
	(v2sf) =	vpush v0, $0xB  }
0x23: {  	[tilespmem:s23], [sflag:$0x1] =	stream.linear.gather [hbm4b:s24+s2], $0x80, $0x38;
	[tilespmem:$0x10200] =	vst v63  }
0x24: {  	s23 =	sand.u32 $0x1FFFFFF0, s31;
	s24 =	sand.u32 $0x1FFFFFF0, s30;
	s30 =	spop (v2sf);
	(v2sf) =	vpush v0, $0xC  }
0x25: {  	s23 =	sadd.s32 s3, s23;
	s30 =	sand.u32 $0x1FFFFFF0, s30;
	s31 =	spop (v2sf)  }
0x26: {  	[tilespmem:s28], [sflag:$0x1] =	stream.linear.gather [hbm4b:s23+s2], $0x80, $0x38;
	(v2sf) =	vpush v0, $0xD;
	[tilespmem:$0x10200] =	vst v63  }
0x27: {  	s23 =	sadd.s32 s3, s30;
	s28 =	sand.u32 $0x1FFFFFF0, s31;
	s30 =	spop (v2sf)  }
0x28: {  	[tilespmem:s29], [sflag:$0x1] =	stream.linear.gather [hbm4b:s23+s2], $0x80, $0x38;
	(v2sf) =	vpush v0, $0xE;
	[tilespmem:$0x10200] =	vst v63  }
0x29: {  	s23 =	sadd.s32 s3, s24;
	s24 =	sand.u32 $0x1FFFFFF0, s30;
	s29 =	spop (v2sf)  }
0x2a: {  	[tilespmem:s25], [sflag:$0x1] =	stream.linear.gather [hbm4b:s23+s2], $0x80, $0x38;
	(v2sf) =	vpush v0, $0xF;
	[tilespmem:$0x10200] =	vst v63  }
0x2b: {  	s23 =	sadd.s32 s3, s28;
	s25 =	sand.u32 $0x1FFFFFF0, s29;
	s28 =	spop (v2sf)  }
0x2c: {  	[tilespmem:s22], [sflag:$0x1] =	stream.linear.gather [hbm4b:s23+s2], $0x80, $0x38;
	[tilespmem:$0x10200] =	vst v63  }
0x2d: {  	s22 =	sadd.s32 s3, s24;
	s23 =	sand.u32 $0x1FFFFFF0, s28;
	s24 =	spop (v2sf)  }
0x2e: {  	[tilespmem:s26], [sflag:$0x1] =	stream.linear.gather [hbm4b:s22+s2], $0x80, $0x38;
	[tilespmem:$0x10200] =	vst v63  }
0x2f: {  	s22 =	sadd.s32 s3, s25;
	s24 =	sand.u32 $0x1FFFFFF0, s24;
	s25 =	spop (v2sf)  }
0x30: {  	[tilespmem:s20], [sflag:$0x1] =	stream.linear.gather [hbm4b:s22+s2], $0x80, $0x38;
	[tilespmem:$0x10200] =	vst v63  }
0x31: {  	s20 =	sadd.s32 s3, s23;
	s22 =	sand.u32 $0x1FFFFFF0, s25;
	s23 =	spop (v2sf)  }
0x32: {  	[tilespmem:s19], [sflag:$0x1] =	stream.linear.gather [hbm4b:s20+s2], $0x80, $0x38;
	[tilespmem:$0x10200] =	vst v63  }
0x33: {  	s19 =	sadd.s32 s3, s24;
	s20 =	sand.u32 $0x1FFFFFF0, s23;
	s23 =	spop (v2sf)  }
0x34: {  	[tilespmem:s21], [sflag:$0x1] =	stream.linear.gather [hbm4b:s19+s2], $0x80, $0x38;
	[tilespmem:$0x10200] =	vst v63  }
0x35: {  	s19 =	sadd.s32 s3, s22;
	s21 =	sand.u32 $0x1FFFFFF0, s23;
	s22 =	spop (v2sf)  }
0x36: {  	[tilespmem:s18], [sflag:$0x1] =	stream.linear.gather [hbm4b:s19+s2], $0x80, $0x38;
	[tilespmem:$0x10200] =	vst v63  }
0x37: {  	s18 =	sadd.s32 s3, s20;
	s19 =	sand.u32 $0x1FFFFFF0, s22;
	s20 =	spop (v2sf)  }
0x38: {  	[tilespmem:s17], [sflag:$0x1] =	stream.linear.gather [hbm4b:s18+s2], $0x80, $0x38;
	[tilespmem:$0x10200] =	vst v63  }
0x39: {  	s17 =	sadd.s32 s3, s21;
	s18 =	sand.u32 $0x1FFFFFF0, s20;
	s20 =	spop (v2sf)  }
0x3a: {  	[tilespmem:s15], [sflag:$0x1] =	stream.linear.gather [hbm4b:s17+s2], $0x80, $0x38;
	[tilespmem:$0x10200] =	vst v63  }
0x3b: {  	s15 =	sadd.s32 s3, s19;
	s17 =	sand.u32 $0x1FFFFFF0, s20  }
0x3c: {  	[tilespmem:s16], [sflag:$0x1] =	stream.linear.gather [hbm4b:s15+s2], $0x80, $0x38;
	[tilespmem:$0x10200] =	vst v63  }
0x3d: {  	s15 =	sadd.s32 $0x900, s11;
	s16 =	sadd.s32 s3, s18  }
0x3e: {  	[tilespmem:s15], [sflag:$0x1] =	stream.linear.gather [hbm4b:s16+s2], $0x80, $0x38;
	[tilespmem:$0x10200] =	vst v63  }
0x3f: {  	s11 =	sadd.s32 $0x980, s11;
	s15 =	sadd.s32 s3, s17  }
0x40: {  	[tilespmem:s11], [sflag:$0x1] =	stream.linear.gather [hbm4b:s15+s2], $0x80, $0x38;
	[tilespmem:$0x10200] =	vst v63  }
0x41: {  	v0 =	vld [tilespmem:s13+$0x0];
	_ =	sdelay $0x4  }
0x42: {  	v0 =	vshll.u32 v0, $0x4  }
0x43: {  	(v2sf) =	vpush v0, $0x0  }
0x44: {  	(v2sf) =	vpush v0, $0x1  }
0x45: {  	(v2sf) =	vpush v0, $0x2;
	_ =	sdelay $0x1  }
0x46: {  	(v2sf) =	vpush v0, $0x4  }
.Ltmp0:
0x47: {  	(pc) =	sbr.rel @p0 .LBB2_2-.Ltmp0, $3  }
0x48: {  	(v2sf) =	vpush v0, $0x3  }
0x49: {  	(v2sf) =	vpush v0, $0x5;
	_ =	sdelay $0x1  }
0x4a: {  	s11 =	sshra.s32 s14, $0x2;
	(v2sf) =	vpush v0, $0x6  }
0x4b: {  	_ =	sdelay $0x1  }
0x4c: {  	s15 =	sadd.s32 $0x280, s11;
	s14 =	sadd.s32 $0x780, s11  }
0x4d: {  	s16 =	sadd.s32 $0x580, s11;
	s12 =	sadd.s32 $0x800, s11;
	(v2sf) =	vpush v0, $0x7;
	s17 =	sadd.s32 $0x480, s11  }
0x4e: {  	s18 =	sadd.s32 $0x600, s11;
	s13 =	sadd.s32 $0x880, s11;
	s19 =	sadd.s32 $0x200, s11  }
0x4f: {  	s20 =	sadd.s32 $0x400, s11;
	s21 =	sadd.s32 $0x500, s11;
	(v2sf) =	vpush v0, $0x8;
	s22 =	spop (v2sf)  }
0x50: {  	s23 =	sadd.s32 $0x300, s11;
	s22 =	sand.u32 $0x1FFFFFF0, s22;
	s24 =	spop (v2sf)  }
0x51: {  	(v2sf) =	vpush v0, $0x9;
	s22 =	sadd.s32 s3, s22;
	s24 =	sand.u32 $0x1FFFFFF0, s24;
	s25 =	spop (v2sf)  }
0x52: {  	[tilespmem:s19], [sflag:$0x1] =	stream.linear.gather [hbm4b:s22+s2], $0x80, $0x38;
	[tilespmem:$0x10200] =	vst v63  }
0x53: {  	s26 =	sadd.s32 $0x380, s11;
	(v2sf) =	vpush v0, $0xA;
	s30 =	sadd.s32 s3, s24;
	s31 =	spop (v2sf)  }
0x54: {  	[tilespmem:s15], [sflag:$0x1] =	stream.linear.gather [hbm4b:s30+s2], $0x80, $0x38;
	[tilespmem:$0x10200] =	vst v63  }
0x55: {  	s19 =	sadd.s32 $0x700, s11;
	s28 =	sand.u32 $0x1FFFFFF0, s25;
	(v2sf) =	vpush v0, $0xB;
	s29 =	spop (v2sf)  }
0x56: {  	s22 =	sadd.s32 s3, s28;
	s15 =	sadd.s32 $0x680, s11;
	s25 =	sand.u32 $0x1FFFFFF0, s29  }
0x57: {  	(v2sf) =	vpush v0, $0xC;
	[tilespmem:s23], [sflag:$0x1] =	stream.linear.gather [hbm4b:s22+s2], $0x80, $0x38;
	[tilespmem:$0x10200] =	vst v63  }
0x58: {  	s30 =	sand.u32 $0x1FFFFFF0, s31;
	s31 =	spop (v2sf);
	s28 =	sadd.s32 s3, s25  }
0x59: {  	(v2sf) =	vpush v0, $0xD;
	[tilespmem:s26], [sflag:$0x1] =	stream.linear.gather [hbm4b:s28+s2], $0x80, $0x38;
	[tilespmem:$0x10200] =	vst v63  }
0x5a: {  	s22 =	sadd.s32 s3, s30;
	s23 =	sand.u32 $0x1FFFFFF0, s31;
	s29 =	spop (v2sf)  }
0x5b: {  	(v2sf) =	vpush v0, $0xE;
	[tilespmem:s20], [sflag:$0x1] =	stream.linear.gather [hbm4b:s22+s2], $0x80, $0x38;
	[tilespmem:$0x10200] =	vst v63  }
0x5c: {  	s23 =	sadd.s32 s3, s23;
	s30 =	sand.u32 $0x1FFFFFF0, s29;
	s31 =	spop (v2sf)  }
0x5d: {  	(v2sf) =	vpush v0, $0xF;
	[tilespmem:s17], [sflag:$0x1] =	stream.linear.gather [hbm4b:s23+s2], $0x80, $0x38;
	[tilespmem:$0x10200] =	vst v63  }
0x5e: {  	s24 =	sand.u32 $0x1FFFFFF0, s31;
	s25 =	spop (v2sf);
	s20 =	sadd.s32 s3, s30  }
0x5f: {  	[tilespmem:s21], [sflag:$0x1] =	stream.linear.gather [hbm4b:s20+s2], $0x80, $0x38;
	[tilespmem:$0x10200] =	vst v63  }
0x60: {  	s26 =	sand.u32 $0x1FFFFFF0, s25;
	s17 =	sadd.s32 s3, s24;
	s28 =	spop (v2sf)  }
0x61: {  	[tilespmem:s16], [sflag:$0x1] =	stream.linear.gather [hbm4b:s17+s2], $0x80, $0x38;
	[tilespmem:$0x10200] =	vst v63  }
0x62: {  	s20 =	sadd.s32 s3, s26;
	s29 =	sand.u32 $0x1FFFFFF0, s28;
	s30 =	spop (v2sf)  }
0x63: {  	[tilespmem:s18], [sflag:$0x1] =	stream.linear.gather [hbm4b:s20+s2], $0x80, $0x38;
	[tilespmem:$0x10200] =	vst v63  }
0x64: {  	s17 =	sand.u32 $0x1FFFFFF0, s30;
	s16 =	sadd.s32 s3, s29;
	s31 =	spop (v2sf)  }
0x65: {  	[tilespmem:s15], [sflag:$0x1] =	stream.linear.gather [hbm4b:s16+s2], $0x80, $0x38;
	[tilespmem:$0x10200] =	vst v63  }
0x66: {  	s17 =	sadd.s32 s3, s17;
	s20 =	sand.u32 $0x1FFFFFF0, s31;
	s21 =	spop (v2sf)  }
0x67: {  	[tilespmem:s19], [sflag:$0x1] =	stream.linear.gather [hbm4b:s17+s2], $0x80, $0x38;
	[tilespmem:$0x10200] =	vst v63  }
0x68: {  	s15 =	sadd.s32 s3, s20;
	s16 =	sand.u32 $0x1FFFFFF0, s21;
	s22 =	spop (v2sf)  }
0x69: {  	[tilespmem:s14], [sflag:$0x1] =	stream.linear.gather [hbm4b:s15+s2], $0x80, $0x38;
	[tilespmem:$0x10200] =	vst v63  }
0x6a: {  	s23 =	sand.u32 $0x1FFFFFF0, s22;
	s16 =	sadd.s32 s3, s16;
	s24 =	spop (v2sf)  }
0x6b: {  	[tilespmem:s12], [sflag:$0x1] =	stream.linear.gather [hbm4b:s16+s2], $0x80, $0x38;
	[tilespmem:$0x10200] =	vst v63  }
0x6c: {  	s25 =	sand.u32 $0x1FFFFFF0, s24;
	s26 =	spop (v2sf);
	s14 =	sadd.s32 s3, s23  }
0x6d: {  	[tilespmem:s13], [sflag:$0x1] =	stream.linear.gather [hbm4b:s14+s2], $0x80, $0x38;
	[tilespmem:$0x10200] =	vst v63  }
0x6e: {  	s29 =	sadd.s32 $0x900, s11;
	s28 =	sand.u32 $0x1FFFFFF0, s26;
	s12 =	sadd.s32 s3, s25  }
0x6f: {  	[tilespmem:s29], [sflag:$0x1] =	stream.linear.gather [hbm4b:s12+s2], $0x80, $0x38;
	[tilespmem:$0x10200] =	vst v63  }
0x70: {  	s30 =	sadd.s32 $0x980, s11;
	s31 =	sadd.s32 s3, s28  }
0x71: {  	[tilespmem:s30], [sflag:$0x1] =	stream.linear.gather [hbm4b:s31+s2], $0x80, $0x38;
	[tilespmem:$0x10200] =	vst v63  }
0x72: {  	s10 =	sadd.s32 $0x1, s10;
	_ =	swait.ge [sflag:s8], $0x10000  }
0x73: {  	p0 =	sne.s32 s10, s6;
	[sflag:s8] =	ssyncset.done $0x0  }
.Ltmp1:
0x74: {  	[sflag:s8] =	ssyncadd.s32 $0xFFFF0000;
	(pc) =	sbr.rel @p0 .LBB2_1-.Ltmp1, $4  }
0x75: {  	[hbm4b:s5+s2] =	stream.linear.scatter [tilespmem:s9], [sflag:$0x2], $0x10000, $0x38;
	[tilespmem:$0x10200] =	vst v63  }
0x76: {  	_ =	swait.ge [sflag:s7], $0x10000  }
0x77: {  	[sflag:s7] =	ssyncset.done $0x0  }
0x78: {  	[sflag:s7] =	ssyncadd.s32 $0xFFFF0000  }
0x79: {  	_ =	sfence.sel $0x180000  }
0x7a: {  	[bflag:$0x0] =	sbarrier.arrive $0xFFFF  }
0x7b: {  	p0 =	sne.s32 s1, $0x0;
	_ =	strace $0x9000004A  }
0x7c: {  	s0 =	sadd.s32 @!p0 $0x100000, s0;
	[bflag:$0x2] =	sbarrier.arrive $0xFFFF  }
0x7d: {  	[sflag:s0] =	ssyncadd.tile.s32 @!p0 $0x1;
	_ =	shalt  }
.Lfunc_end2:
_tile_overlayer_lowered:
.L_overlay_start_2:
0x7e: {  	(tag) =	ssettag $0x2  }
0x7f: {  	s0 =	rddreg [dreg:$0x0];
	s2 =	stileid.u32  }
0x80: {  	s1 =	rddreg [dreg:$0x1];
	p0 =	sne.s32 s2, $0x0  }
0x81: {  	s3 =	rddreg [dreg:$0x2];
	[bflag:$0x3] =	sbarrier.arrive $0xFFFF;
	s2 =	simm.s32 @!p0 $0x1C02  }
0x82: {  	[timem:s3], [sflag:s2] =	dma.local @!p0 [hbm:s0], s1  }
0x83: {  	s0 =	simm.s32 @!p0 $0x2  }
0x84: {  	_ =	swait.ge @!p0 [sflag:s0], s1  }
0x85: {  	s1 =	ssub.s32 @!p0 $0x0, s1;
	[sflag:s0] =	ssyncset.done @!p0 $0x0  }
0x86: {  	[sflag:s0] =	ssyncadd.s32 @!p0 s1  }
0x87: {  	[bflag:$0x3] =	sbarrier.arrive $0xFFFF  }
0x88: {  	_ =	shalt  }

</sc_bundles>
